<compile_context>
chip_gen: v7x
topology: tpu7x:2x2x1
jax: 0.10.2.dev20260603
libtpu: 0.0.44.dev20260713+nightly
codegen_flags: <defaults>
</compile_context>

<pallas_src>
import functools

import jax
import jax.numpy as jnp
from jax import lax
from jax.experimental import pallas as pl
from jax.experimental.pallas import tpu as pltpu
from jax.experimental.pallas import tpu_sc as plsc

KNB = 20
R = 256
EPS = 1e-5


def _lrelu(y):
    return jnp.where(y > 0, y, 0.2 * y)


def _topk_desc(npd, k, n):
    iota = lax.broadcasted_iota(jnp.int32, (1, n), 1)
    cols = []
    for _ in range(k):
        m = jnp.max(npd, axis=1, keepdims=True)
        mi = jnp.where(npd == m, iota, n)
        sel = jnp.min(mi, axis=1, keepdims=True)
        cols.append(sel)
        npd = jnp.where(iota == sel, -jnp.inf, npd)
    return jnp.concatenate(cols, axis=1)


def _knn_xy_body(x0r, x0c, x2r, x2c, idx_o):
    b = pl.program_id(0)
    n = x0c.shape[2]
    npd = -(jnp.abs(x0r[0] - x0c[0]) + jnp.abs(x2r[0] - x2c[0]))
    idx_o[0] = _topk_desc(npd, KNB, n) + b * n


def _knn_l2_body(xr, xf, xxr, xxc, idx_o):
    b = pl.program_id(0)
    n = xf.shape[1]
    dot = lax.dot_general(xr[0], xf[0], (((1,), (1,)), ((), ())),
                          preferred_element_type=jnp.float32)
    inner = -2.0 * dot
    npd = -xxr[0] - inner - xxc[0]
    idx_o[0] = _topk_desc(npd, KNB, n) + b * n


def _edgeA_body(cw, xg, xc, w1, y1_o):
    f = xg[...]
    c = xc[...][:, None, :]
    c = jnp.broadcast_to(c, (R, KNB, c.shape[2])).reshape(R * KNB, c.shape[2])
    e = jnp.concatenate([(f - c)[:, :cw], c[:, :cw]], axis=1)
    y1_o[...] = jnp.dot(e, w1[...], preferred_element_type=jnp.float32)


def _bnmm_body(y, m, d, ga, ba, w2, y2_o):
    h = _lrelu((y[...] - m[...]) / d[...] * ga[...] + ba[...])
    y2_o[...] = jnp.dot(h, w2[...], preferred_element_type=jnp.float32)


def _maxk_body(y, m, d, ga, ba, x_o, xx_o):
    h = _lrelu((y[...] - m[...]) / d[...] * ga[...] + ba[...])
    x = jnp.max(h.reshape(R, KNB, 64), axis=1)
    x_o[...] = x
    xx_o[...] = jnp.sum(x * x, axis=1, keepdims=True)


def _tr_body(y, o):
    o[0] = y[...].T


def _x3c6_body(xg, xc, w5, m5, d5, g5, b5, x1r, x2r, w6a, w6b, w6c,
               x3_o, y6_o, gmax_o):
    g = pl.program_id(1)
    f = xg[...]
    c = xc[...][:, None, :]
    c = jnp.broadcast_to(c, (R, KNB, 64)).reshape(R * KNB, 64)
    e = jnp.concatenate([f - c, c], axis=1)
    y5 = jnp.dot(e, w5[...], preferred_element_type=jnp.float32)
    h = _lrelu((y5 - m5[...]) / d5[...] * g5[...] + b5[...])
    x3 = jnp.max(h.reshape(R, KNB, 64), axis=1)
    x3_o[...] = x3
    y6 = (jnp.dot(x1r[...], w6a[...], preferred_element_type=jnp.float32)
          + jnp.dot(x2r[...], w6b[...], preferred_element_type=jnp.float32)
          + jnp.dot(x3, w6c[...], preferred_element_type=jnp.float32))
    y6_o[...] = y6
    bm = jnp.max(y6, axis=0, keepdims=True)

    @pl.when(g == 0)
    def _():
        gmax_o[0] = bm

    @pl.when(g > 0)
    def _():
        gmax_o[0] = jnp.maximum(gmax_o[0], bm)


def _conv7_body(gmax, m6, d6, g6, b6, x1r, x2r, x3r, w7g, w7a, w7b, w7c, y7_o):
    gvec = _lrelu((gmax[0] - m6[...]) / d6[...] * g6[...] + b6[...])
    gterm = jnp.dot(gvec, w7g[...], preferred_element_type=jnp.float32)
    y7_o[...] = (
        jnp.dot(x1r[...], w7a[...], preferred_element_type=jnp.float32)
        + jnp.dot(x2r[...], w7b[...], preferred_element_type=jnp.float32)
        + jnp.dot(x3r[...], w7c[...], preferred_element_type=jnp.float32)
        + gterm)


def _final_body(y8, m, d, ga, ba, out_o):
    h = _lrelu((y8[0] - m[...]) / d[...] * ga[...] + ba[...])
    out_o[0] = h.T


def _gather_rows(table, idx):
    rows, dd = idx.shape[0], table.shape[1]
    info = plsc.get_sparse_core_info()
    nw = info.num_cores * info.num_subcores
    per_w = rows // nw
    ch = 1024
    n_ch = per_w // ch
    mesh = plsc.VectorSubcoreMesh(core_axis_name="c", subcore_axis_name="s")

    @functools.partial(
        pl.kernel, mesh=mesh,
        out_type=jax.ShapeDtypeStruct((rows, dd), jnp.float32),
        compiler_params=pltpu.CompilerParams(use_tc_tiling_on_sc=False),
        scratch_types=[
            pltpu.VMEM((ch,), jnp.int32),
            pltpu.VMEM((ch, dd), jnp.float32),
            pltpu.SemaphoreType.DMA,
        ],
    )
    def k(table_hbm, idx_hbm, out_hbm, idx_v, rows_v, sem):
        wid = lax.axis_index("s") * info.num_cores + lax.axis_index("c")
        base = wid * per_w

        def body(i, carry):
            off = base + i * ch
            pltpu.sync_copy(idx_hbm.at[pl.ds(off, ch)], idx_v)
            pltpu.async_copy(table_hbm.at[idx_v], rows_v, sem).wait()
            pltpu.sync_copy(rows_v, out_hbm.at[pl.ds(off, ch)])
            return carry

        lax.fori_loop(0, n_ch, body, 0)

    return k(table, idx)


def kernel(x, W1, g1, b1, W2, g2, b2, W3, g3, b3, W4, g4, b4, W5, g5, b5,
           W6, g6, b6, W7, g7, b7, W8, g8, b8):
    B, N, F = x.shape
    BN = B * N
    nb = N // R
    gg = BN // R
    rg = R * KNB
    f32 = jnp.float32

    def row2(a):
        return a.reshape(1, -1)

    def full(shape):
        return pl.BlockSpec(shape, lambda g: tuple(0 for _ in shape))

    def rowspec(bs):
        return pl.BlockSpec(bs, lambda g: (g, 0))

    def transpose_p(yflat, C, rows_per_blk):
        nblk = yflat.shape[0] // rows_per_blk
        per_b = (yflat.shape[0] // B) * 1
        bpb = nblk // B
        return pl.pallas_call(
            _tr_body,
            grid=(nblk,),
            in_specs=[pl.BlockSpec((rows_per_blk, C), lambda g: (g, 0))],
            out_specs=pl.BlockSpec(
                (1, C, rows_per_blk), lambda g: (g // bpb, 0, g % bpb)),
            out_shape=jax.ShapeDtypeStruct((B, C, per_b), f32),
        )(yflat)

    def stats2(yflat):
        yt = transpose_p(yflat, 64, rg).reshape(B, 64, N, KNB)
        m = jnp.mean(yt, axis=(0, 2, 3))
        v = jnp.var(yt, axis=(0, 2, 3))
        return row2(m), row2(jnp.sqrt(v + EPS))

    def stats1(yflat, C):
        yt = transpose_p(yflat, C, R)
        m = jnp.mean(yt, axis=(0, 2))
        v = jnp.var(yt, axis=(0, 2))
        return row2(m), row2(jnp.sqrt(v + EPS))

    w6a, w6b, w6c = W6[:64], W6[64:128], W6[128:]
    w7g, w7a, w7b, w7c = W7[:1024], W7[1024:1088], W7[1088:1152], W7[1152:]

    xpad = jnp.zeros((B, N, 64), f32).at[:, :, :F].set(x)
    x0r = x[:, :, 0:1]
    x2r = x[:, :, 2:3]
    x0c = jnp.transpose(x0r, (0, 2, 1))
    x2c = jnp.transpose(x2r, (0, 2, 1))

    idx1 = pl.pallas_call(
        _knn_xy_body,
        grid=(B, nb),
        in_specs=[
            pl.BlockSpec((1, R, 1), lambda b, g: (b, g, 0)),
            pl.BlockSpec((1, 1, N), lambda b, g: (b, 0, 0)),
            pl.BlockSpec((1, R, 1), lambda b, g: (b, g, 0)),
            pl.BlockSpec((1, 1, N), lambda b, g: (b, 0, 0)),
        ],
        out_specs=pl.BlockSpec((1, R, KNB), lambda b, g: (b, g, 0)),
        out_shape=jax.ShapeDtypeStruct((B, N, KNB), jnp.int32),
    )(x0r, x0c, x2r, x2c)

    def edgeA(cw, xg, xc, w1):
        return pl.pallas_call(
            functools.partial(_edgeA_body, cw),
            grid=(gg,),
            in_specs=[rowspec((rg, 64)), rowspec((R, 64)), full(w1.shape)],
            out_specs=rowspec((rg, 64)),
            out_shape=jax.ShapeDtypeStruct((BN * KNB, 64), f32),
        )(xg, xc, w1)

    def bnmm(y, m, d, ga, ba, w2, rows_blk):
        cin, cout = w2.shape
        nblk = y.shape[0] // rows_blk
        return pl.pallas_call(
            _bnmm_body,
            grid=(nblk,),
            in_specs=[rowspec((rows_blk, cin)), full((1, cin)), full((1, cin)),
                      full((1, cin)), full((1, cin)), full(w2.shape)],
            out_specs=rowspec((rows_blk, cout)),
            out_shape=jax.ShapeDtypeStruct((y.shape[0], cout), f32),
        )(y, m, d, ga, ba, w2)

    def maxk(y, m, d, ga, ba):
        return pl.pallas_call(
            _maxk_body,
            grid=(gg,),
            in_specs=[rowspec((rg, 64))] + [full((1, 64))] * 4,
            out_specs=[rowspec((R, 64)), rowspec((R, 1))],
            out_shape=[jax.ShapeDtypeStruct((BN, 64), f32),
                       jax.ShapeDtypeStruct((BN, 1), f32)],
        )(y, m, d, ga, ba)

    def knn_l2(xv, xxv):
        xr = xv.reshape(B, N, 64)
        xxr = xxv.reshape(B, N, 1)
        xxc = jnp.transpose(xxr, (0, 2, 1))
        return pl.pallas_call(
            _knn_l2_body,
            grid=(B, nb),
            in_specs=[
                pl.BlockSpec((1, R, 64), lambda b, g: (b, g, 0)),
                pl.BlockSpec((1, N, 64), lambda b, g: (b, 0, 0)),
                pl.BlockSpec((1, R, 1), lambda b, g: (b, g, 0)),
                pl.BlockSpec((1, 1, N), lambda b, g: (b, 0, 0)),
            ],
            out_specs=pl.BlockSpec((1, R, KNB), lambda b, g: (b, g, 0)),
            out_shape=jax.ShapeDtypeStruct((B, N, KNB), jnp.int32),
        )(xr, xr, xxr, xxc)

    xflat = xpad.reshape(BN, 64)
    xg1 = _gather_rows(xflat, idx1.reshape(BN * KNB))
    y1 = edgeA(F, xg1, xflat, W1)
    m1, d1 = stats2(y1)
    y2 = bnmm(y1, m1, d1, row2(g1), row2(b1), W2, rg)
    m2, d2 = stats2(y2)
    x1, xx1 = maxk(y2, m2, d2, row2(g2), row2(b2))

    idx2 = knn_l2(x1, xx1)
    xg2 = _gather_rows(x1, idx2.reshape(BN * KNB))
    y3 = edgeA(64, xg2, x1, W3)
    m3, d3 = stats2(y3)
    y4 = bnmm(y3, m3, d3, row2(g3), row2(b3), W4, rg)
    m4, d4 = stats2(y4)
    x2, xx2 = maxk(y4, m4, d4, row2(g4), row2(b4))

    idx3 = knn_l2(x2, xx2)
    xg3 = _gather_rows(x2, idx3.reshape(BN * KNB))
    y5 = edgeA(64, xg3, x2, W5)
    m5, d5 = stats2(y5)

    x3, y6, gmax6 = pl.pallas_call(
        _x3c6_body,
        grid=(B, nb),
        in_specs=[
            pl.BlockSpec((rg, 64), lambda b, g: (b * nb + g, 0)),
            pl.BlockSpec((R, 64), lambda b, g: (b * nb + g, 0)),
            pl.BlockSpec((128, 64), lambda b, g: (0, 0)),
            pl.BlockSpec((1, 64), lambda b, g: (0, 0)),
            pl.BlockSpec((1, 64), lambda b, g: (0, 0)),
            pl.BlockSpec((1, 64), lambda b, g: (0, 0)),
            pl.BlockSpec((1, 64), lambda b, g: (0, 0)),
            pl.BlockSpec((R, 64), lambda b, g: (b * nb + g, 0)),
            pl.BlockSpec((R, 64), lambda b, g: (b * nb + g, 0)),
            pl.BlockSpec((64, 1024), lambda b, g: (0, 0)),
            pl.BlockSpec((64, 1024), lambda b, g: (0, 0)),
            pl.BlockSpec((64, 1024), lambda b, g: (0, 0)),
        ],
        out_specs=[
            pl.BlockSpec((R, 64), lambda b, g: (b * nb + g, 0)),
            pl.BlockSpec((R, 1024), lambda b, g: (b * nb + g, 0)),
            pl.BlockSpec((1, 1, 1024), lambda b, g: (b, 0, 0)),
        ],
        out_shape=[
            jax.ShapeDtypeStruct((BN, 64), f32),
            jax.ShapeDtypeStruct((BN, 1024), f32),
            jax.ShapeDtypeStruct((B, 1, 1024), f32),
        ],
    )(xg3, x2, W5, m5, d5, row2(g5), row2(b5), x1, x2, w6a, w6b, w6c)

    m6, d6 = stats1(y6, 1024)

    y7 = pl.pallas_call(
        _conv7_body,
        grid=(B, nb),
        in_specs=[
            pl.BlockSpec((1, 1, 1024), lambda b, g: (b, 0, 0)),
            pl.BlockSpec((1, 1024), lambda b, g: (0, 0)),
            pl.BlockSpec((1, 1024), lambda b, g: (0, 0)),
            pl.BlockSpec((1, 1024), lambda b, g: (0, 0)),
            pl.BlockSpec((1, 1024), lambda b, g: (0, 0)),
            pl.BlockSpec((R, 64), lambda b, g: (b * nb + g, 0)),
            pl.BlockSpec((R, 64), lambda b, g: (b * nb + g, 0)),
            pl.BlockSpec((R, 64), lambda b, g: (b * nb + g, 0)),
            pl.BlockSpec((1024, 512), lambda b, g: (0, 0)),
            pl.BlockSpec((64, 512), lambda b, g: (0, 0)),
            pl.BlockSpec((64, 512), lambda b, g: (0, 0)),
            pl.BlockSpec((64, 512), lambda b, g: (0, 0)),
        ],
        out_specs=pl.BlockSpec((R, 512), lambda b, g: (b * nb + g, 0)),
        out_shape=jax.ShapeDtypeStruct((BN, 512), f32),
    )(gmax6, m6, d6, row2(g6), row2(b6), x1, x2, x3, w7g, w7a, w7b, w7c)

    m7, d7 = stats1(y7, 512)
    y8 = bnmm(y7, m7, d7, row2(g7), row2(b7), W8, R)
    m8, d8 = stats1(y8, 256)

    out = pl.pallas_call(
        _final_body,
        grid=(B, nb),
        in_specs=[
            pl.BlockSpec((1, R, 256), lambda b, g: (b, g, 0)),
            pl.BlockSpec((1, 256), lambda b, g: (0, 0)),
            pl.BlockSpec((1, 256), lambda b, g: (0, 0)),
            pl.BlockSpec((1, 256), lambda b, g: (0, 0)),
            pl.BlockSpec((1, 256), lambda b, g: (0, 0)),
        ],
        out_specs=pl.BlockSpec((1, 256, R), lambda b, g: (b, 0, g)),
        out_shape=jax.ShapeDtypeStruct((B, 256, N), f32),
    )(y8.reshape(B, N, 256), m8, d8, row2(g8), row2(b8))

    return out

# --- scband reference (transcript-rebuilt; emitter-appended) ---
"""Pipeline reference for scband-dgcnn-semseg-55276229099976 (READ-ONLY COPY).

The authoritative reference and input builder live on the scoring server;
editing this copy changes nothing except your own understanding.
"""

import jax, jax.numpy as jnp
import numpy as np

K = 20

def knn_l2(x, k):
    # x: [B, C, N]; returns indices of k largest of -||xi-xj||^2 (k nearest)
    inner = -2.0 * jnp.einsum('bcn,bcm->bnm', x, x)
    xx = jnp.sum(x * x, axis=1, keepdims=True)
    pd = -xx - inner - jnp.transpose(xx, (0, 2, 1))
    return jax.lax.top_k(pd, k)[1]

def knn_xy(x, k):
    # dim_expand path: L1 distance on channels 0 and 2, k smallest
    x1 = x[:, 0, :]
    y1 = x[:, 2, :]
    px = jnp.abs(x1[:, :, None] - x1[:, None, :])
    py = jnp.abs(y1[:, :, None] - y1[:, None, :])
    pd = px + py
    return jax.lax.top_k(-pd, k)[1]

def get_graph_feature(x, k, dim_expand=False):
    # x: [B, C, N] -> [B, 2C, N, k]
    B, C, N = x.shape
    if dim_expand:
        idx = knn_xy(x[:, :4], k)
    else:
        idx = knn_l2(x, k)
    xt = jnp.transpose(x, (0, 2, 1))  # [B, N, C]
    bidx = jnp.arange(B)[:, None, None]
    feature = xt[bidx, idx]  # [B, N, k, C] gather
    center = jnp.broadcast_to(xt[:, :, None, :], (B, N, k, C))
    feat = jnp.concatenate([feature - center, center], axis=3)
    return jnp.transpose(feat, (0, 3, 1, 2))

def conv2d_bn_lrelu(x, W, g, b):
    y = jnp.einsum('bcnk,cd->bdnk', x, W)
    mean = jnp.mean(y, axis=(0, 2, 3), keepdims=True)
    var = jnp.var(y, axis=(0, 2, 3), keepdims=True)
    y = (y - mean) / jnp.sqrt(var + 1e-5)
    y = y * g[None, :, None, None] + b[None, :, None, None]
    return jnp.where(y > 0, y, 0.2 * y)

def conv1d_bn_lrelu(x, W, g, b):
    y = jnp.einsum('bcn,cd->bdn', x, W)
    mean = jnp.mean(y, axis=(0, 2), keepdims=True)
    var = jnp.var(y, axis=(0, 2), keepdims=True)
    y = (y - mean) / jnp.sqrt(var + 1e-5)
    y = y * g[None, :, None] + b[None, :, None]
    return jnp.where(y > 0, y, 0.2 * y)

def setup_inputs(seed: int = 0) -> dict:
    key = jax.random.key(seed)
    ks = jax.random.split(key, 10)
    B, N, F = 4, 4096, 14
    inp = {'x': jax.random.normal(ks[0], (B, N, F), dtype=jnp.float32)}
    wshapes = [(28, 64), (64, 64), (128, 64), (64, 64), (128, 64), (192, 1024), (1216, 512), (512, 256)]
    for i, ws in enumerate(wshapes):
        inp['W%d' % (i + 1)] = jax.random.normal(ks[i + 1], ws, dtype=jnp.float32) * 0.05
        inp['g%d' % (i + 1)] = jnp.ones((ws[1],), dtype=jnp.float32)
        inp['b%d' % (i + 1)] = jnp.zeros((ws[1],), dtype=jnp.float32)
    return inp

def reference(x, W1, g1, b1, W2, g2, b2, W3, g3, b3, W4, g4, b4, W5, g5, b5, W6, g6, b6, W7, g7, b7, W8, g8, b8):
    xp = jnp.transpose(x, (0, 2, 1))  # [B, 14, N]
    N = xp.shape[2]
    h = get_graph_feature(xp, K, dim_expand=True)
    h = conv2d_bn_lrelu(h, W1, g1, b1)
    h = conv2d_bn_lrelu(h, W2, g2, b2)
    x1 = jnp.max(h, axis=-1)
    h = get_graph_feature(x1, K)
    h = conv2d_bn_lrelu(h, W3, g3, b3)
    h = conv2d_bn_lrelu(h, W4, g4, b4)
    x2 = jnp.max(h, axis=-1)
    h = get_graph_feature(x2, K)
    h = conv2d_bn_lrelu(h, W5, g5, b5)
    x3 = jnp.max(h, axis=-1)
    h = jnp.concatenate([x1, x2, x3], axis=1)
    h = conv1d_bn_lrelu(h, W6, g6, b6)
    h = jnp.max(h, axis=-1, keepdims=True)
    h = jnp.broadcast_to(h, (h.shape[0], h.shape[1], N))
    h = jnp.concatenate([h, x1, x2, x3], axis=1)
    h = conv1d_bn_lrelu(h, W7, g7, b7)
    h = conv1d_bn_lrelu(h, W8, g8, b8)
    return h

if __name__ == "__main__":
    import jax
    _d = setup_inputs()
    print(jax.jit(kernel)(*tuple(_d.values())))

</pallas_src>

<mosaic_0001>
#map = affine_map<(d0, d1) -> (0, 0)>
#map1 = affine_map<(d0, d1) -> (0)>
module attributes {stable_mosaic.version = 14 : i64} {
  func.func @k(%arg0: i32, %arg1: i32, %arg2: memref<16384x64xf32, #tpu.memory_space<hbm>>, %arg3: memref<327680xi32, #tpu.memory_space<hbm>>, %arg4: memref<327680x64xf32, #tpu.memory_space<hbm>>, %arg5: memref<1024xi32, #tpu.memory_space<vmem>>, %arg6: memref<1024x64xf32, #tpu.memory_space<vmem>>, %arg7: memref<!tpu.dma_semaphore, #tpu.memory_space<semaphore_mem>>) attributes {dimension_semantics = [#tpu.dimension_semantics<core_parallel>, #tpu.dimension_semantics<subcore_parallel>], iteration_bounds = array<i64: 2, 16>, scalar_prefetch = 0 : i64, scratch_operands = 3 : i64, tpu.core_type = #tpu.core_type<sc_vector_subcore>, window_params = [{transform_indices = #map}, {transform_indices = #map1}, {transform_indices = #map}]} {
    %mul3A = arith.constant 2 : i32
    %mul3A_0 = arith.muli %arg1, %mul3A : i32
    %add3A = arith.addi %mul3A_0, %arg0 : i32
    %mul3A_1 = arith.constant 10240 : i32
    %mul3A_2 = arith.muli %add3A, %mul3A_1 : i32
    %scan3A = arith.constant 0 : i32
    %scan3A_3 = arith.constant 0 : i32
    %scan3A_4 = arith.constant 10 : i32
    %scan3A_5 = arith.addi %scan3A_3, %scan3A_4 : i32
    %scan3A_6 = arith.constant 1 : i32
    scf.for %scan3A_8 = %scan3A_3 to %scan3A_5 step %scan3A_6  : i32 {
      %mul3A_9 = arith.constant 1024 : i32
      %mul3A_10 = arith.muli %scan3A_8, %mul3A_9 : i32
      %add3A_11 = arith.addi %mul3A_2, %mul3A_10 : i32
      "tpu.region"() ({
        %run_scoped3A = tpu.sem_alloc : memref<!tpu.dma_semaphore, #tpu.memory_space<semaphore_mem>>
        %dma_start3A_16 = tpu.memref_slice %arg3[%add3A_11] : memref<327680xi32, #tpu.memory_space<hbm>> -> memref<1024xi32, #tpu.memory_space<hbm>>
        %dma_start3A_17 = tpu.memref_slice %arg3[%add3A_11] : memref<327680xi32, #tpu.memory_space<hbm>> -> memref<1024xi32, #tpu.memory_space<hbm>>
        tpu.enqueue_dma source(%dma_start3A_17 : memref<1024xi32, #tpu.memory_space<hbm>>) target(%arg5 : memref<1024xi32, #tpu.memory_space<vmem>>) target_semaphore(%run_scoped3A : memref<!tpu.dma_semaphore, #tpu.memory_space<semaphore_mem>>)
        %dma_wait3A_18 = tpu.memref_slice %arg3[%add3A_11] : memref<327680xi32, #tpu.memory_space<hbm>> -> memref<1024xi32, #tpu.memory_space<hbm>>
        %dma_wait3A_19 = tpu.memref_slice %arg3[%add3A_11] : memref<327680xi32, #tpu.memory_space<hbm>> -> memref<1024xi32, #tpu.memory_space<hbm>>
        tpu.wait_dma2 semaphore(%run_scoped3A : memref<!tpu.dma_semaphore, #tpu.memory_space<semaphore_mem>>) src(%dma_wait3A_19 : memref<1024xi32, #tpu.memory_space<hbm>>) dst(%arg5 : memref<1024xi32, #tpu.memory_space<vmem>>)
        tpu.yield
      }) : () -> ()
      %dma_start3A = arith.constant 0 : i32
      %dma_start3A_12 = arith.constant 0 : i32
      %dma_start3A_13 = tpu.memref_slice %arg2[%dma_start3A, %dma_start3A_12] : memref<16384x64xf32, #tpu.memory_space<hbm>> -> memref<16384x64xf32, #tpu.memory_space<hbm>>
      tpu.enqueue_indirect_dma source(%dma_start3A_13 : memref<16384x64xf32, #tpu.memory_space<hbm>>) target(%arg6 : memref<1024x64xf32, #tpu.memory_space<vmem>>) offsets(%arg5 : memref<1024xi32, #tpu.memory_space<vmem>>) semaphore(%arg7 : memref<!tpu.dma_semaphore, #tpu.memory_space<semaphore_mem>>)
      %dma_wait3A = arith.constant 0 : i32
      %dma_wait3A_14 = arith.constant 0 : i32
      %dma_wait3A_15 = tpu.memref_slice %arg2[%dma_wait3A, %dma_wait3A_14] : memref<16384x64xf32, #tpu.memory_space<hbm>> -> memref<16384x64xf32, #tpu.memory_space<hbm>>
      tpu.wait_indirect_dma semaphore(%arg7 : memref<!tpu.dma_semaphore, #tpu.memory_space<semaphore_mem>>) src(%dma_wait3A_15 : memref<16384x64xf32, #tpu.memory_space<hbm>>) dst(%arg6 : memref<1024x64xf32, #tpu.memory_space<vmem>>)
      "tpu.region"() ({
        %run_scoped3A = tpu.sem_alloc : memref<!tpu.dma_semaphore, #tpu.memory_space<semaphore_mem>>
        %dma_start3A_16 = arith.constant 0 : i32
        %dma_start3A_17 = tpu.memref_slice %arg4[%add3A_11, %dma_start3A_16] : memref<327680x64xf32, #tpu.memory_space<hbm>> -> memref<1024x64xf32, #tpu.memory_space<hbm>>
        %dma_start3A_18 = arith.constant 0 : i32
        %dma_start3A_19 = tpu.memref_slice %arg4[%add3A_11, %dma_start3A_18] : memref<327680x64xf32, #tpu.memory_space<hbm>> -> memref<1024x64xf32, #tpu.memory_space<hbm>>
        tpu.enqueue_dma source(%arg6 : memref<1024x64xf32, #tpu.memory_space<vmem>>) target(%dma_start3A_19 : memref<1024x64xf32, #tpu.memory_space<hbm>>) target_semaphore(%run_scoped3A : memref<!tpu.dma_semaphore, #tpu.memory_space<semaphore_mem>>)
        %dma_wait3A_20 = arith.constant 0 : i32
        %dma_wait3A_21 = tpu.memref_slice %arg4[%add3A_11, %dma_wait3A_20] : memref<327680x64xf32, #tpu.memory_space<hbm>> -> memref<1024x64xf32, #tpu.memory_space<hbm>>
        %dma_wait3A_22 = arith.constant 0 : i32
        %dma_wait3A_23 = tpu.memref_slice %arg4[%add3A_11, %dma_wait3A_22] : memref<327680x64xf32, #tpu.memory_space<hbm>> -> memref<1024x64xf32, #tpu.memory_space<hbm>>
        tpu.wait_dma2 semaphore(%run_scoped3A : memref<!tpu.dma_semaphore, #tpu.memory_space<semaphore_mem>>) src(%arg6 : memref<1024x64xf32, #tpu.memory_space<vmem>>) dst(%dma_wait3A_23 : memref<1024x64xf32, #tpu.memory_space<hbm>>)
        tpu.yield
      }) : () -> ()
    }
    %scan3A_7 = arith.constant 10 : i32
    return
  }
}

#map = affine_map<(d0, d1) -> (0, 0)>
#map1 = affine_map<(d0, d1) -> (0)>
module attributes {stable_mosaic.version = 14 : i64} {
  func.func @k(%arg0: i32, %arg1: i32, %arg2: memref<16384x64xf32, #tpu.memory_space<hbm>>, %arg3: memref<327680xi32, #tpu.memory_space<hbm>>, %arg4: memref<327680x64xf32, #tpu.memory_space<hbm>>, %arg5: memref<1024xi32, #tpu.memory_space<vmem>>, %arg6: memref<1024x64xf32, #tpu.memory_space<vmem>>, %arg7: memref<!tpu.dma_semaphore, #tpu.memory_space<semaphore_mem>>) attributes {dimension_semantics = [#tpu.dimension_semantics<core_parallel>, #tpu.dimension_semantics<subcore_parallel>], iteration_bounds = array<i64: 2, 16>, scalar_prefetch = 0 : i64, scratch_operands = 3 : i64, tpu.core_type = #tpu.core_type<sc_vector_subcore>, window_params = [{transform_indices = #map}, {transform_indices = #map1}, {transform_indices = #map}]} {
    %mul3A = arith.constant 2 : i32
    %mul3A_0 = arith.muli %arg1, %mul3A : i32
    %add3A = arith.addi %mul3A_0, %arg0 : i32
    %mul3A_1 = arith.constant 10240 : i32
    %mul3A_2 = arith.muli %add3A, %mul3A_1 : i32
    %scan3A = arith.constant 0 : i32
    %scan3A_3 = arith.constant 0 : i32
    %scan3A_4 = arith.constant 10 : i32
    %scan3A_5 = arith.addi %scan3A_3, %scan3A_4 : i32
    %scan3A_6 = arith.constant 1 : i32
    scf.for %scan3A_8 = %scan3A_3 to %scan3A_5 step %scan3A_6  : i32 {
      %mul3A_9 = arith.constant 1024 : i32
      %mul3A_10 = arith.muli %scan3A_8, %mul3A_9 : i32
      %add3A_11 = arith.addi %mul3A_2, %mul3A_10 : i32
      "tpu.region"() ({
        %run_scoped3A = tpu.sem_alloc : memref<!tpu.dma_semaphore, #tpu.memory_space<semaphore_mem>>
        %dma_start3A_16 = tpu.memref_slice %arg3[%add3A_11] : memref<327680xi32, #tpu.memory_space<hbm>> -> memref<1024xi32, #tpu.memory_space<hbm>>
        %dma_start3A_17 = tpu.memref_slice %arg3[%add3A_11] : memref<327680xi32, #tpu.memory_space<hbm>> -> memref<1024xi32, #tpu.memory_space<hbm>>
        tpu.enqueue_dma source(%dma_start3A_17 : memref<1024xi32, #tpu.memory_space<hbm>>) target(%arg5 : memref<1024xi32, #tpu.memory_space<vmem>>) target_semaphore(%run_scoped3A : memref<!tpu.dma_semaphore, #tpu.memory_space<semaphore_mem>>)
        %dma_wait3A_18 = tpu.memref_slice %arg3[%add3A_11] : memref<327680xi32, #tpu.memory_space<hbm>> -> memref<1024xi32, #tpu.memory_space<hbm>>
        %dma_wait3A_19 = tpu.memref_slice %arg3[%add3A_11] : memref<327680xi32, #tpu.memory_space<hbm>> -> memref<1024xi32, #tpu.memory_space<hbm>>
        tpu.wait_dma2 semaphore(%run_scoped3A : memref<!tpu.dma_semaphore, #tpu.memory_space<semaphore_mem>>) src(%dma_wait3A_19 : memref<1024xi32, #tpu.memory_space<hbm>>) dst(%arg5 : memref<1024xi32, #tpu.memory_space<vmem>>)
        tpu.yield
      }) : () -> ()
      %dma_start3A = arith.constant 0 : i32
      %dma_start3A_12 = arith.constant 0 : i32
      %dma_start3A_13 = tpu.memref_slice %arg2[%dma_start3A, %dma_start3A_12] : memref<16384x64xf32, #tpu.memory_space<hbm>> -> memref<16384x64xf32, #tpu.memory_space<hbm>>
      tpu.enqueue_indirect_dma source(%dma_start3A_13 : memref<16384x64xf32, #tpu.memory_space<hbm>>) target(%arg6 : memref<1024x64xf32, #tpu.memory_space<vmem>>) offsets(%arg5 : memref<1024xi32, #tpu.memory_space<vmem>>) semaphore(%arg7 : memref<!tpu.dma_semaphore, #tpu.memory_space<semaphore_mem>>)
      %dma_wait3A = arith.constant 0 : i32
      %dma_wait3A_14 = arith.constant 0 : i32
      %dma_wait3A_15 = tpu.memref_slice %arg2[%dma_wait3A, %dma_wait3A_14] : memref<16384x64xf32, #tpu.memory_space<hbm>> -> memref<16384x64xf32, #tpu.memory_space<hbm>>
      tpu.wait_indirect_dma semaphore(%arg7 : memref<!tpu.dma_semaphore, #tpu.memory_space<semaphore_mem>>) src(%dma_wait3A_15 : memref<16384x64xf32, #tpu.memory_space<hbm>>) dst(%arg6 : memref<1024x64xf32, #tpu.memory_space<vmem>>)
      "tpu.region"() ({
        %run_scoped3A = tpu.sem_alloc : memref<!tpu.dma_semaphore, #tpu.memory_space<semaphore_mem>>
        %dma_start3A_16 = arith.constant 0 : i32
        %dma_start3A_17 = tpu.memref_slice %arg4[%add3A_11, %dma_start3A_16] : memref<327680x64xf32, #tpu.memory_space<hbm>> -> memref<1024x64xf32, #tpu.memory_space<hbm>>
        %dma_start3A_18 = arith.constant 0 : i32
        %dma_start3A_19 = tpu.memref_slice %arg4[%add3A_11, %dma_start3A_18] : memref<327680x64xf32, #tpu.memory_space<hbm>> -> memref<1024x64xf32, #tpu.memory_space<hbm>>
        tpu.enqueue_dma source(%arg6 : memref<1024x64xf32, #tpu.memory_space<vmem>>) target(%dma_start3A_19 : memref<1024x64xf32, #tpu.memory_space<hbm>>) target_semaphore(%run_scoped3A : memref<!tpu.dma_semaphore, #tpu.memory_space<semaphore_mem>>)
        %dma_wait3A_20 = arith.constant 0 : i32
        %dma_wait3A_21 = tpu.memref_slice %arg4[%add3A_11, %dma_wait3A_20] : memref<327680x64xf32, #tpu.memory_space<hbm>> -> memref<1024x64xf32, #tpu.memory_space<hbm>>
        %dma_wait3A_22 = arith.constant 0 : i32
        %dma_wait3A_23 = tpu.memref_slice %arg4[%add3A_11, %dma_wait3A_22] : memref<327680x64xf32, #tpu.memory_space<hbm>> -> memref<1024x64xf32, #tpu.memory_space<hbm>>
        tpu.wait_dma2 semaphore(%run_scoped3A : memref<!tpu.dma_semaphore, #tpu.memory_space<semaphore_mem>>) src(%arg6 : memref<1024x64xf32, #tpu.memory_space<vmem>>) dst(%dma_wait3A_23 : memref<1024x64xf32, #tpu.memory_space<hbm>>)
        tpu.yield
      }) : () -> ()
    }
    %scan3A_7 = arith.constant 10 : i32
    return
  }
}

#map = affine_map<(d0, d1) -> (0, 0)>
#map1 = affine_map<(d0, d1) -> (0)>
module attributes {stable_mosaic.version = 14 : i64} {
  func.func @k(%arg0: i32, %arg1: i32, %arg2: memref<16384x64xf32, #tpu.memory_space<hbm>>, %arg3: memref<327680xi32, #tpu.memory_space<hbm>>, %arg4: memref<327680x64xf32, #tpu.memory_space<hbm>>, %arg5: memref<1024xi32, #tpu.memory_space<vmem>>, %arg6: memref<1024x64xf32, #tpu.memory_space<vmem>>, %arg7: memref<!tpu.dma_semaphore, #tpu.memory_space<semaphore_mem>>) attributes {dimension_semantics = [#tpu.dimension_semantics<core_parallel>, #tpu.dimension_semantics<subcore_parallel>], iteration_bounds = array<i64: 2, 16>, scalar_prefetch = 0 : i64, scratch_operands = 3 : i64, tpu.core_type = #tpu.core_type<sc_vector_subcore>, window_params = [{transform_indices = #map}, {transform_indices = #map1}, {transform_indices = #map}]} {
    %mul3A = arith.constant 2 : i32
    %mul3A_0 = arith.muli %arg1, %mul3A : i32
    %add3A = arith.addi %mul3A_0, %arg0 : i32
    %mul3A_1 = arith.constant 10240 : i32
    %mul3A_2 = arith.muli %add3A, %mul3A_1 : i32
    %scan3A = arith.constant 0 : i32
    %scan3A_3 = arith.constant 0 : i32
    %scan3A_4 = arith.constant 10 : i32
    %scan3A_5 = arith.addi %scan3A_3, %scan3A_4 : i32
    %scan3A_6 = arith.constant 1 : i32
    scf.for %scan3A_8 = %scan3A_3 to %scan3A_5 step %scan3A_6  : i32 {
      %mul3A_9 = arith.constant 1024 : i32
      %mul3A_10 = arith.muli %scan3A_8, %mul3A_9 : i32
      %add3A_11 = arith.addi %mul3A_2, %mul3A_10 : i32
      "tpu.region"() ({
        %run_scoped3A = tpu.sem_alloc : memref<!tpu.dma_semaphore, #tpu.memory_space<semaphore_mem>>
        %dma_start3A_16 = tpu.memref_slice %arg3[%add3A_11] : memref<327680xi32, #tpu.memory_space<hbm>> -> memref<1024xi32, #tpu.memory_space<hbm>>
        %dma_start3A_17 = tpu.memref_slice %arg3[%add3A_11] : memref<327680xi32, #tpu.memory_space<hbm>> -> memref<1024xi32, #tpu.memory_space<hbm>>
        tpu.enqueue_dma source(%dma_start3A_17 : memref<1024xi32, #tpu.memory_space<hbm>>) target(%arg5 : memref<1024xi32, #tpu.memory_space<vmem>>) target_semaphore(%run_scoped3A : memref<!tpu.dma_semaphore, #tpu.memory_space<semaphore_mem>>)
        %dma_wait3A_18 = tpu.memref_slice %arg3[%add3A_11] : memref<327680xi32, #tpu.memory_space<hbm>> -> memref<1024xi32, #tpu.memory_space<hbm>>
        %dma_wait3A_19 = tpu.memref_slice %arg3[%add3A_11] : memref<327680xi32, #tpu.memory_space<hbm>> -> memref<1024xi32, #tpu.memory_space<hbm>>
        tpu.wait_dma2 semaphore(%run_scoped3A : memref<!tpu.dma_semaphore, #tpu.memory_space<semaphore_mem>>) src(%dma_wait3A_19 : memref<1024xi32, #tpu.memory_space<hbm>>) dst(%arg5 : memref<1024xi32, #tpu.memory_space<vmem>>)
        tpu.yield
      }) : () -> ()
      %dma_start3A = arith.constant 0 : i32
      %dma_start3A_12 = arith.constant 0 : i32
      %dma_start3A_13 = tpu.memref_slice %arg2[%dma_start3A, %dma_start3A_12] : memref<16384x64xf32, #tpu.memory_space<hbm>> -> memref<16384x64xf32, #tpu.memory_space<hbm>>
      tpu.enqueue_indirect_dma source(%dma_start3A_13 : memref<16384x64xf32, #tpu.memory_space<hbm>>) target(%arg6 : memref<1024x64xf32, #tpu.memory_space<vmem>>) offsets(%arg5 : memref<1024xi32, #tpu.memory_space<vmem>>) semaphore(%arg7 : memref<!tpu.dma_semaphore, #tpu.memory_space<semaphore_mem>>)
      %dma_wait3A = arith.constant 0 : i32
      %dma_wait3A_14 = arith.constant 0 : i32
      %dma_wait3A_15 = tpu.memref_slice %arg2[%dma_wait3A, %dma_wait3A_14] : memref<16384x64xf32, #tpu.memory_space<hbm>> -> memref<16384x64xf32, #tpu.memory_space<hbm>>
      tpu.wait_indirect_dma semaphore(%arg7 : memref<!tpu.dma_semaphore, #tpu.memory_space<semaphore_mem>>) src(%dma_wait3A_15 : memref<16384x64xf32, #tpu.memory_space<hbm>>) dst(%arg6 : memref<1024x64xf32, #tpu.memory_space<vmem>>)
      "tpu.region"() ({
        %run_scoped3A = tpu.sem_alloc : memref<!tpu.dma_semaphore, #tpu.memory_space<semaphore_mem>>
        %dma_start3A_16 = arith.constant 0 : i32
        %dma_start3A_17 = tpu.memref_slice %arg4[%add3A_11, %dma_start3A_16] : memref<327680x64xf32, #tpu.memory_space<hbm>> -> memref<1024x64xf32, #tpu.memory_space<hbm>>
        %dma_start3A_18 = arith.constant 0 : i32
        %dma_start3A_19 = tpu.memref_slice %arg4[%add3A_11, %dma_start3A_18] : memref<327680x64xf32, #tpu.memory_space<hbm>> -> memref<1024x64xf32, #tpu.memory_space<hbm>>
        tpu.enqueue_dma source(%arg6 : memref<1024x64xf32, #tpu.memory_space<vmem>>) target(%dma_start3A_19 : memref<1024x64xf32, #tpu.memory_space<hbm>>) target_semaphore(%run_scoped3A : memref<!tpu.dma_semaphore, #tpu.memory_space<semaphore_mem>>)
        %dma_wait3A_20 = arith.constant 0 : i32
        %dma_wait3A_21 = tpu.memref_slice %arg4[%add3A_11, %dma_wait3A_20] : memref<327680x64xf32, #tpu.memory_space<hbm>> -> memref<1024x64xf32, #tpu.memory_space<hbm>>
        %dma_wait3A_22 = arith.constant 0 : i32
        %dma_wait3A_23 = tpu.memref_slice %arg4[%add3A_11, %dma_wait3A_22] : memref<327680x64xf32, #tpu.memory_space<hbm>> -> memref<1024x64xf32, #tpu.memory_space<hbm>>
        tpu.wait_dma2 semaphore(%run_scoped3A : memref<!tpu.dma_semaphore, #tpu.memory_space<semaphore_mem>>) src(%arg6 : memref<1024x64xf32, #tpu.memory_space<vmem>>) dst(%dma_wait3A_23 : memref<1024x64xf32, #tpu.memory_space<hbm>>)
        tpu.yield
      }) : () -> ()
    }
    %scan3A_7 = arith.constant 10 : i32
    return
  }
}

module attributes {stable_mosaic.version = 14 : i64} {
  func.func @_knn_xy_body(%arg0: i32, %arg1: i32, %arg2: memref<1x256x1xf32, #tpu.memory_space<vmem>>, %arg3: memref<1x1x4096xf32, #tpu.memory_space<vmem>>, %arg4: memref<1x256x1xf32, #tpu.memory_space<vmem>>, %arg5: memref<1x1x4096xf32, #tpu.memory_space<vmem>>, %arg6: memref<1x256x20xi32, #tpu.memory_space<vmem>>) attributes {dimension_semantics = [#tpu.dimension_semantics<arbitrary>, #tpu.dimension_semantics<arbitrary>], iteration_bounds = array<i64: 4, 16>, scalar_prefetch = 0 : i64, scratch_operands = 0 : i64, tpu.core_type = #tpu.core_type<tc>, window_params = [{transform_indices = @transform_0, window_bounds = array<i64: 1, 256, 1>}, {transform_indices = @transform_1, window_bounds = array<i64: 1, 1, 4096>}, {transform_indices = @transform_2, window_bounds = array<i64: 1, 256, 1>}, {transform_indices = @transform_3, window_bounds = array<i64: 1, 1, 4096>}, {transform_indices = @transform_4, window_bounds = array<i64: 1, 256, 20>}]} {
    %get3A = arith.constant 0 : index
    %get3A_0 = arith.constant 0 : index
    %get3A_1 = arith.constant 0 : index
    %get3A_2 = vector.load %arg2[%get3A, %get3A_0, %get3A_1] : memref<1x256x1xf32, #tpu.memory_space<vmem>>, vector<1x256x1xf32>
    %get3A_3 = vector.shape_cast %get3A_2 : vector<1x256x1xf32> to vector<256x1xf32>
    %get3A_4 = arith.constant 0 : index
    %get3A_5 = arith.constant 0 : index
    %get3A_6 = arith.constant 0 : index
    %get3A_7 = vector.load %arg3[%get3A_4, %get3A_5, %get3A_6] : memref<1x1x4096xf32, #tpu.memory_space<vmem>>, vector<1x1x4096xf32>
    %get3A_8 = vector.shape_cast %get3A_7 : vector<1x1x4096xf32> to vector<1x4096xf32>
    %sub3A = vector.broadcast %get3A_3 : vector<256x1xf32> to vector<256x4096xf32>
    %sub3A_9 = vector.broadcast %get3A_8 : vector<1x4096xf32> to vector<256x4096xf32>
    %sub3A_10 = arith.subf %sub3A, %sub3A_9 : vector<256x4096xf32>
    %abs3A = math.absf %sub3A_10 : vector<256x4096xf32>
    %get3A_11 = arith.constant 0 : index
    %get3A_12 = arith.constant 0 : index
    %get3A_13 = arith.constant 0 : index
    %get3A_14 = vector.load %arg4[%get3A_11, %get3A_12, %get3A_13] : memref<1x256x1xf32, #tpu.memory_space<vmem>>, vector<1x256x1xf32>
    %get3A_15 = vector.shape_cast %get3A_14 : vector<1x256x1xf32> to vector<256x1xf32>
    %get3A_16 = arith.constant 0 : index
    %get3A_17 = arith.constant 0 : index
    %get3A_18 = arith.constant 0 : index
    %get3A_19 = vector.load %arg5[%get3A_16, %get3A_17, %get3A_18] : memref<1x1x4096xf32, #tpu.memory_space<vmem>>, vector<1x1x4096xf32>
    %get3A_20 = vector.shape_cast %get3A_19 : vector<1x1x4096xf32> to vector<1x4096xf32>
    %sub3A_21 = vector.broadcast %get3A_15 : vector<256x1xf32> to vector<256x4096xf32>
    %sub3A_22 = vector.broadcast %get3A_20 : vector<1x4096xf32> to vector<256x4096xf32>
    %sub3A_23 = arith.subf %sub3A_21, %sub3A_22 : vector<256x4096xf32>
    %abs3A_24 = math.absf %sub3A_23 : vector<256x4096xf32>
    %add3A = arith.addf %abs3A, %abs3A_24 : vector<256x4096xf32>
    %neg3A = arith.constant 0.000000e+00 : f32
    %neg3A_25 = vector.broadcast %neg3A : f32 to vector<256x4096xf32>
    %neg3A_26 = arith.subf %neg3A_25, %add3A : vector<256x4096xf32>
    %iota3A = tpu.iota {dimensions = array<i32: 1>} : vector<1x4096xi32>
    %reduce_max3A = arith.constant dense<0xFF800000> : vector<256xf32>
    %reduce_max3A_27 = vector.multi_reduction <maximumf>, %neg3A_26, %reduce_max3A [1] : vector<256x4096xf32> to vector<256xf32>
    %broadcast_in_dim3A = vector.shape_cast %reduce_max3A_27 : vector<256xf32> to vector<256x1xf32>
    %eq3A = vector.broadcast %broadcast_in_dim3A : vector<256x1xf32> to vector<256x4096xf32>
    %eq3A_28 = arith.cmpf oeq, %neg3A_26, %eq3A : vector<256x4096xf32>
    %jit3A = arith.constant 4096 : i32
    %broadcast_in_dim3A_29 = vector.shape_cast %iota3A : vector<1x4096xi32> to vector<1x4096xi32>
    %broadcast_in_dim3A_30 = vector.broadcast %broadcast_in_dim3A_29 : vector<1x4096xi32> to vector<256x4096xi32>
    %broadcast_in_dim3A_31 = vector.broadcast %jit3A : i32 to vector<256x4096xi32>
    %select_n3A = arith.select %eq3A_28, %broadcast_in_dim3A_30, %broadcast_in_dim3A_31 : vector<256x4096xi1>, vector<256x4096xi32>
    %reduce_min3A = arith.constant dense<2147483647> : vector<256xi32>
    %reduce_min3A_32 = vector.multi_reduction <minsi>, %select_n3A, %reduce_min3A [1] : vector<256x4096xi32> to vector<256xi32>
    %broadcast_in_dim3A_33 = vector.shape_cast %reduce_min3A_32 : vector<256xi32> to vector<256x1xi32>
    %eq3A_34 = vector.broadcast %iota3A : vector<1x4096xi32> to vector<256x4096xi32>
    %eq3A_35 = vector.broadcast %broadcast_in_dim3A_33 : vector<256x1xi32> to vector<256x4096xi32>
    %eq3A_36 = arith.cmpi eq, %eq3A_34, %eq3A_35 : vector<256x4096xi32>
    %jit3A_37 = arith.constant 0xFF800000 : f32
    %broadcast_in_dim3A_38 = vector.broadcast %jit3A_37 : f32 to vector<256x4096xf32>
    %select_n3A_39 = arith.select %eq3A_36, %broadcast_in_dim3A_38, %neg3A_26 : vector<256x4096xi1>, vector<256x4096xf32>
    %reduce_max3A_40 = arith.constant dense<0xFF800000> : vector<256xf32>
    %reduce_max3A_41 = vector.multi_reduction <maximumf>, %select_n3A_39, %reduce_max3A_40 [1] : vector<256x4096xf32> to vector<256xf32>
    %broadcast_in_dim3A_42 = vector.shape_cast %reduce_max3A_41 : vector<256xf32> to vector<256x1xf32>
    %eq3A_43 = vector.broadcast %broadcast_in_dim3A_42 : vector<256x1xf32> to vector<256x4096xf32>
    %eq3A_44 = arith.cmpf oeq, %select_n3A_39, %eq3A_43 : vector<256x4096xf32>
    %jit3A_45 = arith.constant 4096 : i32
    %broadcast_in_dim3A_46 = vector.shape_cast %iota3A : vector<1x4096xi32> to vector<1x4096xi32>
    %broadcast_in_dim3A_47 = vector.broadcast %broadcast_in_dim3A_46 : vector<1x4096xi32> to vector<256x4096xi32>
    %broadcast_in_dim3A_48 = vector.broadcast %jit3A_45 : i32 to vector<256x4096xi32>
    %select_n3A_49 = arith.select %eq3A_44, %broadcast_in_dim3A_47, %broadcast_in_dim3A_48 : vector<256x4096xi1>, vector<256x4096xi32>
    %reduce_min3A_50 = arith.constant dense<2147483647> : vector<256xi32>
    %reduce_min3A_51 = vector.multi_reduction <minsi>, %select_n3A_49, %reduce_min3A_50 [1] : vector<256x4096xi32> to vector<256xi32>
    %broadcast_in_dim3A_52 = vector.shape_cast %reduce_min3A_51 : vector<256xi32> to vector<256x1xi32>
    %eq3A_53 = vector.broadcast %iota3A : vector<1x4096xi32> to vector<256x4096xi32>
    %eq3A_54 = vector.broadcast %broadcast_in_dim3A_52 : vector<256x1xi32> to vector<256x4096xi32>
    %eq3A_55 = arith.cmpi eq, %eq3A_53, %eq3A_54 : vector<256x4096xi32>
    %jit3A_56 = arith.constant 0xFF800000 : f32
    %broadcast_in_dim3A_57 = vector.broadcast %jit3A_56 : f32 to vector<256x4096xf32>
    %select_n3A_58 = arith.select %eq3A_55, %broadcast_in_dim3A_57, %select_n3A_39 : vector<256x4096xi1>, vector<256x4096xf32>
    %reduce_max3A_59 = arith.constant dense<0xFF800000> : vector<256xf32>
    %reduce_max3A_60 = vector.multi_reduction <maximumf>, %select_n3A_58, %reduce_max3A_59 [1] : vector<256x4096xf32> to vector<256xf32>
    %broadcast_in_dim3A_61 = vector.shape_cast %reduce_max3A_60 : vector<256xf32> to vector<256x1xf32>
    %eq3A_62 = vector.broadcast %broadcast_in_dim3A_61 : vector<256x1xf32> to vector<256x4096xf32>
    %eq3A_63 = arith.cmpf oeq, %select_n3A_58, %eq3A_62 : vector<256x4096xf32>
    %jit3A_64 = arith.constant 4096 : i32
    %broadcast_in_dim3A_65 = vector.shape_cast %iota3A : vector<1x4096xi32> to vector<1x4096xi32>
    %broadcast_in_dim3A_66 = vector.broadcast %broadcast_in_dim3A_65 : vector<1x4096xi32> to vector<256x4096xi32>
    %broadcast_in_dim3A_67 = vector.broadcast %jit3A_64 : i32 to vector<256x4096xi32>
    %select_n3A_68 = arith.select %eq3A_63, %broadcast_in_dim3A_66, %broadcast_in_dim3A_67 : vector<256x4096xi1>, vector<256x4096xi32>
    %reduce_min3A_69 = arith.constant dense<2147483647> : vector<256xi32>
    %reduce_min3A_70 = vector.multi_reduction <minsi>, %select_n3A_68, %reduce_min3A_69 [1] : vector<256x4096xi32> to vector<256xi32>
    %broadcast_in_dim3A_71 = vector.shape_cast %reduce_min3A_70 : vector<256xi32> to vector<256x1xi32>
    %eq3A_72 = vector.broadcast %iota3A : vector<1x4096xi32> to vector<256x4096xi32>
    %eq3A_73 = vector.broadcast %broadcast_in_dim3A_71 : vector<256x1xi32> to vector<256x4096xi32>
    %eq3A_74 = arith.cmpi eq, %eq3A_72, %eq3A_73 : vector<256x4096xi32>
    %jit3A_75 = arith.constant 0xFF800000 : f32
    %broadcast_in_dim3A_76 = vector.broadcast %jit3A_75 : f32 to vector<256x4096xf32>
    %select_n3A_77 = arith.select %eq3A_74, %broadcast_in_dim3A_76, %select_n3A_58 : vector<256x4096xi1>, vector<256x4096xf32>
    %reduce_max3A_78 = arith.constant dense<0xFF800000> : vector<256xf32>
    %reduce_max3A_79 = vector.multi_reduction <maximumf>, %select_n3A_77, %reduce_max3A_78 [1] : vector<256x4096xf32> to vector<256xf32>
    %broadcast_in_dim3A_80 = vector.shape_cast %reduce_max3A_79 : vector<256xf32> to vector<256x1xf32>
    %eq3A_81 = vector.broadcast %broadcast_in_dim3A_80 : vector<256x1xf32> to vector<256x4096xf32>
    %eq3A_82 = arith.cmpf oeq, %select_n3A_77, %eq3A_81 : vector<256x4096xf32>
    %jit3A_83 = arith.constant 4096 : i32
    %broadcast_in_dim3A_84 = vector.shape_cast %iota3A : vector<1x4096xi32> to vector<1x4096xi32>
    %broadcast_in_dim3A_85 = vector.broadcast %broadcast_in_dim3A_84 : vector<1x4096xi32> to vector<256x4096xi32>
    %broadcast_in_dim3A_86 = vector.broadcast %jit3A_83 : i32 to vector<256x4096xi32>
    %select_n3A_87 = arith.select %eq3A_82, %broadcast_in_dim3A_85, %broadcast_in_dim3A_86 : vector<256x4096xi1>, vector<256x4096xi32>
    %reduce_min3A_88 = arith.constant dense<2147483647> : vector<256xi32>
    %reduce_min3A_89 = vector.multi_reduction <minsi>, %select_n3A_87, %reduce_min3A_88 [1] : vector<256x4096xi32> to vector<256xi32>
    %broadcast_in_dim3A_90 = vector.shape_cast %reduce_min3A_89 : vector<256xi32> to vector<256x1xi32>
    %eq3A_91 = vector.broadcast %iota3A : vector<1x4096xi32> to vector<256x4096xi32>
    %eq3A_92 = vector.broadcast %broadcast_in_dim3A_90 : vector<256x1xi32> to vector<256x4096xi32>
    %eq3A_93 = arith.cmpi eq, %eq3A_91, %eq3A_92 : vector<256x4096xi32>
    %jit3A_94 = arith.constant 0xFF800000 : f32
    %broadcast_in_dim3A_95 = vector.broadcast %jit3A_94 : f32 to vector<256x4096xf32>
    %select_n3A_96 = arith.select %eq3A_93, %broadcast_in_dim3A_95, %select_n3A_77 : vector<256x4096xi1>, vector<256x4096xf32>
    %reduce_max3A_97 = arith.constant dense<0xFF800000> : vector<256xf32>
    %reduce_max3A_98 = vector.multi_reduction <maximumf>, %select_n3A_96, %reduce_max3A_97 [1] : vector<256x4096xf32> to vector<256xf32>
    %broadcast_in_dim3A_99 = vector.shape_cast %reduce_max3A_98 : vector<256xf32> to vector<256x1xf32>
    %eq3A_100 = vector.broadcast %broadcast_in_dim3A_99 : vector<256x1xf32> to vector<256x4096xf32>
    %eq3A_101 = arith.cmpf oeq, %select_n3A_96, %eq3A_100 : vector<256x4096xf32>
    %jit3A_102 = arith.constant 4096 : i32
    %broadcast_in_dim3A_103 = vector.shape_cast %iota3A : vector<1x4096xi32> to vector<1x4096xi32>
    %broadcast_in_dim3A_104 = vector.broadcast %broadcast_in_dim3A_103 : vector<1x4096xi32> to vector<256x4096xi32>
    %broadcast_in_dim3A_105 = vector.broadcast %jit3A_102 : i32 to vector<256x4096xi32>
    %select_n3A_106 = arith.select %eq3A_101, %broadcast_in_dim3A_104, %broadcast_in_dim3A_105 : vector<256x4096xi1>, vector<256x4096xi32>
    %reduce_min3A_107 = arith.constant dense<2147483647> : vector<256xi32>
    %reduce_min3A_108 = vector.multi_reduction <minsi>, %select_n3A_106, %reduce_min3A_107 [1] : vector<256x4096xi32> to vector<256xi32>
    %broadcast_in_dim3A_109 = vector.shape_cast %reduce_min3A_108 : vector<256xi32> to vector<256x1xi32>
    %eq3A_110 = vector.broadcast %iota3A : vector<1x4096xi32> to vector<256x4096xi32>
    %eq3A_111 = vector.broadcast %broadcast_in_dim3A_109 : vector<256x1xi32> to vector<256x4096xi32>
    %eq3A_112 = arith.cmpi eq, %eq3A_110, %eq3A_111 : vector<256x4096xi32>
    %jit3A_113 = arith.constant 0xFF800000 : f32
    %broadcast_in_dim3A_114 = vector.broadcast %jit3A_113 : f32 to vector<256x4096xf32>
    %select_n3A_115 = arith.select %eq3A_112, %broadcast_in_dim3A_114, %select_n3A_96 : vector<256x4096xi1>, vector<256x4096xf32>
    %reduce_max3A_116 = arith.constant dense<0xFF800000> : vector<256xf32>
    %reduce_max3A_117 = vector.multi_reduction <maximumf>, %select_n3A_115, %reduce_max3A_116 [1] : vector<256x4096xf32> to vector<256xf32>
    %broadcast_in_dim3A_118 = vector.shape_cast %reduce_max3A_117 : vector<256xf32> to vector<256x1xf32>
    %eq3A_119 = vector.broadcast %broadcast_in_dim3A_118 : vector<256x1xf32> to vector<256x4096xf32>
    %eq3A_120 = arith.cmpf oeq, %select_n3A_115, %eq3A_119 : vector<256x4096xf32>
    %jit3A_121 = arith.constant 4096 : i32
    %broadcast_in_dim3A_122 = vector.shape_cast %iota3A : vector<1x4096xi32> to vector<1x4096xi32>
    %broadcast_in_dim3A_123 = vector.broadcast %broadcast_in_dim3A_122 : vector<1x4096xi32> to vector<256x4096xi32>
    %broadcast_in_dim3A_124 = vector.broadcast %jit3A_121 : i32 to vector<256x4096xi32>
    %select_n3A_125 = arith.select %eq3A_120, %broadcast_in_dim3A_123, %broadcast_in_dim3A_124 : vector<256x4096xi1>, vector<256x4096xi32>
    %reduce_min3A_126 = arith.constant dense<2147483647> : vector<256xi32>
    %reduce_min3A_127 = vector.multi_reduction <minsi>, %select_n3A_125, %reduce_min3A_126 [1] : vector<256x4096xi32> to vector<256xi32>
    %broadcast_in_dim3A_128 = vector.shape_cast %reduce_min3A_127 : vector<256xi32> to vector<256x1xi32>
    %eq3A_129 = vector.broadcast %iota3A : vector<1x4096xi32> to vector<256x4096xi32>
    %eq3A_130 = vector.broadcast %broadcast_in_dim3A_128 : vector<256x1xi32> to vector<256x4096xi32>
    %eq3A_131 = arith.cmpi eq, %eq3A_129, %eq3A_130 : vector<256x4096xi32>
    %jit3A_132 = arith.constant 0xFF800000 : f32
    %broadcast_in_dim3A_133 = vector.broadcast %jit3A_132 : f32 to vector<256x4096xf32>
    %select_n3A_134 = arith.select %eq3A_131, %broadcast_in_dim3A_133, %select_n3A_115 : vector<256x4096xi1>, vector<256x4096xf32>
    %reduce_max3A_135 = arith.constant dense<0xFF800000> : vector<256xf32>
    %reduce_max3A_136 = vector.multi_reduction <maximumf>, %select_n3A_134, %reduce_max3A_135 [1] : vector<256x4096xf32> to vector<256xf32>
    %broadcast_in_dim3A_137 = vector.shape_cast %reduce_max3A_136 : vector<256xf32> to vector<256x1xf32>
    %eq3A_138 = vector.broadcast %broadcast_in_dim3A_137 : vector<256x1xf32> to vector<256x4096xf32>
    %eq3A_139 = arith.cmpf oeq, %select_n3A_134, %eq3A_138 : vector<256x4096xf32>
    %jit3A_140 = arith.constant 4096 : i32
    %broadcast_in_dim3A_141 = vector.shape_cast %iota3A : vector<1x4096xi32> to vector<1x4096xi32>
    %broadcast_in_dim3A_142 = vector.broadcast %broadcast_in_dim3A_141 : vector<1x4096xi32> to vector<256x4096xi32>
    %broadcast_in_dim3A_143 = vector.broadcast %jit3A_140 : i32 to vector<256x4096xi32>
    %select_n3A_144 = arith.select %eq3A_139, %broadcast_in_dim3A_142, %broadcast_in_dim3A_143 : vector<256x4096xi1>, vector<256x4096xi32>
    %reduce_min3A_145 = arith.constant dense<2147483647> : vector<256xi32>
    %reduce_min3A_146 = vector.multi_reduction <minsi>, %select_n3A_144, %reduce_min3A_145 [1] : vector<256x4096xi32> to vector<256xi32>
    %broadcast_in_dim3A_147 = vector.shape_cast %reduce_min3A_146 : vector<256xi32> to vector<256x1xi32>
    %eq3A_148 = vector.broadcast %iota3A : vector<1x4096xi32> to vector<256x4096xi32>
    %eq3A_149 = vector.broadcast %broadcast_in_dim3A_147 : vector<256x1xi32> to vector<256x4096xi32>
    %eq3A_150 = arith.cmpi eq, %eq3A_148, %eq3A_149 : vector<256x4096xi32>
    %jit3A_151 = arith.constant 0xFF800000 : f32
    %broadcast_in_dim3A_152 = vector.broadcast %jit3A_151 : f32 to vector<256x4096xf32>
    %select_n3A_153 = arith.select %eq3A_150, %broadcast_in_dim3A_152, %select_n3A_134 : vector<256x4096xi1>, vector<256x4096xf32>
    %reduce_max3A_154 = arith.constant dense<0xFF800000> : vector<256xf32>
    %reduce_max3A_155 = vector.multi_reduction <maximumf>, %select_n3A_153, %reduce_max3A_154 [1] : vector<256x4096xf32> to vector<256xf32>
    %broadcast_in_dim3A_156 = vector.shape_cast %reduce_max3A_155 : vector<256xf32> to vector<256x1xf32>
    %eq3A_157 = vector.broadcast %broadcast_in_dim3A_156 : vector<256x1xf32> to vector<256x4096xf32>
    %eq3A_158 = arith.cmpf oeq, %select_n3A_153, %eq3A_157 : vector<256x4096xf32>
    %jit3A_159 = arith.constant 4096 : i32
    %broadcast_in_dim3A_160 = vector.shape_cast %iota3A : vector<1x4096xi32> to vector<1x4096xi32>
    %broadcast_in_dim3A_161 = vector.broadcast %broadcast_in_dim3A_160 : vector<1x4096xi32> to vector<256x4096xi32>
    %broadcast_in_dim3A_162 = vector.broadcast %jit3A_159 : i32 to vector<256x4096xi32>
    %select_n3A_163 = arith.select %eq3A_158, %broadcast_in_dim3A_161, %broadcast_in_dim3A_162 : vector<256x4096xi1>, vector<256x4096xi32>
    %reduce_min3A_164 = arith.constant dense<2147483647> : vector<256xi32>
    %reduce_min3A_165 = vector.multi_reduction <minsi>, %select_n3A_163, %reduce_min3A_164 [1] : vector<256x4096xi32> to vector<256xi32>
    %broadcast_in_dim3A_166 = vector.shape_cast %reduce_min3A_165 : vector<256xi32> to vector<256x1xi32>
    %eq3A_167 = vector.broadcast %iota3A : vector<1x4096xi32> to vector<256x4096xi32>
    %eq3A_168 = vector.broadcast %broadcast_in_dim3A_166 : vector<256x1xi32> to vector<256x4096xi32>
    %eq3A_169 = arith.cmpi eq, %eq3A_167, %eq3A_168 : vector<256x4096xi32>
    %jit3A_170 = arith.constant 0xFF800000 : f32
    %broadcast_in_dim3A_171 = vector.broadcast %jit3A_170 : f32 to vector<256x4096xf32>
    %select_n3A_172 = arith.select %eq3A_169, %broadcast_in_dim3A_171, %select_n3A_153 : vector<256x4096xi1>, vector<256x4096xf32>
    %reduce_max3A_173 = arith.constant dense<0xFF800000> : vector<256xf32>
    %reduce_max3A_174 = vector.multi_reduction <maximumf>, %select_n3A_172, %reduce_max3A_173 [1] : vector<256x4096xf32> to vector<256xf32>
    %broadcast_in_dim3A_175 = vector.shape_cast %reduce_max3A_174 : vector<256xf32> to vector<256x1xf32>
    %eq3A_176 = vector.broadcast %broadcast_in_dim3A_175 : vector<256x1xf32> to vector<256x4096xf32>
    %eq3A_177 = arith.cmpf oeq, %select_n3A_172, %eq3A_176 : vector<256x4096xf32>
    %jit3A_178 = arith.constant 4096 : i32
    %broadcast_in_dim3A_179 = vector.shape_cast %iota3A : vector<1x4096xi32> to vector<1x4096xi32>
    %broadcast_in_dim3A_180 = vector.broadcast %broadcast_in_dim3A_179 : vector<1x4096xi32> to vector<256x4096xi32>
    %broadcast_in_dim3A_181 = vector.broadcast %jit3A_178 : i32 to vector<256x4096xi32>
    %select_n3A_182 = arith.select %eq3A_177, %broadcast_in_dim3A_180, %broadcast_in_dim3A_181 : vector<256x4096xi1>, vector<256x4096xi32>
    %reduce_min3A_183 = arith.constant dense<2147483647> : vector<256xi32>
    %reduce_min3A_184 = vector.multi_reduction <minsi>, %select_n3A_182, %reduce_min3A_183 [1] : vector<256x4096xi32> to vector<256xi32>
    %broadcast_in_dim3A_185 = vector.shape_cast %reduce_min3A_184 : vector<256xi32> to vector<256x1xi32>
    %eq3A_186 = vector.broadcast %iota3A : vector<1x4096xi32> to vector<256x4096xi32>
    %eq3A_187 = vector.broadcast %broadcast_in_dim3A_185 : vector<256x1xi32> to vector<256x4096xi32>
    %eq3A_188 = arith.cmpi eq, %eq3A_186, %eq3A_187 : vector<256x4096xi32>
    %jit3A_189 = arith.constant 0xFF800000 : f32
    %broadcast_in_dim3A_190 = vector.broadcast %jit3A_189 : f32 to vector<256x4096xf32>
    %select_n3A_191 = arith.select %eq3A_188, %broadcast_in_dim3A_190, %select_n3A_172 : vector<256x4096xi1>, vector<256x4096xf32>
    %reduce_max3A_192 = arith.constant dense<0xFF800000> : vector<256xf32>
    %reduce_max3A_193 = vector.multi_reduction <maximumf>, %select_n3A_191, %reduce_max3A_192 [1] : vector<256x4096xf32> to vector<256xf32>
    %broadcast_in_dim3A_194 = vector.shape_cast %reduce_max3A_193 : vector<256xf32> to vector<256x1xf32>
    %eq3A_195 = vector.broadcast %broadcast_in_dim3A_194 : vector<256x1xf32> to vector<256x4096xf32>
    %eq3A_196 = arith.cmpf oeq, %select_n3A_191, %eq3A_195 : vector<256x4096xf32>
    %jit3A_197 = arith.constant 4096 : i32
    %broadcast_in_dim3A_198 = vector.shape_cast %iota3A : vector<1x4096xi32> to vector<1x4096xi32>
    %broadcast_in_dim3A_199 = vector.broadcast %broadcast_in_dim3A_198 : vector<1x4096xi32> to vector<256x4096xi32>
    %broadcast_in_dim3A_200 = vector.broadcast %jit3A_197 : i32 to vector<256x4096xi32>
    %select_n3A_201 = arith.select %eq3A_196, %broadcast_in_dim3A_199, %broadcast_in_dim3A_200 : vector<256x4096xi1>, vector<256x4096xi32>
    %reduce_min3A_202 = arith.constant dense<2147483647> : vector<256xi32>
    %reduce_min3A_203 = vector.multi_reduction <minsi>, %select_n3A_201, %reduce_min3A_202 [1] : vector<256x4096xi32> to vector<256xi32>
    %broadcast_in_dim3A_204 = vector.shape_cast %reduce_min3A_203 : vector<256xi32> to vector<256x1xi32>
    %eq3A_205 = vector.broadcast %iota3A : vector<1x4096xi32> to vector<256x4096xi32>
    %eq3A_206 = vector.broadcast %broadcast_in_dim3A_204 : vector<256x1xi32> to vector<256x4096xi32>
    %eq3A_207 = arith.cmpi eq, %eq3A_205, %eq3A_206 : vector<256x4096xi32>
    %jit3A_208 = arith.constant 0xFF800000 : f32
    %broadcast_in_dim3A_209 = vector.broadcast %jit3A_208 : f32 to vector<256x4096xf32>
    %select_n3A_210 = arith.select %eq3A_207, %broadcast_in_dim3A_209, %select_n3A_191 : vector<256x4096xi1>, vector<256x4096xf32>
    %reduce_max3A_211 = arith.constant dense<0xFF800000> : vector<256xf32>
    %reduce_max3A_212 = vector.multi_reduction <maximumf>, %select_n3A_210, %reduce_max3A_211 [1] : vector<256x4096xf32> to vector<256xf32>
    %broadcast_in_dim3A_213 = vector.shape_cast %reduce_max3A_212 : vector<256xf32> to vector<256x1xf32>
    %eq3A_214 = vector.broadcast %broadcast_in_dim3A_213 : vector<256x1xf32> to vector<256x4096xf32>
    %eq3A_215 = arith.cmpf oeq, %select_n3A_210, %eq3A_214 : vector<256x4096xf32>
    %jit3A_216 = arith.constant 4096 : i32
    %broadcast_in_dim3A_217 = vector.shape_cast %iota3A : vector<1x4096xi32> to vector<1x4096xi32>
    %broadcast_in_dim3A_218 = vector.broadcast %broadcast_in_dim3A_217 : vector<1x4096xi32> to vector<256x4096xi32>
    %broadcast_in_dim3A_219 = vector.broadcast %jit3A_216 : i32 to vector<256x4096xi32>
    %select_n3A_220 = arith.select %eq3A_215, %broadcast_in_dim3A_218, %broadcast_in_dim3A_219 : vector<256x4096xi1>, vector<256x4096xi32>
    %reduce_min3A_221 = arith.constant dense<2147483647> : vector<256xi32>
    %reduce_min3A_222 = vector.multi_reduction <minsi>, %select_n3A_220, %reduce_min3A_221 [1] : vector<256x4096xi32> to vector<256xi32>
    %broadcast_in_dim3A_223 = vector.shape_cast %reduce_min3A_222 : vector<256xi32> to vector<256x1xi32>
    %eq3A_224 = vector.broadcast %iota3A : vector<1x4096xi32> to vector<256x4096xi32>
    %eq3A_225 = vector.broadcast %broadcast_in_dim3A_223 : vector<256x1xi32> to vector<256x4096xi32>
    %eq3A_226 = arith.cmpi eq, %eq3A_224, %eq3A_225 : vector<256x4096xi32>
    %jit3A_227 = arith.constant 0xFF800000 : f32
    %broadcast_in_dim3A_228 = vector.broadcast %jit3A_227 : f32 to vector<256x4096xf32>
    %select_n3A_229 = arith.select %eq3A_226, %broadcast_in_dim3A_228, %select_n3A_210 : vector<256x4096xi1>, vector<256x4096xf32>
    %reduce_max3A_230 = arith.constant dense<0xFF800000> : vector<256xf32>
    %reduce_max3A_231 = vector.multi_reduction <maximumf>, %select_n3A_229, %reduce_max3A_230 [1] : vector<256x4096xf32> to vector<256xf32>
    %broadcast_in_dim3A_232 = vector.shape_cast %reduce_max3A_231 : vector<256xf32> to vector<256x1xf32>
    %eq3A_233 = vector.broadcast %broadcast_in_dim3A_232 : vector<256x1xf32> to vector<256x4096xf32>
    %eq3A_234 = arith.cmpf oeq, %select_n3A_229, %eq3A_233 : vector<256x4096xf32>
    %jit3A_235 = arith.constant 4096 : i32
    %broadcast_in_dim3A_236 = vector.shape_cast %iota3A : vector<1x4096xi32> to vector<1x4096xi32>
    %broadcast_in_dim3A_237 = vector.broadcast %broadcast_in_dim3A_236 : vector<1x4096xi32> to vector<256x4096xi32>
    %broadcast_in_dim3A_238 = vector.broadcast %jit3A_235 : i32 to vector<256x4096xi32>
    %select_n3A_239 = arith.select %eq3A_234, %broadcast_in_dim3A_237, %broadcast_in_dim3A_238 : vector<256x4096xi1>, vector<256x4096xi32>
    %reduce_min3A_240 = arith.constant dense<2147483647> : vector<256xi32>
    %reduce_min3A_241 = vector.multi_reduction <minsi>, %select_n3A_239, %reduce_min3A_240 [1] : vector<256x4096xi32> to vector<256xi32>
    %broadcast_in_dim3A_242 = vector.shape_cast %reduce_min3A_241 : vector<256xi32> to vector<256x1xi32>
    %eq3A_243 = vector.broadcast %iota3A : vector<1x4096xi32> to vector<256x4096xi32>
    %eq3A_244 = vector.broadcast %broadcast_in_dim3A_242 : vector<256x1xi32> to vector<256x4096xi32>
    %eq3A_245 = arith.cmpi eq, %eq3A_243, %eq3A_244 : vector<256x4096xi32>
    %jit3A_246 = arith.constant 0xFF800000 : f32
    %broadcast_in_dim3A_247 = vector.broadcast %jit3A_246 : f32 to vector<256x4096xf32>
    %select_n3A_248 = arith.select %eq3A_245, %broadcast_in_dim3A_247, %select_n3A_229 : vector<256x4096xi1>, vector<256x4096xf32>
    %reduce_max3A_249 = arith.constant dense<0xFF800000> : vector<256xf32>
    %reduce_max3A_250 = vector.multi_reduction <maximumf>, %select_n3A_248, %reduce_max3A_249 [1] : vector<256x4096xf32> to vector<256xf32>
    %broadcast_in_dim3A_251 = vector.shape_cast %reduce_max3A_250 : vector<256xf32> to vector<256x1xf32>
    %eq3A_252 = vector.broadcast %broadcast_in_dim3A_251 : vector<256x1xf32> to vector<256x4096xf32>
    %eq3A_253 = arith.cmpf oeq, %select_n3A_248, %eq3A_252 : vector<256x4096xf32>
    %jit3A_254 = arith.constant 4096 : i32
    %broadcast_in_dim3A_255 = vector.shape_cast %iota3A : vector<1x4096xi32> to vector<1x4096xi32>
    %broadcast_in_dim3A_256 = vector.broadcast %broadcast_in_dim3A_255 : vector<1x4096xi32> to vector<256x4096xi32>
    %broadcast_in_dim3A_257 = vector.broadcast %jit3A_254 : i32 to vector<256x4096xi32>
    %select_n3A_258 = arith.select %eq3A_253, %broadcast_in_dim3A_256, %broadcast_in_dim3A_257 : vector<256x4096xi1>, vector<256x4096xi32>
    %reduce_min3A_259 = arith.constant dense<2147483647> : vector<256xi32>
    %reduce_min3A_260 = vector.multi_reduction <minsi>, %select_n3A_258, %reduce_min3A_259 [1] : vector<256x4096xi32> to vector<256xi32>
    %broadcast_in_dim3A_261 = vector.shape_cast %reduce_min3A_260 : vector<256xi32> to vector<256x1xi32>
    %eq3A_262 = vector.broadcast %iota3A : vector<1x4096xi32> to vector<256x4096xi32>
    %eq3A_263 = vector.broadcast %broadcast_in_dim3A_261 : vector<256x1xi32> to vector<256x4096xi32>
    %eq3A_264 = arith.cmpi eq, %eq3A_262, %eq3A_263 : vector<256x4096xi32>
    %jit3A_265 = arith.constant 0xFF800000 : f32
    %broadcast_in_dim3A_266 = vector.broadcast %jit3A_265 : f32 to vector<256x4096xf32>
    %select_n3A_267 = arith.select %eq3A_264, %broadcast_in_dim3A_266, %select_n3A_248 : vector<256x4096xi1>, vector<256x4096xf32>
    %reduce_max3A_268 = arith.constant dense<0xFF800000> : vector<256xf32>
    %reduce_max3A_269 = vector.multi_reduction <maximumf>, %select_n3A_267, %reduce_max3A_268 [1] : vector<256x4096xf32> to vector<256xf32>
    %broadcast_in_dim3A_270 = vector.shape_cast %reduce_max3A_269 : vector<256xf32> to vector<256x1xf32>
    %eq3A_271 = vector.broadcast %broadcast_in_dim3A_270 : vector<256x1xf32> to vector<256x4096xf32>
    %eq3A_272 = arith.cmpf oeq, %select_n3A_267, %eq3A_271 : vector<256x4096xf32>
    %jit3A_273 = arith.constant 4096 : i32
    %broadcast_in_dim3A_274 = vector.shape_cast %iota3A : vector<1x4096xi32> to vector<1x4096xi32>
    %broadcast_in_dim3A_275 = vector.broadcast %broadcast_in_dim3A_274 : vector<1x4096xi32> to vector<256x4096xi32>
    %broadcast_in_dim3A_276 = vector.broadcast %jit3A_273 : i32 to vector<256x4096xi32>
    %select_n3A_277 = arith.select %eq3A_272, %broadcast_in_dim3A_275, %broadcast_in_dim3A_276 : vector<256x4096xi1>, vector<256x4096xi32>
    %reduce_min3A_278 = arith.constant dense<2147483647> : vector<256xi32>
    %reduce_min3A_279 = vector.multi_reduction <minsi>, %select_n3A_277, %reduce_min3A_278 [1] : vector<256x4096xi32> to vector<256xi32>
    %broadcast_in_dim3A_280 = vector.shape_cast %reduce_min3A_279 : vector<256xi32> to vector<256x1xi32>
    %eq3A_281 = vector.broadcast %iota3A : vector<1x4096xi32> to vector<256x4096xi32>
    %eq3A_282 = vector.broadcast %broadcast_in_dim3A_280 : vector<256x1xi32> to vector<256x4096xi32>
    %eq3A_283 = arith.cmpi eq, %eq3A_281, %eq3A_282 : vector<256x4096xi32>
    %jit3A_284 = arith.constant 0xFF800000 : f32
    %broadcast_in_dim3A_285 = vector.broadcast %jit3A_284 : f32 to vector<256x4096xf32>
    %select_n3A_286 = arith.select %eq3A_283, %broadcast_in_dim3A_285, %select_n3A_267 : vector<256x4096xi1>, vector<256x4096xf32>
    %reduce_max3A_287 = arith.constant dense<0xFF800000> : vector<256xf32>
    %reduce_max3A_288 = vector.multi_reduction <maximumf>, %select_n3A_286, %reduce_max3A_287 [1] : vector<256x4096xf32> to vector<256xf32>
    %broadcast_in_dim3A_289 = vector.shape_cast %reduce_max3A_288 : vector<256xf32> to vector<256x1xf32>
    %eq3A_290 = vector.broadcast %broadcast_in_dim3A_289 : vector<256x1xf32> to vector<256x4096xf32>
    %eq3A_291 = arith.cmpf oeq, %select_n3A_286, %eq3A_290 : vector<256x4096xf32>
    %jit3A_292 = arith.constant 4096 : i32
    %broadcast_in_dim3A_293 = vector.shape_cast %iota3A : vector<1x4096xi32> to vector<1x4096xi32>
    %broadcast_in_dim3A_294 = vector.broadcast %broadcast_in_dim3A_293 : vector<1x4096xi32> to vector<256x4096xi32>
    %broadcast_in_dim3A_295 = vector.broadcast %jit3A_292 : i32 to vector<256x4096xi32>
    %select_n3A_296 = arith.select %eq3A_291, %broadcast_in_dim3A_294, %broadcast_in_dim3A_295 : vector<256x4096xi1>, vector<256x4096xi32>
    %reduce_min3A_297 = arith.constant dense<2147483647> : vector<256xi32>
    %reduce_min3A_298 = vector.multi_reduction <minsi>, %select_n3A_296, %reduce_min3A_297 [1] : vector<256x4096xi32> to vector<256xi32>
    %broadcast_in_dim3A_299 = vector.shape_cast %reduce_min3A_298 : vector<256xi32> to vector<256x1xi32>
    %eq3A_300 = vector.broadcast %iota3A : vector<1x4096xi32> to vector<256x4096xi32>
    %eq3A_301 = vector.broadcast %broadcast_in_dim3A_299 : vector<256x1xi32> to vector<256x4096xi32>
    %eq3A_302 = arith.cmpi eq, %eq3A_300, %eq3A_301 : vector<256x4096xi32>
    %jit3A_303 = arith.constant 0xFF800000 : f32
    %broadcast_in_dim3A_304 = vector.broadcast %jit3A_303 : f32 to vector<256x4096xf32>
    %select_n3A_305 = arith.select %eq3A_302, %broadcast_in_dim3A_304, %select_n3A_286 : vector<256x4096xi1>, vector<256x4096xf32>
    %reduce_max3A_306 = arith.constant dense<0xFF800000> : vector<256xf32>
    %reduce_max3A_307 = vector.multi_reduction <maximumf>, %select_n3A_305, %reduce_max3A_306 [1] : vector<256x4096xf32> to vector<256xf32>
    %broadcast_in_dim3A_308 = vector.shape_cast %reduce_max3A_307 : vector<256xf32> to vector<256x1xf32>
    %eq3A_309 = vector.broadcast %broadcast_in_dim3A_308 : vector<256x1xf32> to vector<256x4096xf32>
    %eq3A_310 = arith.cmpf oeq, %select_n3A_305, %eq3A_309 : vector<256x4096xf32>
    %jit3A_311 = arith.constant 4096 : i32
    %broadcast_in_dim3A_312 = vector.shape_cast %iota3A : vector<1x4096xi32> to vector<1x4096xi32>
    %broadcast_in_dim3A_313 = vector.broadcast %broadcast_in_dim3A_312 : vector<1x4096xi32> to vector<256x4096xi32>
    %broadcast_in_dim3A_314 = vector.broadcast %jit3A_311 : i32 to vector<256x4096xi32>
    %select_n3A_315 = arith.select %eq3A_310, %broadcast_in_dim3A_313, %broadcast_in_dim3A_314 : vector<256x4096xi1>, vector<256x4096xi32>
    %reduce_min3A_316 = arith.constant dense<2147483647> : vector<256xi32>
    %reduce_min3A_317 = vector.multi_reduction <minsi>, %select_n3A_315, %reduce_min3A_316 [1] : vector<256x4096xi32> to vector<256xi32>
    %broadcast_in_dim3A_318 = vector.shape_cast %reduce_min3A_317 : vector<256xi32> to vector<256x1xi32>
    %eq3A_319 = vector.broadcast %iota3A : vector<1x4096xi32> to vector<256x4096xi32>
    %eq3A_320 = vector.broadcast %broadcast_in_dim3A_318 : vector<256x1xi32> to vector<256x4096xi32>
    %eq3A_321 = arith.cmpi eq, %eq3A_319, %eq3A_320 : vector<256x4096xi32>
    %jit3A_322 = arith.constant 0xFF800000 : f32
    %broadcast_in_dim3A_323 = vector.broadcast %jit3A_322 : f32 to vector<256x4096xf32>
    %select_n3A_324 = arith.select %eq3A_321, %broadcast_in_dim3A_323, %select_n3A_305 : vector<256x4096xi1>, vector<256x4096xf32>
    %reduce_max3A_325 = arith.constant dense<0xFF800000> : vector<256xf32>
    %reduce_max3A_326 = vector.multi_reduction <maximumf>, %select_n3A_324, %reduce_max3A_325 [1] : vector<256x4096xf32> to vector<256xf32>
    %broadcast_in_dim3A_327 = vector.shape_cast %reduce_max3A_326 : vector<256xf32> to vector<256x1xf32>
    %eq3A_328 = vector.broadcast %broadcast_in_dim3A_327 : vector<256x1xf32> to vector<256x4096xf32>
    %eq3A_329 = arith.cmpf oeq, %select_n3A_324, %eq3A_328 : vector<256x4096xf32>
    %jit3A_330 = arith.constant 4096 : i32
    %broadcast_in_dim3A_331 = vector.shape_cast %iota3A : vector<1x4096xi32> to vector<1x4096xi32>
    %broadcast_in_dim3A_332 = vector.broadcast %broadcast_in_dim3A_331 : vector<1x4096xi32> to vector<256x4096xi32>
    %broadcast_in_dim3A_333 = vector.broadcast %jit3A_330 : i32 to vector<256x4096xi32>
    %select_n3A_334 = arith.select %eq3A_329, %broadcast_in_dim3A_332, %broadcast_in_dim3A_333 : vector<256x4096xi1>, vector<256x4096xi32>
    %reduce_min3A_335 = arith.constant dense<2147483647> : vector<256xi32>
    %reduce_min3A_336 = vector.multi_reduction <minsi>, %select_n3A_334, %reduce_min3A_335 [1] : vector<256x4096xi32> to vector<256xi32>
    %broadcast_in_dim3A_337 = vector.shape_cast %reduce_min3A_336 : vector<256xi32> to vector<256x1xi32>
    %eq3A_338 = vector.broadcast %iota3A : vector<1x4096xi32> to vector<256x4096xi32>
    %eq3A_339 = vector.broadcast %broadcast_in_dim3A_337 : vector<256x1xi32> to vector<256x4096xi32>
    %eq3A_340 = arith.cmpi eq, %eq3A_338, %eq3A_339 : vector<256x4096xi32>
    %jit3A_341 = arith.constant 0xFF800000 : f32
    %broadcast_in_dim3A_342 = vector.broadcast %jit3A_341 : f32 to vector<256x4096xf32>
    %select_n3A_343 = arith.select %eq3A_340, %broadcast_in_dim3A_342, %select_n3A_324 : vector<256x4096xi1>, vector<256x4096xf32>
    %reduce_max3A_344 = arith.constant dense<0xFF800000> : vector<256xf32>
    %reduce_max3A_345 = vector.multi_reduction <maximumf>, %select_n3A_343, %reduce_max3A_344 [1] : vector<256x4096xf32> to vector<256xf32>
    %broadcast_in_dim3A_346 = vector.shape_cast %reduce_max3A_345 : vector<256xf32> to vector<256x1xf32>
    %eq3A_347 = vector.broadcast %broadcast_in_dim3A_346 : vector<256x1xf32> to vector<256x4096xf32>
    %eq3A_348 = arith.cmpf oeq, %select_n3A_343, %eq3A_347 : vector<256x4096xf32>
    %jit3A_349 = arith.constant 4096 : i32
    %broadcast_in_dim3A_350 = vector.shape_cast %iota3A : vector<1x4096xi32> to vector<1x4096xi32>
    %broadcast_in_dim3A_351 = vector.broadcast %broadcast_in_dim3A_350 : vector<1x4096xi32> to vector<256x4096xi32>
    %broadcast_in_dim3A_352 = vector.broadcast %jit3A_349 : i32 to vector<256x4096xi32>
    %select_n3A_353 = arith.select %eq3A_348, %broadcast_in_dim3A_351, %broadcast_in_dim3A_352 : vector<256x4096xi1>, vector<256x4096xi32>
    %reduce_min3A_354 = arith.constant dense<2147483647> : vector<256xi32>
    %reduce_min3A_355 = vector.multi_reduction <minsi>, %select_n3A_353, %reduce_min3A_354 [1] : vector<256x4096xi32> to vector<256xi32>
    %broadcast_in_dim3A_356 = vector.shape_cast %reduce_min3A_355 : vector<256xi32> to vector<256x1xi32>
    %eq3A_357 = vector.broadcast %iota3A : vector<1x4096xi32> to vector<256x4096xi32>
    %eq3A_358 = vector.broadcast %broadcast_in_dim3A_356 : vector<256x1xi32> to vector<256x4096xi32>
    %eq3A_359 = arith.cmpi eq, %eq3A_357, %eq3A_358 : vector<256x4096xi32>
    %jit3A_360 = arith.constant 0xFF800000 : f32
    %broadcast_in_dim3A_361 = vector.broadcast %jit3A_360 : f32 to vector<256x4096xf32>
    %select_n3A_362 = arith.select %eq3A_359, %broadcast_in_dim3A_361, %select_n3A_343 : vector<256x4096xi1>, vector<256x4096xf32>
    %reduce_max3A_363 = arith.constant dense<0xFF800000> : vector<256xf32>
    %reduce_max3A_364 = vector.multi_reduction <maximumf>, %select_n3A_362, %reduce_max3A_363 [1] : vector<256x4096xf32> to vector<256xf32>
    %broadcast_in_dim3A_365 = vector.shape_cast %reduce_max3A_364 : vector<256xf32> to vector<256x1xf32>
    %eq3A_366 = vector.broadcast %broadcast_in_dim3A_365 : vector<256x1xf32> to vector<256x4096xf32>
    %eq3A_367 = arith.cmpf oeq, %select_n3A_362, %eq3A_366 : vector<256x4096xf32>
    %jit3A_368 = arith.constant 4096 : i32
    %broadcast_in_dim3A_369 = vector.shape_cast %iota3A : vector<1x4096xi32> to vector<1x4096xi32>
    %broadcast_in_dim3A_370 = vector.broadcast %broadcast_in_dim3A_369 : vector<1x4096xi32> to vector<256x4096xi32>
    %broadcast_in_dim3A_371 = vector.broadcast %jit3A_368 : i32 to vector<256x4096xi32>
    %select_n3A_372 = arith.select %eq3A_367, %broadcast_in_dim3A_370, %broadcast_in_dim3A_371 : vector<256x4096xi1>, vector<256x4096xi32>
    %reduce_min3A_373 = arith.constant dense<2147483647> : vector<256xi32>
    %reduce_min3A_374 = vector.multi_reduction <minsi>, %select_n3A_372, %reduce_min3A_373 [1] : vector<256x4096xi32> to vector<256xi32>
    %broadcast_in_dim3A_375 = vector.shape_cast %reduce_min3A_374 : vector<256xi32> to vector<256x1xi32>
    %eq3A_376 = vector.broadcast %iota3A : vector<1x4096xi32> to vector<256x4096xi32>
    %eq3A_377 = vector.broadcast %broadcast_in_dim3A_375 : vector<256x1xi32> to vector<256x4096xi32>
    %eq3A_378 = arith.cmpi eq, %eq3A_376, %eq3A_377 : vector<256x4096xi32>
    %jit3A_379 = arith.constant 0xFF800000 : f32
    %broadcast_in_dim3A_380 = vector.broadcast %jit3A_379 : f32 to vector<256x4096xf32>
    %select_n3A_381 = arith.select %eq3A_378, %broadcast_in_dim3A_380, %select_n3A_362 : vector<256x4096xi1>, vector<256x4096xf32>
    %reduce_max3A_382 = arith.constant dense<0xFF800000> : vector<256xf32>
    %reduce_max3A_383 = vector.multi_reduction <maximumf>, %select_n3A_381, %reduce_max3A_382 [1] : vector<256x4096xf32> to vector<256xf32>
    %broadcast_in_dim3A_384 = vector.shape_cast %reduce_max3A_383 : vector<256xf32> to vector<256x1xf32>
    %eq3A_385 = vector.broadcast %broadcast_in_dim3A_384 : vector<256x1xf32> to vector<256x4096xf32>
    %eq3A_386 = arith.cmpf oeq, %select_n3A_381, %eq3A_385 : vector<256x4096xf32>
    %jit3A_387 = arith.constant 4096 : i32
    %broadcast_in_dim3A_388 = vector.shape_cast %iota3A : vector<1x4096xi32> to vector<1x4096xi32>
    %broadcast_in_dim3A_389 = vector.broadcast %broadcast_in_dim3A_388 : vector<1x4096xi32> to vector<256x4096xi32>
    %broadcast_in_dim3A_390 = vector.broadcast %jit3A_387 : i32 to vector<256x4096xi32>
    %select_n3A_391 = arith.select %eq3A_386, %broadcast_in_dim3A_389, %broadcast_in_dim3A_390 : vector<256x4096xi1>, vector<256x4096xi32>
    %reduce_min3A_392 = arith.constant dense<2147483647> : vector<256xi32>
    %reduce_min3A_393 = vector.multi_reduction <minsi>, %select_n3A_391, %reduce_min3A_392 [1] : vector<256x4096xi32> to vector<256xi32>
    %broadcast_in_dim3A_394 = vector.shape_cast %reduce_min3A_393 : vector<256xi32> to vector<256x1xi32>
    %concatenate3A = tpu.concatenate %broadcast_in_dim3A_33, %broadcast_in_dim3A_52, %broadcast_in_dim3A_71, %broadcast_in_dim3A_90, %broadcast_in_dim3A_109, %broadcast_in_dim3A_128, %broadcast_in_dim3A_147, %broadcast_in_dim3A_166, %broadcast_in_dim3A_185, %broadcast_in_dim3A_204, %broadcast_in_dim3A_223, %broadcast_in_dim3A_242, %broadcast_in_dim3A_261, %broadcast_in_dim3A_280, %broadcast_in_dim3A_299, %broadcast_in_dim3A_318, %broadcast_in_dim3A_337, %broadcast_in_dim3A_356, %broadcast_in_dim3A_375, %broadcast_in_dim3A_394 in 1 : vector<256x1xi32>, vector<256x1xi32>, vector<256x1xi32>, vector<256x1xi32>, vector<256x1xi32>, vector<256x1xi32>, vector<256x1xi32>, vector<256x1xi32>, vector<256x1xi32>, vector<256x1xi32>, vector<256x1xi32>, vector<256x1xi32>, vector<256x1xi32>, vector<256x1xi32>, vector<256x1xi32>, vector<256x1xi32>, vector<256x1xi32>, vector<256x1xi32>, vector<256x1xi32>, vector<256x1xi32> -> vector<256x20xi32>
    %mul3A = arith.constant 4096 : i32
    %mul3A_395 = arith.muli %arg0, %mul3A : i32
    %add3A_396 = vector.broadcast %mul3A_395 : i32 to vector<256x20xi32>
    %add3A_397 = arith.addi %concatenate3A, %add3A_396 : vector<256x20xi32>
    %swap3A = arith.constant 0 : index
    %swap3A_398 = arith.constant 0 : index
    %swap3A_399 = arith.constant 0 : index
    %swap3A_400 = vector.load %arg6[%swap3A, %swap3A_398, %swap3A_399] : memref<1x256x20xi32, #tpu.memory_space<vmem>>, vector<1x256x20xi32>
    %swap3A_401 = vector.shape_cast %swap3A_400 : vector<1x256x20xi32> to vector<256x20xi32>
    %swap3A_402 = vector.shape_cast %add3A_397 : vector<256x20xi32> to vector<1x256x20xi32>
    tpu.vector_store %arg6[%swap3A, %swap3A_398, %swap3A_399], %swap3A_402 {strides = array<i32>} : memref<1x256x20xi32, #tpu.memory_space<vmem>>, vector<1x256x20xi32>,
    return
  }
  func.func @transform_0(%arg0: i32, %arg1: i32) -> (i32, i32, i32) {
    %c0_i32 = arith.constant 0 : i32
    %c0_i32_0 = arith.constant 0 : i32
    return %arg0, %arg1, %c0_i32 : i32, i32, i32
  }
  func.func @transform_1(%arg0: i32, %arg1: i32) -> (i32, i32, i32) {
    %c0_i32 = arith.constant 0 : i32
    %c0_i32_0 = arith.constant 0 : i32
    %c0_i32_1 = arith.constant 0 : i32
    return %arg0, %c0_i32, %c0_i32_0 : i32, i32, i32
  }
  func.func @transform_2(%arg0: i32, %arg1: i32) -> (i32, i32, i32) {
    %c0_i32 = arith.constant 0 : i32
    %c0_i32_0 = arith.constant 0 : i32
    return %arg0, %arg1, %c0_i32 : i32, i32, i32
  }
  func.func @transform_3(%arg0: i32, %arg1: i32) -> (i32, i32, i32) {
    %c0_i32 = arith.constant 0 : i32
    %c0_i32_0 = arith.constant 0 : i32
    %c0_i32_1 = arith.constant 0 : i32
    return %arg0, %c0_i32, %c0_i32_0 : i32, i32, i32
  }
  func.func @transform_4(%arg0: i32, %arg1: i32) -> (i32, i32, i32) {
    %c0_i32 = arith.constant 0 : i32
    %c0_i32_0 = arith.constant 0 : i32
    return %arg0, %arg1, %c0_i32 : i32, i32, i32
  }
}

module attributes {stable_mosaic.version = 14 : i64} {
  func.func @_edgeA_body(%arg0: i32, %arg1: memref<5120x64xf32, #tpu.memory_space<vmem>>, %arg2: memref<256x64xf32, #tpu.memory_space<vmem>>, %arg3: memref<28x64xf32, #tpu.memory_space<vmem>>, %arg4: memref<5120x64xf32, #tpu.memory_space<vmem>>) attributes {dimension_semantics = [#tpu.dimension_semantics<arbitrary>], iteration_bounds = array<i64: 64>, scalar_prefetch = 0 : i64, scratch_operands = 0 : i64, tpu.core_type = #tpu.core_type<tc>, window_params = [{transform_indices = @transform_0, window_bounds = array<i64: 5120, 64>}, {transform_indices = @transform_1, window_bounds = array<i64: 256, 64>}, {pipeline_mode = #tpu.pipeline_mode<synchronous>, transform_indices = @transform_2, window_bounds = array<i64: 28, 64>}, {transform_indices = @transform_3, window_bounds = array<i64: 5120, 64>}]} {
    %get3A = arith.constant 0 : index
    %get3A_0 = arith.constant 0 : index
    %get3A_1 = vector.load %arg1[%get3A, %get3A_0] : memref<5120x64xf32, #tpu.memory_space<vmem>>, vector<5120x64xf32>
    %get3A_2 = arith.constant 0 : index
    %get3A_3 = arith.constant 0 : index
    %get3A_4 = vector.load %arg2[%get3A_2, %get3A_3] : memref<256x64xf32, #tpu.memory_space<vmem>>, vector<256x64xf32>
    %broadcast_in_dim3A = vector.shape_cast %get3A_4 : vector<256x64xf32> to vector<256x1x64xf32>
    %broadcast_in_dim3A_5 = vector.shape_cast %broadcast_in_dim3A : vector<256x1x64xf32> to vector<256x1x64xf32>
    %broadcast_in_dim3A_6 = vector.broadcast %broadcast_in_dim3A_5 : vector<256x1x64xf32> to vector<256x20x64xf32>
    %reshape3A = vector.shape_cast %broadcast_in_dim3A_6 : vector<256x20x64xf32> to vector<5120x64xf32>
    %sub3A = arith.subf %get3A_1, %reshape3A : vector<5120x64xf32>
    %slice3A = vector.extract_strided_slice %sub3A {offsets = [0, 0], sizes = [5120, 14], strides = [1, 1]} : vector<5120x64xf32> to vector<5120x14xf32>
    %slice3A_7 = vector.extract_strided_slice %reshape3A {offsets = [0, 0], sizes = [5120, 14], strides = [1, 1]} : vector<5120x64xf32> to vector<5120x14xf32>
    %concatenate3A = tpu.concatenate %slice3A, %slice3A_7 in 1 : vector<5120x14xf32>, vector<5120x14xf32> -> vector<5120x28xf32>
    %get3A_8 = arith.constant 0 : index
    %get3A_9 = arith.constant 0 : index
    %get3A_10 = vector.load %arg3[%get3A_8, %get3A_9] : memref<28x64xf32, #tpu.memory_space<vmem>>, vector<28x64xf32>
    %dot_general3A = arith.constant dense<0.000000e+00> : vector<5120x64xf32>
    %dot_general3A_11 = tpu.matmul %concatenate3A, %get3A_10, %dot_general3A {dimension_numbers = #tpu.dot_dimension_numbers<[1], [0], [0], [1], [0, 0, 1, 1], [], []>, transpose_lhs_hint = false} : vector<5120x28xf32>, vector<28x64xf32>, vector<5120x64xf32> -> vector<5120x64xf32>
    %swap3A = arith.constant 0 : index
    %swap3A_12 = arith.constant 0 : index
    %swap3A_13 = vector.load %arg4[%swap3A, %swap3A_12] : memref<5120x64xf32, #tpu.memory_space<vmem>>, vector<5120x64xf32>
    tpu.vector_store %arg4[%swap3A, %swap3A_12], %dot_general3A_11 {strides = array<i32>} : memref<5120x64xf32, #tpu.memory_space<vmem>>, vector<5120x64xf32>,
    return
  }
  func.func @transform_0(%arg0: i32) -> (i32, i32) {
    %c0_i32 = arith.constant 0 : i32
    %c0_i32_0 = arith.constant 0 : i32
    return %arg0, %c0_i32 : i32, i32
  }
  func.func @transform_1(%arg0: i32) -> (i32, i32) {
    %c0_i32 = arith.constant 0 : i32
    %c0_i32_0 = arith.constant 0 : i32
    return %arg0, %c0_i32 : i32, i32
  }
  func.func @transform_2(%arg0: i32) -> (i32, i32) {
    %c0_i32 = arith.constant 0 : i32
    %c0_i32_0 = arith.constant 0 : i32
    %c0_i32_1 = arith.constant 0 : i32
    return %c0_i32, %c0_i32_0 : i32, i32
  }
  func.func @transform_3(%arg0: i32) -> (i32, i32) {
    %c0_i32 = arith.constant 0 : i32
    %c0_i32_0 = arith.constant 0 : i32
    return %arg0, %c0_i32 : i32, i32
  }
}

module attributes {stable_mosaic.version = 14 : i64} {
  func.func @_tr_body(%arg0: i32, %arg1: memref<5120x64xf32, #tpu.memory_space<vmem>>, %arg2: memref<1x64x5120xf32, #tpu.memory_space<vmem>>) attributes {dimension_semantics = [#tpu.dimension_semantics<arbitrary>], iteration_bounds = array<i64: 64>, scalar_prefetch = 0 : i64, scratch_operands = 0 : i64, tpu.core_type = #tpu.core_type<tc>, window_params = [{transform_indices = @transform_0, window_bounds = array<i64: 5120, 64>}, {transform_indices = @transform_1, window_bounds = array<i64: 1, 64, 5120>}]} {
    %get3A = arith.constant 0 : index
    %get3A_0 = arith.constant 0 : index
    %get3A_1 = vector.load %arg1[%get3A, %get3A_0] : memref<5120x64xf32, #tpu.memory_space<vmem>>, vector<5120x64xf32>
    %transpose3A = tpu.transpose %get3A_1, [1, 0] : vector<5120x64xf32> -> vector<64x5120xf32>
    %swap3A = arith.constant 0 : index
    %swap3A_2 = arith.constant 0 : index
    %swap3A_3 = arith.constant 0 : index
    %swap3A_4 = vector.load %arg2[%swap3A, %swap3A_2, %swap3A_3] : memref<1x64x5120xf32, #tpu.memory_space<vmem>>, vector<1x64x5120xf32>
    %swap3A_5 = vector.shape_cast %swap3A_4 : vector<1x64x5120xf32> to vector<64x5120xf32>
    %swap3A_6 = vector.shape_cast %transpose3A : vector<64x5120xf32> to vector<1x64x5120xf32>
    tpu.vector_store %arg2[%swap3A, %swap3A_2, %swap3A_3], %swap3A_6 {strides = array<i32>} : memref<1x64x5120xf32, #tpu.memory_space<vmem>>, vector<1x64x5120xf32>,
    return
  }
  func.func @transform_0(%arg0: i32) -> (i32, i32) {
    %c0_i32 = arith.constant 0 : i32
    %c0_i32_0 = arith.constant 0 : i32
    return %arg0, %c0_i32 : i32, i32
  }
  func.func @transform_1(%arg0: i32) -> (i32, i32, i32) {
    %jit3A = arith.constant 16 : i32
    %div3A = arith.divsi %arg0, %jit3A : i32
    %sign3A = arith.constant 0 : i32
    %sign3A_0 = arith.cmpi sgt, %arg0, %sign3A : i32
    %sign3A_1 = arith.extui %sign3A_0 : i1 to i32
    %sign3A_2 = arith.constant 0 : i32
    %sign3A_3 = arith.cmpi slt, %arg0, %sign3A_2 : i32
    %sign3A_4 = arith.extui %sign3A_3 : i1 to i32
    %sign3A_5 = arith.subi %sign3A_1, %sign3A_4 : i32
    %sign3A_6 = arith.constant 0 : i32
    %sign3A_7 = arith.cmpi sgt, %jit3A, %sign3A_6 : i32
    %sign3A_8 = arith.extui %sign3A_7 : i1 to i32
    %sign3A_9 = arith.constant 0 : i32
    %sign3A_10 = arith.cmpi slt, %jit3A, %sign3A_9 : i32
    %sign3A_11 = arith.extui %sign3A_10 : i1 to i32
    %sign3A_12 = arith.subi %sign3A_8, %sign3A_11 : i32
    %ne3A = arith.cmpi ne, %sign3A_5, %sign3A_12 : i32
    %rem3A = arith.remsi %arg0, %jit3A : i32
    %ne3A_13 = arith.constant 0 : i32
    %ne3A_14 = arith.cmpi ne, %rem3A, %ne3A_13 : i32
    %and3A = arith.andi %ne3A, %ne3A_14 : i1
    %sub3A = arith.constant 1 : i32
    %sub3A_15 = arith.subi %div3A, %sub3A : i32
    %select_n3A = arith.select %and3A, %sub3A_15, %div3A : i32
    %jit3A_16 = arith.constant 16 : i32
    %eq3A = arith.constant 0 : i32
    %eq3A_17 = arith.cmpi eq, %jit3A_16, %eq3A : i32
    %jit3A_18 = arith.constant 1 : i32
    %select_n3A_19 = arith.select %eq3A_17, %jit3A_18, %jit3A_16 : i32
    %rem3A_20 = arith.remsi %arg0, %select_n3A_19 : i32
    %ne3A_21 = arith.constant 0 : i32
    %ne3A_22 = arith.cmpi ne, %rem3A_20, %ne3A_21 : i32
    %lt3A = arith.constant 0 : i32
    %lt3A_23 = arith.cmpi slt, %rem3A_20, %lt3A : i32
    %lt3A_24 = arith.constant 0 : i32
    %lt3A_25 = arith.cmpi slt, %select_n3A_19, %lt3A_24 : i32
    %ne3A_26 = arith.xori %lt3A_23, %lt3A_25 : i1
    %and3A_27 = arith.andi %ne3A_26, %ne3A_22 : i1
    %add3A = arith.addi %rem3A_20, %select_n3A_19 : i32
    %select_n3A_28 = arith.select %and3A_27, %add3A, %rem3A_20 : i32
    %c0_i32 = arith.constant 0 : i32
    %c0_i32_29 = arith.constant 0 : i32
    return %select_n3A, %c0_i32, %select_n3A_28 : i32, i32, i32
  }
}

module attributes {stable_mosaic.version = 14 : i64} {
  func.func @_bnmm_body(%arg0: i32, %arg1: memref<5120x64xf32, #tpu.memory_space<vmem>>, %arg2: memref<1x64xf32, #tpu.memory_space<vmem>>, %arg3: memref<1x64xf32, #tpu.memory_space<vmem>>, %arg4: memref<1x64xf32, #tpu.memory_space<vmem>>, %arg5: memref<1x64xf32, #tpu.memory_space<vmem>>, %arg6: memref<64x64xf32, #tpu.memory_space<vmem>>, %arg7: memref<5120x64xf32, #tpu.memory_space<vmem>>) attributes {dimension_semantics = [#tpu.dimension_semantics<arbitrary>], iteration_bounds = array<i64: 64>, scalar_prefetch = 0 : i64, scratch_operands = 0 : i64, tpu.core_type = #tpu.core_type<tc>, window_params = [{transform_indices = @transform_0, window_bounds = array<i64: 5120, 64>}, {pipeline_mode = #tpu.pipeline_mode<synchronous>, transform_indices = @transform_1, window_bounds = array<i64: 1, 64>}, {pipeline_mode = #tpu.pipeline_mode<synchronous>, transform_indices = @transform_2, window_bounds = array<i64: 1, 64>}, {pipeline_mode = #tpu.pipeline_mode<synchronous>, transform_indices = @transform_3, window_bounds = array<i64: 1, 64>}, {pipeline_mode = #tpu.pipeline_mode<synchronous>, transform_indices = @transform_4, window_bounds = array<i64: 1, 64>}, {pipeline_mode = #tpu.pipeline_mode<synchronous>, transform_indices = @transform_5, window_bounds = array<i64: 64, 64>}, {transform_indices = @transform_6, window_bounds = array<i64: 5120, 64>}]} {
    %get3A = arith.constant 0 : index
    %get3A_0 = arith.constant 0 : index
    %get3A_1 = vector.load %arg1[%get3A, %get3A_0] : memref<5120x64xf32, #tpu.memory_space<vmem>>, vector<5120x64xf32>
    %get3A_2 = arith.constant 0 : index
    %get3A_3 = arith.constant 0 : index
    %get3A_4 = vector.load %arg2[%get3A_2, %get3A_3] : memref<1x64xf32, #tpu.memory_space<vmem>>, vector<1x64xf32>
    %sub3A = vector.broadcast %get3A_4 : vector<1x64xf32> to vector<5120x64xf32>
    %sub3A_5 = arith.subf %get3A_1, %sub3A : vector<5120x64xf32>
    %get3A_6 = arith.constant 0 : index
    %get3A_7 = arith.constant 0 : index
    %get3A_8 = vector.load %arg3[%get3A_6, %get3A_7] : memref<1x64xf32, #tpu.memory_space<vmem>>, vector<1x64xf32>
    %div3A = vector.broadcast %get3A_8 : vector<1x64xf32> to vector<5120x64xf32>
    %div3A_9 = arith.divf %sub3A_5, %div3A : vector<5120x64xf32>
    %get3A_10 = arith.constant 0 : index
    %get3A_11 = arith.constant 0 : index
    %get3A_12 = vector.load %arg4[%get3A_10, %get3A_11] : memref<1x64xf32, #tpu.memory_space<vmem>>, vector<1x64xf32>
    %mul3A = vector.broadcast %get3A_12 : vector<1x64xf32> to vector<5120x64xf32>
    %mul3A_13 = arith.mulf %div3A_9, %mul3A : vector<5120x64xf32>
    %get3A_14 = arith.constant 0 : index
    %get3A_15 = arith.constant 0 : index
    %get3A_16 = vector.load %arg5[%get3A_14, %get3A_15] : memref<1x64xf32, #tpu.memory_space<vmem>>, vector<1x64xf32>
    %add3A = vector.broadcast %get3A_16 : vector<1x64xf32> to vector<5120x64xf32>
    %add3A_17 = arith.addf %mul3A_13, %add3A : vector<5120x64xf32>
    %gt3A = arith.constant 0.000000e+00 : f32
    %gt3A_18 = vector.broadcast %gt3A : f32 to vector<5120x64xf32>
    %gt3A_19 = arith.cmpf ogt, %add3A_17, %gt3A_18 : vector<5120x64xf32>
    %mul3A_20 = arith.constant 2.000000e-01 : f32
    %mul3A_21 = vector.broadcast %mul3A_20 : f32 to vector<5120x64xf32>
    %mul3A_22 = arith.mulf %mul3A_21, %add3A_17 : vector<5120x64xf32>
    %select_n3A = arith.select %gt3A_19, %add3A_17, %mul3A_22 : vector<5120x64xi1>, vector<5120x64xf32>
    %get3A_23 = arith.constant 0 : index
    %get3A_24 = arith.constant 0 : index
    %get3A_25 = vector.load %arg6[%get3A_23, %get3A_24] : memref<64x64xf32, #tpu.memory_space<vmem>>, vector<64x64xf32>
    %dot_general3A = arith.constant dense<0.000000e+00> : vector<5120x64xf32>
    %dot_general3A_26 = tpu.matmul %select_n3A, %get3A_25, %dot_general3A {dimension_numbers = #tpu.dot_dimension_numbers<[1], [0], [0], [1], [0, 0, 1, 1], [], []>, transpose_lhs_hint = false} : vector<5120x64xf32>, vector<64x64xf32>, vector<5120x64xf32> -> vector<5120x64xf32>
    %swap3A = arith.constant 0 : index
    %swap3A_27 = arith.constant 0 : index
    %swap3A_28 = vector.load %arg7[%swap3A, %swap3A_27] : memref<5120x64xf32, #tpu.memory_space<vmem>>, vector<5120x64xf32>
    tpu.vector_store %arg7[%swap3A, %swap3A_27], %dot_general3A_26 {strides = array<i32>} : memref<5120x64xf32, #tpu.memory_space<vmem>>, vector<5120x64xf32>,
    return
  }
  func.func @transform_0(%arg0: i32) -> (i32, i32) {
    %c0_i32 = arith.constant 0 : i32
    %c0_i32_0 = arith.constant 0 : i32
    return %arg0, %c0_i32 : i32, i32
  }
  func.func @transform_1(%arg0: i32) -> (i32, i32) {
    %c0_i32 = arith.constant 0 : i32
    %c0_i32_0 = arith.constant 0 : i32
    %c0_i32_1 = arith.constant 0 : i32
    return %c0_i32, %c0_i32_0 : i32, i32
  }
  func.func @transform_2(%arg0: i32) -> (i32, i32) {
    %c0_i32 = arith.constant 0 : i32
    %c0_i32_0 = arith.constant 0 : i32
    %c0_i32_1 = arith.constant 0 : i32
    return %c0_i32, %c0_i32_0 : i32, i32
  }
  func.func @transform_3(%arg0: i32) -> (i32, i32) {
    %c0_i32 = arith.constant 0 : i32
    %c0_i32_0 = arith.constant 0 : i32
    %c0_i32_1 = arith.constant 0 : i32
    return %c0_i32, %c0_i32_0 : i32, i32
  }
  func.func @transform_4(%arg0: i32) -> (i32, i32) {
    %c0_i32 = arith.constant 0 : i32
    %c0_i32_0 = arith.constant 0 : i32
    %c0_i32_1 = arith.constant 0 : i32
    return %c0_i32, %c0_i32_0 : i32, i32
  }
  func.func @transform_5(%arg0: i32) -> (i32, i32) {
    %c0_i32 = arith.constant 0 : i32
    %c0_i32_0 = arith.constant 0 : i32
    %c0_i32_1 = arith.constant 0 : i32
    return %c0_i32, %c0_i32_0 : i32, i32
  }
  func.func @transform_6(%arg0: i32) -> (i32, i32) {
    %c0_i32 = arith.constant 0 : i32
    %c0_i32_0 = arith.constant 0 : i32
    return %arg0, %c0_i32 : i32, i32
  }
}

module attributes {stable_mosaic.version = 14 : i64} {
  func.func @_maxk_body(%arg0: i32, %arg1: memref<5120x64xf32, #tpu.memory_space<vmem>>, %arg2: memref<1x64xf32, #tpu.memory_space<vmem>>, %arg3: memref<1x64xf32, #tpu.memory_space<vmem>>, %arg4: memref<1x64xf32, #tpu.memory_space<vmem>>, %arg5: memref<1x64xf32, #tpu.memory_space<vmem>>, %arg6: memref<256x64xf32, #tpu.memory_space<vmem>>, %arg7: memref<256x1xf32, #tpu.memory_space<vmem>>) attributes {dimension_semantics = [#tpu.dimension_semantics<arbitrary>], iteration_bounds = array<i64: 64>, scalar_prefetch = 0 : i64, scratch_operands = 0 : i64, tpu.core_type = #tpu.core_type<tc>, window_params = [{transform_indices = @transform_0, window_bounds = array<i64: 5120, 64>}, {pipeline_mode = #tpu.pipeline_mode<synchronous>, transform_indices = @transform_1, window_bounds = array<i64: 1, 64>}, {pipeline_mode = #tpu.pipeline_mode<synchronous>, transform_indices = @transform_2, window_bounds = array<i64: 1, 64>}, {pipeline_mode = #tpu.pipeline_mode<synchronous>, transform_indices = @transform_3, window_bounds = array<i64: 1, 64>}, {pipeline_mode = #tpu.pipeline_mode<synchronous>, transform_indices = @transform_4, window_bounds = array<i64: 1, 64>}, {transform_indices = @transform_5, window_bounds = array<i64: 256, 64>}, {transform_indices = @transform_6, window_bounds = array<i64: 256, 1>}]} {
    %get3A = arith.constant 0 : index
    %get3A_0 = arith.constant 0 : index
    %get3A_1 = vector.load %arg1[%get3A, %get3A_0] : memref<5120x64xf32, #tpu.memory_space<vmem>>, vector<5120x64xf32>
    %get3A_2 = arith.constant 0 : index
    %get3A_3 = arith.constant 0 : index
    %get3A_4 = vector.load %arg2[%get3A_2, %get3A_3] : memref<1x64xf32, #tpu.memory_space<vmem>>, vector<1x64xf32>
    %sub3A = vector.broadcast %get3A_4 : vector<1x64xf32> to vector<5120x64xf32>
    %sub3A_5 = arith.subf %get3A_1, %sub3A : vector<5120x64xf32>
    %get3A_6 = arith.constant 0 : index
    %get3A_7 = arith.constant 0 : index
    %get3A_8 = vector.load %arg3[%get3A_6, %get3A_7] : memref<1x64xf32, #tpu.memory_space<vmem>>, vector<1x64xf32>
    %div3A = vector.broadcast %get3A_8 : vector<1x64xf32> to vector<5120x64xf32>
    %div3A_9 = arith.divf %sub3A_5, %div3A : vector<5120x64xf32>
    %get3A_10 = arith.constant 0 : index
    %get3A_11 = arith.constant 0 : index
    %get3A_12 = vector.load %arg4[%get3A_10, %get3A_11] : memref<1x64xf32, #tpu.memory_space<vmem>>, vector<1x64xf32>
    %mul3A = vector.broadcast %get3A_12 : vector<1x64xf32> to vector<5120x64xf32>
    %mul3A_13 = arith.mulf %div3A_9, %mul3A : vector<5120x64xf32>
    %get3A_14 = arith.constant 0 : index
    %get3A_15 = arith.constant 0 : index
    %get3A_16 = vector.load %arg5[%get3A_14, %get3A_15] : memref<1x64xf32, #tpu.memory_space<vmem>>, vector<1x64xf32>
    %add3A = vector.broadcast %get3A_16 : vector<1x64xf32> to vector<5120x64xf32>
    %add3A_17 = arith.addf %mul3A_13, %add3A : vector<5120x64xf32>
    %gt3A = arith.constant 0.000000e+00 : f32
    %gt3A_18 = vector.broadcast %gt3A : f32 to vector<5120x64xf32>
    %gt3A_19 = arith.cmpf ogt, %add3A_17, %gt3A_18 : vector<5120x64xf32>
    %mul3A_20 = arith.constant 2.000000e-01 : f32
    %mul3A_21 = vector.broadcast %mul3A_20 : f32 to vector<5120x64xf32>
    %mul3A_22 = arith.mulf %mul3A_21, %add3A_17 : vector<5120x64xf32>
    %select_n3A = arith.select %gt3A_19, %add3A_17, %mul3A_22 : vector<5120x64xi1>, vector<5120x64xf32>
    %reshape3A = vector.shape_cast %select_n3A : vector<5120x64xf32> to vector<256x20x64xf32>
    %reduce_max3A = arith.constant dense<0xFF800000> : vector<256x64xf32>
    %reduce_max3A_23 = vector.multi_reduction <maximumf>, %reshape3A, %reduce_max3A [1] : vector<256x20x64xf32> to vector<256x64xf32>
    %swap3A = arith.constant 0 : index
    %swap3A_24 = arith.constant 0 : index
    %swap3A_25 = vector.load %arg6[%swap3A, %swap3A_24] : memref<256x64xf32, #tpu.memory_space<vmem>>, vector<256x64xf32>
    tpu.vector_store %arg6[%swap3A, %swap3A_24], %reduce_max3A_23 {strides = array<i32>} : memref<256x64xf32, #tpu.memory_space<vmem>>, vector<256x64xf32>,
    %mul3A_26 = arith.mulf %reduce_max3A_23, %reduce_max3A_23 : vector<256x64xf32>
    %reduce_sum3A = arith.constant dense<0.000000e+00> : vector<256xf32>
    %reduce_sum3A_27 = vector.multi_reduction <add>, %mul3A_26, %reduce_sum3A [1] : vector<256x64xf32> to vector<256xf32>
    %broadcast_in_dim3A = vector.shape_cast %reduce_sum3A_27 : vector<256xf32> to vector<256x1xf32>
    %swap3A_28 = arith.constant 0 : index
    %swap3A_29 = arith.constant 0 : index
    %swap3A_30 = vector.load %arg7[%swap3A_28, %swap3A_29] : memref<256x1xf32, #tpu.memory_space<vmem>>, vector<256x1xf32>
    tpu.vector_store %arg7[%swap3A_28, %swap3A_29], %broadcast_in_dim3A {strides = array<i32>} : memref<256x1xf32, #tpu.memory_space<vmem>>, vector<256x1xf32>,
    return
  }
  func.func @transform_0(%arg0: i32) -> (i32, i32) {
    %c0_i32 = arith.constant 0 : i32
    %c0_i32_0 = arith.constant 0 : i32
    return %arg0, %c0_i32 : i32, i32
  }
  func.func @transform_1(%arg0: i32) -> (i32, i32) {
    %c0_i32 = arith.constant 0 : i32
    %c0_i32_0 = arith.constant 0 : i32
    %c0_i32_1 = arith.constant 0 : i32
    return %c0_i32, %c0_i32_0 : i32, i32
  }
  func.func @transform_2(%arg0: i32) -> (i32, i32) {
    %c0_i32 = arith.constant 0 : i32
    %c0_i32_0 = arith.constant 0 : i32
    %c0_i32_1 = arith.constant 0 : i32
    return %c0_i32, %c0_i32_0 : i32, i32
  }
  func.func @transform_3(%arg0: i32) -> (i32, i32) {
    %c0_i32 = arith.constant 0 : i32
    %c0_i32_0 = arith.constant 0 : i32
    %c0_i32_1 = arith.constant 0 : i32
    return %c0_i32, %c0_i32_0 : i32, i32
  }
  func.func @transform_4(%arg0: i32) -> (i32, i32) {
    %c0_i32 = arith.constant 0 : i32
    %c0_i32_0 = arith.constant 0 : i32
    %c0_i32_1 = arith.constant 0 : i32
    return %c0_i32, %c0_i32_0 : i32, i32
  }
  func.func @transform_5(%arg0: i32) -> (i32, i32) {
    %c0_i32 = arith.constant 0 : i32
    %c0_i32_0 = arith.constant 0 : i32
    return %arg0, %c0_i32 : i32, i32
  }
  func.func @transform_6(%arg0: i32) -> (i32, i32) {
    %c0_i32 = arith.constant 0 : i32
    %c0_i32_0 = arith.constant 0 : i32
    return %arg0, %c0_i32 : i32, i32
  }
}

module attributes {stable_mosaic.version = 14 : i64} {
  func.func @_knn_l2_body(%arg0: i32, %arg1: i32, %arg2: memref<1x256x64xf32, #tpu.memory_space<vmem>>, %arg3: memref<1x4096x64xf32, #tpu.memory_space<vmem>>, %arg4: memref<1x256x1xf32, #tpu.memory_space<vmem>>, %arg5: memref<1x1x4096xf32, #tpu.memory_space<vmem>>, %arg6: memref<1x256x20xi32, #tpu.memory_space<vmem>>) attributes {dimension_semantics = [#tpu.dimension_semantics<arbitrary>, #tpu.dimension_semantics<arbitrary>], iteration_bounds = array<i64: 4, 16>, scalar_prefetch = 0 : i64, scratch_operands = 0 : i64, tpu.core_type = #tpu.core_type<tc>, window_params = [{transform_indices = @transform_0, window_bounds = array<i64: 1, 256, 64>}, {transform_indices = @transform_1, window_bounds = array<i64: 1, 4096, 64>}, {transform_indices = @transform_2, window_bounds = array<i64: 1, 256, 1>}, {transform_indices = @transform_3, window_bounds = array<i64: 1, 1, 4096>}, {transform_indices = @transform_4, window_bounds = array<i64: 1, 256, 20>}]} {
    %get3A = arith.constant 0 : index
    %get3A_0 = arith.constant 0 : index
    %get3A_1 = arith.constant 0 : index
    %get3A_2 = vector.load %arg2[%get3A, %get3A_0, %get3A_1] : memref<1x256x64xf32, #tpu.memory_space<vmem>>, vector<1x256x64xf32>
    %get3A_3 = vector.shape_cast %get3A_2 : vector<1x256x64xf32> to vector<256x64xf32>
    %get3A_4 = arith.constant 0 : index
    %get3A_5 = arith.constant 0 : index
    %get3A_6 = arith.constant 0 : index
    %get3A_7 = vector.load %arg3[%get3A_4, %get3A_5, %get3A_6] : memref<1x4096x64xf32, #tpu.memory_space<vmem>>, vector<1x4096x64xf32>
    %get3A_8 = vector.shape_cast %get3A_7 : vector<1x4096x64xf32> to vector<4096x64xf32>
    %dot_general3A = arith.constant dense<0.000000e+00> : vector<256x4096xf32>
    %dot_general3A_9 = tpu.matmul %get3A_3, %get3A_8, %dot_general3A {dimension_numbers = #tpu.dot_dimension_numbers<[1], [1], [0], [0], [0, 0, 1, 0], [], []>, transpose_lhs_hint = false} : vector<256x64xf32>, vector<4096x64xf32>, vector<256x4096xf32> -> vector<256x4096xf32>
    %mul3A = arith.constant -2.000000e+00 : f32
    %mul3A_10 = vector.broadcast %mul3A : f32 to vector<256x4096xf32>
    %mul3A_11 = arith.mulf %mul3A_10, %dot_general3A_9 : vector<256x4096xf32>
    %get3A_12 = arith.constant 0 : index
    %get3A_13 = arith.constant 0 : index
    %get3A_14 = arith.constant 0 : index
    %get3A_15 = vector.load %arg4[%get3A_12, %get3A_13, %get3A_14] : memref<1x256x1xf32, #tpu.memory_space<vmem>>, vector<1x256x1xf32>
    %get3A_16 = vector.shape_cast %get3A_15 : vector<1x256x1xf32> to vector<256x1xf32>
    %neg3A = arith.constant 0.000000e+00 : f32
    %neg3A_17 = vector.broadcast %neg3A : f32 to vector<256x1xf32>
    %neg3A_18 = arith.subf %neg3A_17, %get3A_16 : vector<256x1xf32>
    %sub3A = vector.broadcast %neg3A_18 : vector<256x1xf32> to vector<256x4096xf32>
    %sub3A_19 = arith.subf %sub3A, %mul3A_11 : vector<256x4096xf32>
    %get3A_20 = arith.constant 0 : index
    %get3A_21 = arith.constant 0 : index
    %get3A_22 = arith.constant 0 : index
    %get3A_23 = vector.load %arg5[%get3A_20, %get3A_21, %get3A_22] : memref<1x1x4096xf32, #tpu.memory_space<vmem>>, vector<1x1x4096xf32>
    %get3A_24 = vector.shape_cast %get3A_23 : vector<1x1x4096xf32> to vector<1x4096xf32>
    %sub3A_25 = vector.broadcast %get3A_24 : vector<1x4096xf32> to vector<256x4096xf32>
    %sub3A_26 = arith.subf %sub3A_19, %sub3A_25 : vector<256x4096xf32>
    %iota3A = tpu.iota {dimensions = array<i32: 1>} : vector<1x4096xi32>
    %reduce_max3A = arith.constant dense<0xFF800000> : vector<256xf32>
    %reduce_max3A_27 = vector.multi_reduction <maximumf>, %sub3A_26, %reduce_max3A [1] : vector<256x4096xf32> to vector<256xf32>
    %broadcast_in_dim3A = vector.shape_cast %reduce_max3A_27 : vector<256xf32> to vector<256x1xf32>
    %eq3A = vector.broadcast %broadcast_in_dim3A : vector<256x1xf32> to vector<256x4096xf32>
    %eq3A_28 = arith.cmpf oeq, %sub3A_26, %eq3A : vector<256x4096xf32>
    %jit3A = arith.constant 4096 : i32
    %broadcast_in_dim3A_29 = vector.shape_cast %iota3A : vector<1x4096xi32> to vector<1x4096xi32>
    %broadcast_in_dim3A_30 = vector.broadcast %broadcast_in_dim3A_29 : vector<1x4096xi32> to vector<256x4096xi32>
    %broadcast_in_dim3A_31 = vector.broadcast %jit3A : i32 to vector<256x4096xi32>
    %select_n3A = arith.select %eq3A_28, %broadcast_in_dim3A_30, %broadcast_in_dim3A_31 : vector<256x4096xi1>, vector<256x4096xi32>
    %reduce_min3A = arith.constant dense<2147483647> : vector<256xi32>
    %reduce_min3A_32 = vector.multi_reduction <minsi>, %select_n3A, %reduce_min3A [1] : vector<256x4096xi32> to vector<256xi32>
    %broadcast_in_dim3A_33 = vector.shape_cast %reduce_min3A_32 : vector<256xi32> to vector<256x1xi32>
    %eq3A_34 = vector.broadcast %iota3A : vector<1x4096xi32> to vector<256x4096xi32>
    %eq3A_35 = vector.broadcast %broadcast_in_dim3A_33 : vector<256x1xi32> to vector<256x4096xi32>
    %eq3A_36 = arith.cmpi eq, %eq3A_34, %eq3A_35 : vector<256x4096xi32>
    %jit3A_37 = arith.constant 0xFF800000 : f32
    %broadcast_in_dim3A_38 = vector.broadcast %jit3A_37 : f32 to vector<256x4096xf32>
    %select_n3A_39 = arith.select %eq3A_36, %broadcast_in_dim3A_38, %sub3A_26 : vector<256x4096xi1>, vector<256x4096xf32>
    %reduce_max3A_40 = arith.constant dense<0xFF800000> : vector<256xf32>
    %reduce_max3A_41 = vector.multi_reduction <maximumf>, %select_n3A_39, %reduce_max3A_40 [1] : vector<256x4096xf32> to vector<256xf32>
    %broadcast_in_dim3A_42 = vector.shape_cast %reduce_max3A_41 : vector<256xf32> to vector<256x1xf32>
    %eq3A_43 = vector.broadcast %broadcast_in_dim3A_42 : vector<256x1xf32> to vector<256x4096xf32>
    %eq3A_44 = arith.cmpf oeq, %select_n3A_39, %eq3A_43 : vector<256x4096xf32>
    %jit3A_45 = arith.constant 4096 : i32
    %broadcast_in_dim3A_46 = vector.shape_cast %iota3A : vector<1x4096xi32> to vector<1x4096xi32>
    %broadcast_in_dim3A_47 = vector.broadcast %broadcast_in_dim3A_46 : vector<1x4096xi32> to vector<256x4096xi32>
    %broadcast_in_dim3A_48 = vector.broadcast %jit3A_45 : i32 to vector<256x4096xi32>
    %select_n3A_49 = arith.select %eq3A_44, %broadcast_in_dim3A_47, %broadcast_in_dim3A_48 : vector<256x4096xi1>, vector<256x4096xi32>
    %reduce_min3A_50 = arith.constant dense<2147483647> : vector<256xi32>
    %reduce_min3A_51 = vector.multi_reduction <minsi>, %select_n3A_49, %reduce_min3A_50 [1] : vector<256x4096xi32> to vector<256xi32>
    %broadcast_in_dim3A_52 = vector.shape_cast %reduce_min3A_51 : vector<256xi32> to vector<256x1xi32>
    %eq3A_53 = vector.broadcast %iota3A : vector<1x4096xi32> to vector<256x4096xi32>
    %eq3A_54 = vector.broadcast %broadcast_in_dim3A_52 : vector<256x1xi32> to vector<256x4096xi32>
    %eq3A_55 = arith.cmpi eq, %eq3A_53, %eq3A_54 : vector<256x4096xi32>
    %jit3A_56 = arith.constant 0xFF800000 : f32
    %broadcast_in_dim3A_57 = vector.broadcast %jit3A_56 : f32 to vector<256x4096xf32>
    %select_n3A_58 = arith.select %eq3A_55, %broadcast_in_dim3A_57, %select_n3A_39 : vector<256x4096xi1>, vector<256x4096xf32>
    %reduce_max3A_59 = arith.constant dense<0xFF800000> : vector<256xf32>
    %reduce_max3A_60 = vector.multi_reduction <maximumf>, %select_n3A_58, %reduce_max3A_59 [1] : vector<256x4096xf32> to vector<256xf32>
    %broadcast_in_dim3A_61 = vector.shape_cast %reduce_max3A_60 : vector<256xf32> to vector<256x1xf32>
    %eq3A_62 = vector.broadcast %broadcast_in_dim3A_61 : vector<256x1xf32> to vector<256x4096xf32>
    %eq3A_63 = arith.cmpf oeq, %select_n3A_58, %eq3A_62 : vector<256x4096xf32>
    %jit3A_64 = arith.constant 4096 : i32
    %broadcast_in_dim3A_65 = vector.shape_cast %iota3A : vector<1x4096xi32> to vector<1x4096xi32>
    %broadcast_in_dim3A_66 = vector.broadcast %broadcast_in_dim3A_65 : vector<1x4096xi32> to vector<256x4096xi32>
    %broadcast_in_dim3A_67 = vector.broadcast %jit3A_64 : i32 to vector<256x4096xi32>
    %select_n3A_68 = arith.select %eq3A_63, %broadcast_in_dim3A_66, %broadcast_in_dim3A_67 : vector<256x4096xi1>, vector<256x4096xi32>
    %reduce_min3A_69 = arith.constant dense<2147483647> : vector<256xi32>
    %reduce_min3A_70 = vector.multi_reduction <minsi>, %select_n3A_68, %reduce_min3A_69 [1] : vector<256x4096xi32> to vector<256xi32>
    %broadcast_in_dim3A_71 = vector.shape_cast %reduce_min3A_70 : vector<256xi32> to vector<256x1xi32>
    %eq3A_72 = vector.broadcast %iota3A : vector<1x4096xi32> to vector<256x4096xi32>
    %eq3A_73 = vector.broadcast %broadcast_in_dim3A_71 : vector<256x1xi32> to vector<256x4096xi32>
    %eq3A_74 = arith.cmpi eq, %eq3A_72, %eq3A_73 : vector<256x4096xi32>
    %jit3A_75 = arith.constant 0xFF800000 : f32
    %broadcast_in_dim3A_76 = vector.broadcast %jit3A_75 : f32 to vector<256x4096xf32>
    %select_n3A_77 = arith.select %eq3A_74, %broadcast_in_dim3A_76, %select_n3A_58 : vector<256x4096xi1>, vector<256x4096xf32>
    %reduce_max3A_78 = arith.constant dense<0xFF800000> : vector<256xf32>
    %reduce_max3A_79 = vector.multi_reduction <maximumf>, %select_n3A_77, %reduce_max3A_78 [1] : vector<256x4096xf32> to vector<256xf32>
    %broadcast_in_dim3A_80 = vector.shape_cast %reduce_max3A_79 : vector<256xf32> to vector<256x1xf32>
    %eq3A_81 = vector.broadcast %broadcast_in_dim3A_80 : vector<256x1xf32> to vector<256x4096xf32>
    %eq3A_82 = arith.cmpf oeq, %select_n3A_77, %eq3A_81 : vector<256x4096xf32>
    %jit3A_83 = arith.constant 4096 : i32
    %broadcast_in_dim3A_84 = vector.shape_cast %iota3A : vector<1x4096xi32> to vector<1x4096xi32>
    %broadcast_in_dim3A_85 = vector.broadcast %broadcast_in_dim3A_84 : vector<1x4096xi32> to vector<256x4096xi32>
    %broadcast_in_dim3A_86 = vector.broadcast %jit3A_83 : i32 to vector<256x4096xi32>
    %select_n3A_87 = arith.select %eq3A_82, %broadcast_in_dim3A_85, %broadcast_in_dim3A_86 : vector<256x4096xi1>, vector<256x4096xi32>
    %reduce_min3A_88 = arith.constant dense<2147483647> : vector<256xi32>
    %reduce_min3A_89 = vector.multi_reduction <minsi>, %select_n3A_87, %reduce_min3A_88 [1] : vector<256x4096xi32> to vector<256xi32>
    %broadcast_in_dim3A_90 = vector.shape_cast %reduce_min3A_89 : vector<256xi32> to vector<256x1xi32>
    %eq3A_91 = vector.broadcast %iota3A : vector<1x4096xi32> to vector<256x4096xi32>
    %eq3A_92 = vector.broadcast %broadcast_in_dim3A_90 : vector<256x1xi32> to vector<256x4096xi32>
    %eq3A_93 = arith.cmpi eq, %eq3A_91, %eq3A_92 : vector<256x4096xi32>
    %jit3A_94 = arith.constant 0xFF800000 : f32
    %broadcast_in_dim3A_95 = vector.broadcast %jit3A_94 : f32 to vector<256x4096xf32>
    %select_n3A_96 = arith.select %eq3A_93, %broadcast_in_dim3A_95, %select_n3A_77 : vector<256x4096xi1>, vector<256x4096xf32>
    %reduce_max3A_97 = arith.constant dense<0xFF800000> : vector<256xf32>
    %reduce_max3A_98 = vector.multi_reduction <maximumf>, %select_n3A_96, %reduce_max3A_97 [1] : vector<256x4096xf32> to vector<256xf32>
    %broadcast_in_dim3A_99 = vector.shape_cast %reduce_max3A_98 : vector<256xf32> to vector<256x1xf32>
    %eq3A_100 = vector.broadcast %broadcast_in_dim3A_99 : vector<256x1xf32> to vector<256x4096xf32>
    %eq3A_101 = arith.cmpf oeq, %select_n3A_96, %eq3A_100 : vector<256x4096xf32>
    %jit3A_102 = arith.constant 4096 : i32
    %broadcast_in_dim3A_103 = vector.shape_cast %iota3A : vector<1x4096xi32> to vector<1x4096xi32>
    %broadcast_in_dim3A_104 = vector.broadcast %broadcast_in_dim3A_103 : vector<1x4096xi32> to vector<256x4096xi32>
    %broadcast_in_dim3A_105 = vector.broadcast %jit3A_102 : i32 to vector<256x4096xi32>
    %select_n3A_106 = arith.select %eq3A_101, %broadcast_in_dim3A_104, %broadcast_in_dim3A_105 : vector<256x4096xi1>, vector<256x4096xi32>
    %reduce_min3A_107 = arith.constant dense<2147483647> : vector<256xi32>
    %reduce_min3A_108 = vector.multi_reduction <minsi>, %select_n3A_106, %reduce_min3A_107 [1] : vector<256x4096xi32> to vector<256xi32>
    %broadcast_in_dim3A_109 = vector.shape_cast %reduce_min3A_108 : vector<256xi32> to vector<256x1xi32>
    %eq3A_110 = vector.broadcast %iota3A : vector<1x4096xi32> to vector<256x4096xi32>
    %eq3A_111 = vector.broadcast %broadcast_in_dim3A_109 : vector<256x1xi32> to vector<256x4096xi32>
    %eq3A_112 = arith.cmpi eq, %eq3A_110, %eq3A_111 : vector<256x4096xi32>
    %jit3A_113 = arith.constant 0xFF800000 : f32
    %broadcast_in_dim3A_114 = vector.broadcast %jit3A_113 : f32 to vector<256x4096xf32>
    %select_n3A_115 = arith.select %eq3A_112, %broadcast_in_dim3A_114, %select_n3A_96 : vector<256x4096xi1>, vector<256x4096xf32>
    %reduce_max3A_116 = arith.constant dense<0xFF800000> : vector<256xf32>
    %reduce_max3A_117 = vector.multi_reduction <maximumf>, %select_n3A_115, %reduce_max3A_116 [1] : vector<256x4096xf32> to vector<256xf32>
    %broadcast_in_dim3A_118 = vector.shape_cast %reduce_max3A_117 : vector<256xf32> to vector<256x1xf32>
    %eq3A_119 = vector.broadcast %broadcast_in_dim3A_118 : vector<256x1xf32> to vector<256x4096xf32>
    %eq3A_120 = arith.cmpf oeq, %select_n3A_115, %eq3A_119 : vector<256x4096xf32>
    %jit3A_121 = arith.constant 4096 : i32
    %broadcast_in_dim3A_122 = vector.shape_cast %iota3A : vector<1x4096xi32> to vector<1x4096xi32>
    %broadcast_in_dim3A_123 = vector.broadcast %broadcast_in_dim3A_122 : vector<1x4096xi32> to vector<256x4096xi32>
    %broadcast_in_dim3A_124 = vector.broadcast %jit3A_121 : i32 to vector<256x4096xi32>
    %select_n3A_125 = arith.select %eq3A_120, %broadcast_in_dim3A_123, %broadcast_in_dim3A_124 : vector<256x4096xi1>, vector<256x4096xi32>
    %reduce_min3A_126 = arith.constant dense<2147483647> : vector<256xi32>
    %reduce_min3A_127 = vector.multi_reduction <minsi>, %select_n3A_125, %reduce_min3A_126 [1] : vector<256x4096xi32> to vector<256xi32>
    %broadcast_in_dim3A_128 = vector.shape_cast %reduce_min3A_127 : vector<256xi32> to vector<256x1xi32>
    %eq3A_129 = vector.broadcast %iota3A : vector<1x4096xi32> to vector<256x4096xi32>
    %eq3A_130 = vector.broadcast %broadcast_in_dim3A_128 : vector<256x1xi32> to vector<256x4096xi32>
    %eq3A_131 = arith.cmpi eq, %eq3A_129, %eq3A_130 : vector<256x4096xi32>
    %jit3A_132 = arith.constant 0xFF800000 : f32
    %broadcast_in_dim3A_133 = vector.broadcast %jit3A_132 : f32 to vector<256x4096xf32>
    %select_n3A_134 = arith.select %eq3A_131, %broadcast_in_dim3A_133, %select_n3A_115 : vector<256x4096xi1>, vector<256x4096xf32>
    %reduce_max3A_135 = arith.constant dense<0xFF800000> : vector<256xf32>
    %reduce_max3A_136 = vector.multi_reduction <maximumf>, %select_n3A_134, %reduce_max3A_135 [1] : vector<256x4096xf32> to vector<256xf32>
    %broadcast_in_dim3A_137 = vector.shape_cast %reduce_max3A_136 : vector<256xf32> to vector<256x1xf32>
    %eq3A_138 = vector.broadcast %broadcast_in_dim3A_137 : vector<256x1xf32> to vector<256x4096xf32>
    %eq3A_139 = arith.cmpf oeq, %select_n3A_134, %eq3A_138 : vector<256x4096xf32>
    %jit3A_140 = arith.constant 4096 : i32
    %broadcast_in_dim3A_141 = vector.shape_cast %iota3A : vector<1x4096xi32> to vector<1x4096xi32>
    %broadcast_in_dim3A_142 = vector.broadcast %broadcast_in_dim3A_141 : vector<1x4096xi32> to vector<256x4096xi32>
    %broadcast_in_dim3A_143 = vector.broadcast %jit3A_140 : i32 to vector<256x4096xi32>
    %select_n3A_144 = arith.select %eq3A_139, %broadcast_in_dim3A_142, %broadcast_in_dim3A_143 : vector<256x4096xi1>, vector<256x4096xi32>
    %reduce_min3A_145 = arith.constant dense<2147483647> : vector<256xi32>
    %reduce_min3A_146 = vector.multi_reduction <minsi>, %select_n3A_144, %reduce_min3A_145 [1] : vector<256x4096xi32> to vector<256xi32>
    %broadcast_in_dim3A_147 = vector.shape_cast %reduce_min3A_146 : vector<256xi32> to vector<256x1xi32>
    %eq3A_148 = vector.broadcast %iota3A : vector<1x4096xi32> to vector<256x4096xi32>
    %eq3A_149 = vector.broadcast %broadcast_in_dim3A_147 : vector<256x1xi32> to vector<256x4096xi32>
    %eq3A_150 = arith.cmpi eq, %eq3A_148, %eq3A_149 : vector<256x4096xi32>
    %jit3A_151 = arith.constant 0xFF800000 : f32
    %broadcast_in_dim3A_152 = vector.broadcast %jit3A_151 : f32 to vector<256x4096xf32>
    %select_n3A_153 = arith.select %eq3A_150, %broadcast_in_dim3A_152, %select_n3A_134 : vector<256x4096xi1>, vector<256x4096xf32>
    %reduce_max3A_154 = arith.constant dense<0xFF800000> : vector<256xf32>
    %reduce_max3A_155 = vector.multi_reduction <maximumf>, %select_n3A_153, %reduce_max3A_154 [1] : vector<256x4096xf32> to vector<256xf32>
    %broadcast_in_dim3A_156 = vector.shape_cast %reduce_max3A_155 : vector<256xf32> to vector<256x1xf32>
    %eq3A_157 = vector.broadcast %broadcast_in_dim3A_156 : vector<256x1xf32> to vector<256x4096xf32>
    %eq3A_158 = arith.cmpf oeq, %select_n3A_153, %eq3A_157 : vector<256x4096xf32>
    %jit3A_159 = arith.constant 4096 : i32
    %broadcast_in_dim3A_160 = vector.shape_cast %iota3A : vector<1x4096xi32> to vector<1x4096xi32>
    %broadcast_in_dim3A_161 = vector.broadcast %broadcast_in_dim3A_160 : vector<1x4096xi32> to vector<256x4096xi32>
    %broadcast_in_dim3A_162 = vector.broadcast %jit3A_159 : i32 to vector<256x4096xi32>
    %select_n3A_163 = arith.select %eq3A_158, %broadcast_in_dim3A_161, %broadcast_in_dim3A_162 : vector<256x4096xi1>, vector<256x4096xi32>
    %reduce_min3A_164 = arith.constant dense<2147483647> : vector<256xi32>
    %reduce_min3A_165 = vector.multi_reduction <minsi>, %select_n3A_163, %reduce_min3A_164 [1] : vector<256x4096xi32> to vector<256xi32>
    %broadcast_in_dim3A_166 = vector.shape_cast %reduce_min3A_165 : vector<256xi32> to vector<256x1xi32>
    %eq3A_167 = vector.broadcast %iota3A : vector<1x4096xi32> to vector<256x4096xi32>
    %eq3A_168 = vector.broadcast %broadcast_in_dim3A_166 : vector<256x1xi32> to vector<256x4096xi32>
    %eq3A_169 = arith.cmpi eq, %eq3A_167, %eq3A_168 : vector<256x4096xi32>
    %jit3A_170 = arith.constant 0xFF800000 : f32
    %broadcast_in_dim3A_171 = vector.broadcast %jit3A_170 : f32 to vector<256x4096xf32>
    %select_n3A_172 = arith.select %eq3A_169, %broadcast_in_dim3A_171, %select_n3A_153 : vector<256x4096xi1>, vector<256x4096xf32>
    %reduce_max3A_173 = arith.constant dense<0xFF800000> : vector<256xf32>
    %reduce_max3A_174 = vector.multi_reduction <maximumf>, %select_n3A_172, %reduce_max3A_173 [1] : vector<256x4096xf32> to vector<256xf32>
    %broadcast_in_dim3A_175 = vector.shape_cast %reduce_max3A_174 : vector<256xf32> to vector<256x1xf32>
    %eq3A_176 = vector.broadcast %broadcast_in_dim3A_175 : vector<256x1xf32> to vector<256x4096xf32>
    %eq3A_177 = arith.cmpf oeq, %select_n3A_172, %eq3A_176 : vector<256x4096xf32>
    %jit3A_178 = arith.constant 4096 : i32
    %broadcast_in_dim3A_179 = vector.shape_cast %iota3A : vector<1x4096xi32> to vector<1x4096xi32>
    %broadcast_in_dim3A_180 = vector.broadcast %broadcast_in_dim3A_179 : vector<1x4096xi32> to vector<256x4096xi32>
    %broadcast_in_dim3A_181 = vector.broadcast %jit3A_178 : i32 to vector<256x4096xi32>
    %select_n3A_182 = arith.select %eq3A_177, %broadcast_in_dim3A_180, %broadcast_in_dim3A_181 : vector<256x4096xi1>, vector<256x4096xi32>
    %reduce_min3A_183 = arith.constant dense<2147483647> : vector<256xi32>
    %reduce_min3A_184 = vector.multi_reduction <minsi>, %select_n3A_182, %reduce_min3A_183 [1] : vector<256x4096xi32> to vector<256xi32>
    %broadcast_in_dim3A_185 = vector.shape_cast %reduce_min3A_184 : vector<256xi32> to vector<256x1xi32>
    %eq3A_186 = vector.broadcast %iota3A : vector<1x4096xi32> to vector<256x4096xi32>
    %eq3A_187 = vector.broadcast %broadcast_in_dim3A_185 : vector<256x1xi32> to vector<256x4096xi32>
    %eq3A_188 = arith.cmpi eq, %eq3A_186, %eq3A_187 : vector<256x4096xi32>
    %jit3A_189 = arith.constant 0xFF800000 : f32
    %broadcast_in_dim3A_190 = vector.broadcast %jit3A_189 : f32 to vector<256x4096xf32>
    %select_n3A_191 = arith.select %eq3A_188, %broadcast_in_dim3A_190, %select_n3A_172 : vector<256x4096xi1>, vector<256x4096xf32>
    %reduce_max3A_192 = arith.constant dense<0xFF800000> : vector<256xf32>
    %reduce_max3A_193 = vector.multi_reduction <maximumf>, %select_n3A_191, %reduce_max3A_192 [1] : vector<256x4096xf32> to vector<256xf32>
    %broadcast_in_dim3A_194 = vector.shape_cast %reduce_max3A_193 : vector<256xf32> to vector<256x1xf32>
    %eq3A_195 = vector.broadcast %broadcast_in_dim3A_194 : vector<256x1xf32> to vector<256x4096xf32>
    %eq3A_196 = arith.cmpf oeq, %select_n3A_191, %eq3A_195 : vector<256x4096xf32>
    %jit3A_197 = arith.constant 4096 : i32
    %broadcast_in_dim3A_198 = vector.shape_cast %iota3A : vector<1x4096xi32> to vector<1x4096xi32>
    %broadcast_in_dim3A_199 = vector.broadcast %broadcast_in_dim3A_198 : vector<1x4096xi32> to vector<256x4096xi32>
    %broadcast_in_dim3A_200 = vector.broadcast %jit3A_197 : i32 to vector<256x4096xi32>
    %select_n3A_201 = arith.select %eq3A_196, %broadcast_in_dim3A_199, %broadcast_in_dim3A_200 : vector<256x4096xi1>, vector<256x4096xi32>
    %reduce_min3A_202 = arith.constant dense<2147483647> : vector<256xi32>
    %reduce_min3A_203 = vector.multi_reduction <minsi>, %select_n3A_201, %reduce_min3A_202 [1] : vector<256x4096xi32> to vector<256xi32>
    %broadcast_in_dim3A_204 = vector.shape_cast %reduce_min3A_203 : vector<256xi32> to vector<256x1xi32>
    %eq3A_205 = vector.broadcast %iota3A : vector<1x4096xi32> to vector<256x4096xi32>
    %eq3A_206 = vector.broadcast %broadcast_in_dim3A_204 : vector<256x1xi32> to vector<256x4096xi32>
    %eq3A_207 = arith.cmpi eq, %eq3A_205, %eq3A_206 : vector<256x4096xi32>
    %jit3A_208 = arith.constant 0xFF800000 : f32
    %broadcast_in_dim3A_209 = vector.broadcast %jit3A_208 : f32 to vector<256x4096xf32>
    %select_n3A_210 = arith.select %eq3A_207, %broadcast_in_dim3A_209, %select_n3A_191 : vector<256x4096xi1>, vector<256x4096xf32>
    %reduce_max3A_211 = arith.constant dense<0xFF800000> : vector<256xf32>
    %reduce_max3A_212 = vector.multi_reduction <maximumf>, %select_n3A_210, %reduce_max3A_211 [1] : vector<256x4096xf32> to vector<256xf32>
    %broadcast_in_dim3A_213 = vector.shape_cast %reduce_max3A_212 : vector<256xf32> to vector<256x1xf32>
    %eq3A_214 = vector.broadcast %broadcast_in_dim3A_213 : vector<256x1xf32> to vector<256x4096xf32>
    %eq3A_215 = arith.cmpf oeq, %select_n3A_210, %eq3A_214 : vector<256x4096xf32>
    %jit3A_216 = arith.constant 4096 : i32
    %broadcast_in_dim3A_217 = vector.shape_cast %iota3A : vector<1x4096xi32> to vector<1x4096xi32>
    %broadcast_in_dim3A_218 = vector.broadcast %broadcast_in_dim3A_217 : vector<1x4096xi32> to vector<256x4096xi32>
    %broadcast_in_dim3A_219 = vector.broadcast %jit3A_216 : i32 to vector<256x4096xi32>
    %select_n3A_220 = arith.select %eq3A_215, %broadcast_in_dim3A_218, %broadcast_in_dim3A_219 : vector<256x4096xi1>, vector<256x4096xi32>
    %reduce_min3A_221 = arith.constant dense<2147483647> : vector<256xi32>
    %reduce_min3A_222 = vector.multi_reduction <minsi>, %select_n3A_220, %reduce_min3A_221 [1] : vector<256x4096xi32> to vector<256xi32>
    %broadcast_in_dim3A_223 = vector.shape_cast %reduce_min3A_222 : vector<256xi32> to vector<256x1xi32>
    %eq3A_224 = vector.broadcast %iota3A : vector<1x4096xi32> to vector<256x4096xi32>
    %eq3A_225 = vector.broadcast %broadcast_in_dim3A_223 : vector<256x1xi32> to vector<256x4096xi32>
    %eq3A_226 = arith.cmpi eq, %eq3A_224, %eq3A_225 : vector<256x4096xi32>
    %jit3A_227 = arith.constant 0xFF800000 : f32
    %broadcast_in_dim3A_228 = vector.broadcast %jit3A_227 : f32 to vector<256x4096xf32>
    %select_n3A_229 = arith.select %eq3A_226, %broadcast_in_dim3A_228, %select_n3A_210 : vector<256x4096xi1>, vector<256x4096xf32>
    %reduce_max3A_230 = arith.constant dense<0xFF800000> : vector<256xf32>
    %reduce_max3A_231 = vector.multi_reduction <maximumf>, %select_n3A_229, %reduce_max3A_230 [1] : vector<256x4096xf32> to vector<256xf32>
    %broadcast_in_dim3A_232 = vector.shape_cast %reduce_max3A_231 : vector<256xf32> to vector<256x1xf32>
    %eq3A_233 = vector.broadcast %broadcast_in_dim3A_232 : vector<256x1xf32> to vector<256x4096xf32>
    %eq3A_234 = arith.cmpf oeq, %select_n3A_229, %eq3A_233 : vector<256x4096xf32>
    %jit3A_235 = arith.constant 4096 : i32
    %broadcast_in_dim3A_236 = vector.shape_cast %iota3A : vector<1x4096xi32> to vector<1x4096xi32>
    %broadcast_in_dim3A_237 = vector.broadcast %broadcast_in_dim3A_236 : vector<1x4096xi32> to vector<256x4096xi32>
    %broadcast_in_dim3A_238 = vector.broadcast %jit3A_235 : i32 to vector<256x4096xi32>
    %select_n3A_239 = arith.select %eq3A_234, %broadcast_in_dim3A_237, %broadcast_in_dim3A_238 : vector<256x4096xi1>, vector<256x4096xi32>
    %reduce_min3A_240 = arith.constant dense<2147483647> : vector<256xi32>
    %reduce_min3A_241 = vector.multi_reduction <minsi>, %select_n3A_239, %reduce_min3A_240 [1] : vector<256x4096xi32> to vector<256xi32>
    %broadcast_in_dim3A_242 = vector.shape_cast %reduce_min3A_241 : vector<256xi32> to vector<256x1xi32>
    %eq3A_243 = vector.broadcast %iota3A : vector<1x4096xi32> to vector<256x4096xi32>
    %eq3A_244 = vector.broadcast %broadcast_in_dim3A_242 : vector<256x1xi32> to vector<256x4096xi32>
    %eq3A_245 = arith.cmpi eq, %eq3A_243, %eq3A_244 : vector<256x4096xi32>
    %jit3A_246 = arith.constant 0xFF800000 : f32
    %broadcast_in_dim3A_247 = vector.broadcast %jit3A_246 : f32 to vector<256x4096xf32>
    %select_n3A_248 = arith.select %eq3A_245, %broadcast_in_dim3A_247, %select_n3A_229 : vector<256x4096xi1>, vector<256x4096xf32>
    %reduce_max3A_249 = arith.constant dense<0xFF800000> : vector<256xf32>
    %reduce_max3A_250 = vector.multi_reduction <maximumf>, %select_n3A_248, %reduce_max3A_249 [1] : vector<256x4096xf32> to vector<256xf32>
    %broadcast_in_dim3A_251 = vector.shape_cast %reduce_max3A_250 : vector<256xf32> to vector<256x1xf32>
    %eq3A_252 = vector.broadcast %broadcast_in_dim3A_251 : vector<256x1xf32> to vector<256x4096xf32>
    %eq3A_253 = arith.cmpf oeq, %select_n3A_248, %eq3A_252 : vector<256x4096xf32>
    %jit3A_254 = arith.constant 4096 : i32
    %broadcast_in_dim3A_255 = vector.shape_cast %iota3A : vector<1x4096xi32> to vector<1x4096xi32>
    %broadcast_in_dim3A_256 = vector.broadcast %broadcast_in_dim3A_255 : vector<1x4096xi32> to vector<256x4096xi32>
    %broadcast_in_dim3A_257 = vector.broadcast %jit3A_254 : i32 to vector<256x4096xi32>
    %select_n3A_258 = arith.select %eq3A_253, %broadcast_in_dim3A_256, %broadcast_in_dim3A_257 : vector<256x4096xi1>, vector<256x4096xi32>
    %reduce_min3A_259 = arith.constant dense<2147483647> : vector<256xi32>
    %reduce_min3A_260 = vector.multi_reduction <minsi>, %select_n3A_258, %reduce_min3A_259 [1] : vector<256x4096xi32> to vector<256xi32>
    %broadcast_in_dim3A_261 = vector.shape_cast %reduce_min3A_260 : vector<256xi32> to vector<256x1xi32>
    %eq3A_262 = vector.broadcast %iota3A : vector<1x4096xi32> to vector<256x4096xi32>
    %eq3A_263 = vector.broadcast %broadcast_in_dim3A_261 : vector<256x1xi32> to vector<256x4096xi32>
    %eq3A_264 = arith.cmpi eq, %eq3A_262, %eq3A_263 : vector<256x4096xi32>
    %jit3A_265 = arith.constant 0xFF800000 : f32
    %broadcast_in_dim3A_266 = vector.broadcast %jit3A_265 : f32 to vector<256x4096xf32>
    %select_n3A_267 = arith.select %eq3A_264, %broadcast_in_dim3A_266, %select_n3A_248 : vector<256x4096xi1>, vector<256x4096xf32>
    %reduce_max3A_268 = arith.constant dense<0xFF800000> : vector<256xf32>
    %reduce_max3A_269 = vector.multi_reduction <maximumf>, %select_n3A_267, %reduce_max3A_268 [1] : vector<256x4096xf32> to vector<256xf32>
    %broadcast_in_dim3A_270 = vector.shape_cast %reduce_max3A_269 : vector<256xf32> to vector<256x1xf32>
    %eq3A_271 = vector.broadcast %broadcast_in_dim3A_270 : vector<256x1xf32> to vector<256x4096xf32>
    %eq3A_272 = arith.cmpf oeq, %select_n3A_267, %eq3A_271 : vector<256x4096xf32>
    %jit3A_273 = arith.constant 4096 : i32
    %broadcast_in_dim3A_274 = vector.shape_cast %iota3A : vector<1x4096xi32> to vector<1x4096xi32>
    %broadcast_in_dim3A_275 = vector.broadcast %broadcast_in_dim3A_274 : vector<1x4096xi32> to vector<256x4096xi32>
    %broadcast_in_dim3A_276 = vector.broadcast %jit3A_273 : i32 to vector<256x4096xi32>
    %select_n3A_277 = arith.select %eq3A_272, %broadcast_in_dim3A_275, %broadcast_in_dim3A_276 : vector<256x4096xi1>, vector<256x4096xi32>
    %reduce_min3A_278 = arith.constant dense<2147483647> : vector<256xi32>
    %reduce_min3A_279 = vector.multi_reduction <minsi>, %select_n3A_277, %reduce_min3A_278 [1] : vector<256x4096xi32> to vector<256xi32>
    %broadcast_in_dim3A_280 = vector.shape_cast %reduce_min3A_279 : vector<256xi32> to vector<256x1xi32>
    %eq3A_281 = vector.broadcast %iota3A : vector<1x4096xi32> to vector<256x4096xi32>
    %eq3A_282 = vector.broadcast %broadcast_in_dim3A_280 : vector<256x1xi32> to vector<256x4096xi32>
    %eq3A_283 = arith.cmpi eq, %eq3A_281, %eq3A_282 : vector<256x4096xi32>
    %jit3A_284 = arith.constant 0xFF800000 : f32
    %broadcast_in_dim3A_285 = vector.broadcast %jit3A_284 : f32 to vector<256x4096xf32>
    %select_n3A_286 = arith.select %eq3A_283, %broadcast_in_dim3A_285, %select_n3A_267 : vector<256x4096xi1>, vector<256x4096xf32>
    %reduce_max3A_287 = arith.constant dense<0xFF800000> : vector<256xf32>
    %reduce_max3A_288 = vector.multi_reduction <maximumf>, %select_n3A_286, %reduce_max3A_287 [1] : vector<256x4096xf32> to vector<256xf32>
    %broadcast_in_dim3A_289 = vector.shape_cast %reduce_max3A_288 : vector<256xf32> to vector<256x1xf32>
    %eq3A_290 = vector.broadcast %broadcast_in_dim3A_289 : vector<256x1xf32> to vector<256x4096xf32>
    %eq3A_291 = arith.cmpf oeq, %select_n3A_286, %eq3A_290 : vector<256x4096xf32>
    %jit3A_292 = arith.constant 4096 : i32
    %broadcast_in_dim3A_293 = vector.shape_cast %iota3A : vector<1x4096xi32> to vector<1x4096xi32>
    %broadcast_in_dim3A_294 = vector.broadcast %broadcast_in_dim3A_293 : vector<1x4096xi32> to vector<256x4096xi32>
    %broadcast_in_dim3A_295 = vector.broadcast %jit3A_292 : i32 to vector<256x4096xi32>
    %select_n3A_296 = arith.select %eq3A_291, %broadcast_in_dim3A_294, %broadcast_in_dim3A_295 : vector<256x4096xi1>, vector<256x4096xi32>
    %reduce_min3A_297 = arith.constant dense<2147483647> : vector<256xi32>
    %reduce_min3A_298 = vector.multi_reduction <minsi>, %select_n3A_296, %reduce_min3A_297 [1] : vector<256x4096xi32> to vector<256xi32>
    %broadcast_in_dim3A_299 = vector.shape_cast %reduce_min3A_298 : vector<256xi32> to vector<256x1xi32>
    %eq3A_300 = vector.broadcast %iota3A : vector<1x4096xi32> to vector<256x4096xi32>
    %eq3A_301 = vector.broadcast %broadcast_in_dim3A_299 : vector<256x1xi32> to vector<256x4096xi32>
    %eq3A_302 = arith.cmpi eq, %eq3A_300, %eq3A_301 : vector<256x4096xi32>
    %jit3A_303 = arith.constant 0xFF800000 : f32
    %broadcast_in_dim3A_304 = vector.broadcast %jit3A_303 : f32 to vector<256x4096xf32>
    %select_n3A_305 = arith.select %eq3A_302, %broadcast_in_dim3A_304, %select_n3A_286 : vector<256x4096xi1>, vector<256x4096xf32>
    %reduce_max3A_306 = arith.constant dense<0xFF800000> : vector<256xf32>
    %reduce_max3A_307 = vector.multi_reduction <maximumf>, %select_n3A_305, %reduce_max3A_306 [1] : vector<256x4096xf32> to vector<256xf32>
    %broadcast_in_dim3A_308 = vector.shape_cast %reduce_max3A_307 : vector<256xf32> to vector<256x1xf32>
    %eq3A_309 = vector.broadcast %broadcast_in_dim3A_308 : vector<256x1xf32> to vector<256x4096xf32>
    %eq3A_310 = arith.cmpf oeq, %select_n3A_305, %eq3A_309 : vector<256x4096xf32>
    %jit3A_311 = arith.constant 4096 : i32
    %broadcast_in_dim3A_312 = vector.shape_cast %iota3A : vector<1x4096xi32> to vector<1x4096xi32>
    %broadcast_in_dim3A_313 = vector.broadcast %broadcast_in_dim3A_312 : vector<1x4096xi32> to vector<256x4096xi32>
    %broadcast_in_dim3A_314 = vector.broadcast %jit3A_311 : i32 to vector<256x4096xi32>
    %select_n3A_315 = arith.select %eq3A_310, %broadcast_in_dim3A_313, %broadcast_in_dim3A_314 : vector<256x4096xi1>, vector<256x4096xi32>
    %reduce_min3A_316 = arith.constant dense<2147483647> : vector<256xi32>
    %reduce_min3A_317 = vector.multi_reduction <minsi>, %select_n3A_315, %reduce_min3A_316 [1] : vector<256x4096xi32> to vector<256xi32>
    %broadcast_in_dim3A_318 = vector.shape_cast %reduce_min3A_317 : vector<256xi32> to vector<256x1xi32>
    %eq3A_319 = vector.broadcast %iota3A : vector<1x4096xi32> to vector<256x4096xi32>
    %eq3A_320 = vector.broadcast %broadcast_in_dim3A_318 : vector<256x1xi32> to vector<256x4096xi32>
    %eq3A_321 = arith.cmpi eq, %eq3A_319, %eq3A_320 : vector<256x4096xi32>
    %jit3A_322 = arith.constant 0xFF800000 : f32
    %broadcast_in_dim3A_323 = vector.broadcast %jit3A_322 : f32 to vector<256x4096xf32>
    %select_n3A_324 = arith.select %eq3A_321, %broadcast_in_dim3A_323, %select_n3A_305 : vector<256x4096xi1>, vector<256x4096xf32>
    %reduce_max3A_325 = arith.constant dense<0xFF800000> : vector<256xf32>
    %reduce_max3A_326 = vector.multi_reduction <maximumf>, %select_n3A_324, %reduce_max3A_325 [1] : vector<256x4096xf32> to vector<256xf32>
    %broadcast_in_dim3A_327 = vector.shape_cast %reduce_max3A_326 : vector<256xf32> to vector<256x1xf32>
    %eq3A_328 = vector.broadcast %broadcast_in_dim3A_327 : vector<256x1xf32> to vector<256x4096xf32>
    %eq3A_329 = arith.cmpf oeq, %select_n3A_324, %eq3A_328 : vector<256x4096xf32>
    %jit3A_330 = arith.constant 4096 : i32
    %broadcast_in_dim3A_331 = vector.shape_cast %iota3A : vector<1x4096xi32> to vector<1x4096xi32>
    %broadcast_in_dim3A_332 = vector.broadcast %broadcast_in_dim3A_331 : vector<1x4096xi32> to vector<256x4096xi32>
    %broadcast_in_dim3A_333 = vector.broadcast %jit3A_330 : i32 to vector<256x4096xi32>
    %select_n3A_334 = arith.select %eq3A_329, %broadcast_in_dim3A_332, %broadcast_in_dim3A_333 : vector<256x4096xi1>, vector<256x4096xi32>
    %reduce_min3A_335 = arith.constant dense<2147483647> : vector<256xi32>
    %reduce_min3A_336 = vector.multi_reduction <minsi>, %select_n3A_334, %reduce_min3A_335 [1] : vector<256x4096xi32> to vector<256xi32>
    %broadcast_in_dim3A_337 = vector.shape_cast %reduce_min3A_336 : vector<256xi32> to vector<256x1xi32>
    %eq3A_338 = vector.broadcast %iota3A : vector<1x4096xi32> to vector<256x4096xi32>
    %eq3A_339 = vector.broadcast %broadcast_in_dim3A_337 : vector<256x1xi32> to vector<256x4096xi32>
    %eq3A_340 = arith.cmpi eq, %eq3A_338, %eq3A_339 : vector<256x4096xi32>
    %jit3A_341 = arith.constant 0xFF800000 : f32
    %broadcast_in_dim3A_342 = vector.broadcast %jit3A_341 : f32 to vector<256x4096xf32>
    %select_n3A_343 = arith.select %eq3A_340, %broadcast_in_dim3A_342, %select_n3A_324 : vector<256x4096xi1>, vector<256x4096xf32>
    %reduce_max3A_344 = arith.constant dense<0xFF800000> : vector<256xf32>
    %reduce_max3A_345 = vector.multi_reduction <maximumf>, %select_n3A_343, %reduce_max3A_344 [1] : vector<256x4096xf32> to vector<256xf32>
    %broadcast_in_dim3A_346 = vector.shape_cast %reduce_max3A_345 : vector<256xf32> to vector<256x1xf32>
    %eq3A_347 = vector.broadcast %broadcast_in_dim3A_346 : vector<256x1xf32> to vector<256x4096xf32>
    %eq3A_348 = arith.cmpf oeq, %select_n3A_343, %eq3A_347 : vector<256x4096xf32>
    %jit3A_349 = arith.constant 4096 : i32
    %broadcast_in_dim3A_350 = vector.shape_cast %iota3A : vector<1x4096xi32> to vector<1x4096xi32>
    %broadcast_in_dim3A_351 = vector.broadcast %broadcast_in_dim3A_350 : vector<1x4096xi32> to vector<256x4096xi32>
    %broadcast_in_dim3A_352 = vector.broadcast %jit3A_349 : i32 to vector<256x4096xi32>
    %select_n3A_353 = arith.select %eq3A_348, %broadcast_in_dim3A_351, %broadcast_in_dim3A_352 : vector<256x4096xi1>, vector<256x4096xi32>
    %reduce_min3A_354 = arith.constant dense<2147483647> : vector<256xi32>
    %reduce_min3A_355 = vector.multi_reduction <minsi>, %select_n3A_353, %reduce_min3A_354 [1] : vector<256x4096xi32> to vector<256xi32>
    %broadcast_in_dim3A_356 = vector.shape_cast %reduce_min3A_355 : vector<256xi32> to vector<256x1xi32>
    %eq3A_357 = vector.broadcast %iota3A : vector<1x4096xi32> to vector<256x4096xi32>
    %eq3A_358 = vector.broadcast %broadcast_in_dim3A_356 : vector<256x1xi32> to vector<256x4096xi32>
    %eq3A_359 = arith.cmpi eq, %eq3A_357, %eq3A_358 : vector<256x4096xi32>
    %jit3A_360 = arith.constant 0xFF800000 : f32
    %broadcast_in_dim3A_361 = vector.broadcast %jit3A_360 : f32 to vector<256x4096xf32>
    %select_n3A_362 = arith.select %eq3A_359, %broadcast_in_dim3A_361, %select_n3A_343 : vector<256x4096xi1>, vector<256x4096xf32>
    %reduce_max3A_363 = arith.constant dense<0xFF800000> : vector<256xf32>
    %reduce_max3A_364 = vector.multi_reduction <maximumf>, %select_n3A_362, %reduce_max3A_363 [1] : vector<256x4096xf32> to vector<256xf32>
    %broadcast_in_dim3A_365 = vector.shape_cast %reduce_max3A_364 : vector<256xf32> to vector<256x1xf32>
    %eq3A_366 = vector.broadcast %broadcast_in_dim3A_365 : vector<256x1xf32> to vector<256x4096xf32>
    %eq3A_367 = arith.cmpf oeq, %select_n3A_362, %eq3A_366 : vector<256x4096xf32>
    %jit3A_368 = arith.constant 4096 : i32
    %broadcast_in_dim3A_369 = vector.shape_cast %iota3A : vector<1x4096xi32> to vector<1x4096xi32>
    %broadcast_in_dim3A_370 = vector.broadcast %broadcast_in_dim3A_369 : vector<1x4096xi32> to vector<256x4096xi32>
    %broadcast_in_dim3A_371 = vector.broadcast %jit3A_368 : i32 to vector<256x4096xi32>
    %select_n3A_372 = arith.select %eq3A_367, %broadcast_in_dim3A_370, %broadcast_in_dim3A_371 : vector<256x4096xi1>, vector<256x4096xi32>
    %reduce_min3A_373 = arith.constant dense<2147483647> : vector<256xi32>
    %reduce_min3A_374 = vector.multi_reduction <minsi>, %select_n3A_372, %reduce_min3A_373 [1] : vector<256x4096xi32> to vector<256xi32>
    %broadcast_in_dim3A_375 = vector.shape_cast %reduce_min3A_374 : vector<256xi32> to vector<256x1xi32>
    %eq3A_376 = vector.broadcast %iota3A : vector<1x4096xi32> to vector<256x4096xi32>
    %eq3A_377 = vector.broadcast %broadcast_in_dim3A_375 : vector<256x1xi32> to vector<256x4096xi32>
    %eq3A_378 = arith.cmpi eq, %eq3A_376, %eq3A_377 : vector<256x4096xi32>
    %jit3A_379 = arith.constant 0xFF800000 : f32
    %broadcast_in_dim3A_380 = vector.broadcast %jit3A_379 : f32 to vector<256x4096xf32>
    %select_n3A_381 = arith.select %eq3A_378, %broadcast_in_dim3A_380, %select_n3A_362 : vector<256x4096xi1>, vector<256x4096xf32>
    %reduce_max3A_382 = arith.constant dense<0xFF800000> : vector<256xf32>
    %reduce_max3A_383 = vector.multi_reduction <maximumf>, %select_n3A_381, %reduce_max3A_382 [1] : vector<256x4096xf32> to vector<256xf32>
    %broadcast_in_dim3A_384 = vector.shape_cast %reduce_max3A_383 : vector<256xf32> to vector<256x1xf32>
    %eq3A_385 = vector.broadcast %broadcast_in_dim3A_384 : vector<256x1xf32> to vector<256x4096xf32>
    %eq3A_386 = arith.cmpf oeq, %select_n3A_381, %eq3A_385 : vector<256x4096xf32>
    %jit3A_387 = arith.constant 4096 : i32
    %broadcast_in_dim3A_388 = vector.shape_cast %iota3A : vector<1x4096xi32> to vector<1x4096xi32>
    %broadcast_in_dim3A_389 = vector.broadcast %broadcast_in_dim3A_388 : vector<1x4096xi32> to vector<256x4096xi32>
    %broadcast_in_dim3A_390 = vector.broadcast %jit3A_387 : i32 to vector<256x4096xi32>
    %select_n3A_391 = arith.select %eq3A_386, %broadcast_in_dim3A_389, %broadcast_in_dim3A_390 : vector<256x4096xi1>, vector<256x4096xi32>
    %reduce_min3A_392 = arith.constant dense<2147483647> : vector<256xi32>
    %reduce_min3A_393 = vector.multi_reduction <minsi>, %select_n3A_391, %reduce_min3A_392 [1] : vector<256x4096xi32> to vector<256xi32>
    %broadcast_in_dim3A_394 = vector.shape_cast %reduce_min3A_393 : vector<256xi32> to vector<256x1xi32>
    %concatenate3A = tpu.concatenate %broadcast_in_dim3A_33, %broadcast_in_dim3A_52, %broadcast_in_dim3A_71, %broadcast_in_dim3A_90, %broadcast_in_dim3A_109, %broadcast_in_dim3A_128, %broadcast_in_dim3A_147, %broadcast_in_dim3A_166, %broadcast_in_dim3A_185, %broadcast_in_dim3A_204, %broadcast_in_dim3A_223, %broadcast_in_dim3A_242, %broadcast_in_dim3A_261, %broadcast_in_dim3A_280, %broadcast_in_dim3A_299, %broadcast_in_dim3A_318, %broadcast_in_dim3A_337, %broadcast_in_dim3A_356, %broadcast_in_dim3A_375, %broadcast_in_dim3A_394 in 1 : vector<256x1xi32>, vector<256x1xi32>, vector<256x1xi32>, vector<256x1xi32>, vector<256x1xi32>, vector<256x1xi32>, vector<256x1xi32>, vector<256x1xi32>, vector<256x1xi32>, vector<256x1xi32>, vector<256x1xi32>, vector<256x1xi32>, vector<256x1xi32>, vector<256x1xi32>, vector<256x1xi32>, vector<256x1xi32>, vector<256x1xi32>, vector<256x1xi32>, vector<256x1xi32>, vector<256x1xi32> -> vector<256x20xi32>
    %mul3A_395 = arith.constant 4096 : i32
    %mul3A_396 = arith.muli %arg0, %mul3A_395 : i32
    %add3A = vector.broadcast %mul3A_396 : i32 to vector<256x20xi32>
    %add3A_397 = arith.addi %concatenate3A, %add3A : vector<256x20xi32>
    %swap3A = arith.constant 0 : index
    %swap3A_398 = arith.constant 0 : index
    %swap3A_399 = arith.constant 0 : index
    %swap3A_400 = vector.load %arg6[%swap3A, %swap3A_398, %swap3A_399] : memref<1x256x20xi32, #tpu.memory_space<vmem>>, vector<1x256x20xi32>
    %swap3A_401 = vector.shape_cast %swap3A_400 : vector<1x256x20xi32> to vector<256x20xi32>
    %swap3A_402 = vector.shape_cast %add3A_397 : vector<256x20xi32> to vector<1x256x20xi32>
    tpu.vector_store %arg6[%swap3A, %swap3A_398, %swap3A_399], %swap3A_402 {strides = array<i32>} : memref<1x256x20xi32, #tpu.memory_space<vmem>>, vector<1x256x20xi32>,
    return
  }
  func.func @transform_0(%arg0: i32, %arg1: i32) -> (i32, i32, i32) {
    %c0_i32 = arith.constant 0 : i32
    %c0_i32_0 = arith.constant 0 : i32
    return %arg0, %arg1, %c0_i32 : i32, i32, i32
  }
  func.func @transform_1(%arg0: i32, %arg1: i32) -> (i32, i32, i32) {
    %c0_i32 = arith.constant 0 : i32
    %c0_i32_0 = arith.constant 0 : i32
    %c0_i32_1 = arith.constant 0 : i32
    return %arg0, %c0_i32, %c0_i32_0 : i32, i32, i32
  }
  func.func @transform_2(%arg0: i32, %arg1: i32) -> (i32, i32, i32) {
    %c0_i32 = arith.constant 0 : i32
    %c0_i32_0 = arith.constant 0 : i32
    return %arg0, %arg1, %c0_i32 : i32, i32, i32
  }
  func.func @transform_3(%arg0: i32, %arg1: i32) -> (i32, i32, i32) {
    %c0_i32 = arith.constant 0 : i32
    %c0_i32_0 = arith.constant 0 : i32
    %c0_i32_1 = arith.constant 0 : i32
    return %arg0, %c0_i32, %c0_i32_0 : i32, i32, i32
  }
  func.func @transform_4(%arg0: i32, %arg1: i32) -> (i32, i32, i32) {
    %c0_i32 = arith.constant 0 : i32
    %c0_i32_0 = arith.constant 0 : i32
    return %arg0, %arg1, %c0_i32 : i32, i32, i32
  }
}

module attributes {stable_mosaic.version = 14 : i64} {
  func.func @_edgeA_body(%arg0: i32, %arg1: memref<5120x64xf32, #tpu.memory_space<vmem>>, %arg2: memref<256x64xf32, #tpu.memory_space<vmem>>, %arg3: memref<128x64xf32, #tpu.memory_space<vmem>>, %arg4: memref<5120x64xf32, #tpu.memory_space<vmem>>) attributes {dimension_semantics = [#tpu.dimension_semantics<arbitrary>], iteration_bounds = array<i64: 64>, scalar_prefetch = 0 : i64, scratch_operands = 0 : i64, tpu.core_type = #tpu.core_type<tc>, window_params = [{transform_indices = @transform_0, window_bounds = array<i64: 5120, 64>}, {transform_indices = @transform_1, window_bounds = array<i64: 256, 64>}, {pipeline_mode = #tpu.pipeline_mode<synchronous>, transform_indices = @transform_2, window_bounds = array<i64: 128, 64>}, {transform_indices = @transform_3, window_bounds = array<i64: 5120, 64>}]} {
    %get3A = arith.constant 0 : index
    %get3A_0 = arith.constant 0 : index
    %get3A_1 = vector.load %arg1[%get3A, %get3A_0] : memref<5120x64xf32, #tpu.memory_space<vmem>>, vector<5120x64xf32>
    %get3A_2 = arith.constant 0 : index
    %get3A_3 = arith.constant 0 : index
    %get3A_4 = vector.load %arg2[%get3A_2, %get3A_3] : memref<256x64xf32, #tpu.memory_space<vmem>>, vector<256x64xf32>
    %broadcast_in_dim3A = vector.shape_cast %get3A_4 : vector<256x64xf32> to vector<256x1x64xf32>
    %broadcast_in_dim3A_5 = vector.shape_cast %broadcast_in_dim3A : vector<256x1x64xf32> to vector<256x1x64xf32>
    %broadcast_in_dim3A_6 = vector.broadcast %broadcast_in_dim3A_5 : vector<256x1x64xf32> to vector<256x20x64xf32>
    %reshape3A = vector.shape_cast %broadcast_in_dim3A_6 : vector<256x20x64xf32> to vector<5120x64xf32>
    %sub3A = arith.subf %get3A_1, %reshape3A : vector<5120x64xf32>
    %concatenate3A = tpu.concatenate %sub3A, %reshape3A in 1 : vector<5120x64xf32>, vector<5120x64xf32> -> vector<5120x128xf32>
    %get3A_7 = arith.constant 0 : index
    %get3A_8 = arith.constant 0 : index
    %get3A_9 = vector.load %arg3[%get3A_7, %get3A_8] : memref<128x64xf32, #tpu.memory_space<vmem>>, vector<128x64xf32>
    %dot_general3A = arith.constant dense<0.000000e+00> : vector<5120x64xf32>
    %dot_general3A_10 = tpu.matmul %concatenate3A, %get3A_9, %dot_general3A {dimension_numbers = #tpu.dot_dimension_numbers<[1], [0], [0], [1], [0, 0, 1, 1], [], []>, transpose_lhs_hint = false} : vector<5120x128xf32>, vector<128x64xf32>, vector<5120x64xf32> -> vector<5120x64xf32>
    %swap3A = arith.constant 0 : index
    %swap3A_11 = arith.constant 0 : index
    %swap3A_12 = vector.load %arg4[%swap3A, %swap3A_11] : memref<5120x64xf32, #tpu.memory_space<vmem>>, vector<5120x64xf32>
    tpu.vector_store %arg4[%swap3A, %swap3A_11], %dot_general3A_10 {strides = array<i32>} : memref<5120x64xf32, #tpu.memory_space<vmem>>, vector<5120x64xf32>,
    return
  }
  func.func @transform_0(%arg0: i32) -> (i32, i32) {
    %c0_i32 = arith.constant 0 : i32
    %c0_i32_0 = arith.constant 0 : i32
    return %arg0, %c0_i32 : i32, i32
  }
  func.func @transform_1(%arg0: i32) -> (i32, i32) {
    %c0_i32 = arith.constant 0 : i32
    %c0_i32_0 = arith.constant 0 : i32
    return %arg0, %c0_i32 : i32, i32
  }
  func.func @transform_2(%arg0: i32) -> (i32, i32) {
    %c0_i32 = arith.constant 0 : i32
    %c0_i32_0 = arith.constant 0 : i32
    %c0_i32_1 = arith.constant 0 : i32
    return %c0_i32, %c0_i32_0 : i32, i32
  }
  func.func @transform_3(%arg0: i32) -> (i32, i32) {
    %c0_i32 = arith.constant 0 : i32
    %c0_i32_0 = arith.constant 0 : i32
    return %arg0, %c0_i32 : i32, i32
  }
}

module attributes {stable_mosaic.version = 14 : i64} {
  func.func @_x3c6_body(%arg0: i32, %arg1: i32, %arg2: memref<5120x64xf32, #tpu.memory_space<vmem>>, %arg3: memref<256x64xf32, #tpu.memory_space<vmem>>, %arg4: memref<128x64xf32, #tpu.memory_space<vmem>>, %arg5: memref<1x64xf32, #tpu.memory_space<vmem>>, %arg6: memref<1x64xf32, #tpu.memory_space<vmem>>, %arg7: memref<1x64xf32, #tpu.memory_space<vmem>>, %arg8: memref<1x64xf32, #tpu.memory_space<vmem>>, %arg9: memref<256x64xf32, #tpu.memory_space<vmem>>, %arg10: memref<256x64xf32, #tpu.memory_space<vmem>>, %arg11: memref<64x1024xf32, #tpu.memory_space<vmem>>, %arg12: memref<64x1024xf32, #tpu.memory_space<vmem>>, %arg13: memref<64x1024xf32, #tpu.memory_space<vmem>>, %arg14: memref<256x64xf32, #tpu.memory_space<vmem>>, %arg15: memref<256x1024xf32, #tpu.memory_space<vmem>>, %arg16: memref<1x1x1024xf32, #tpu.memory_space<vmem>>) attributes {dimension_semantics = [#tpu.dimension_semantics<arbitrary>, #tpu.dimension_semantics<arbitrary>], iteration_bounds = array<i64: 4, 16>, scalar_prefetch = 0 : i64, scratch_operands = 0 : i64, tpu.core_type = #tpu.core_type<tc>, window_params = [{transform_indices = @transform_0, window_bounds = array<i64: 5120, 64>}, {transform_indices = @transform_1, window_bounds = array<i64: 256, 64>}, {pipeline_mode = #tpu.pipeline_mode<synchronous>, transform_indices = @transform_2, window_bounds = array<i64: 128, 64>}, {pipeline_mode = #tpu.pipeline_mode<synchronous>, transform_indices = @transform_3, window_bounds = array<i64: 1, 64>}, {pipeline_mode = #tpu.pipeline_mode<synchronous>, transform_indices = @transform_4, window_bounds = array<i64: 1, 64>}, {pipeline_mode = #tpu.pipeline_mode<synchronous>, transform_indices = @transform_5, window_bounds = array<i64: 1, 64>}, {pipeline_mode = #tpu.pipeline_mode<synchronous>, transform_indices = @transform_6, window_bounds = array<i64: 1, 64>}, {transform_indices = @transform_7, window_bounds = array<i64: 256, 64>}, {transform_indices = @transform_8, window_bounds = array<i64: 256, 64>}, {pipeline_mode = #tpu.pipeline_mode<synchronous>, transform_indices = @transform_9, window_bounds = array<i64: 64, 1024>}, {pipeline_mode = #tpu.pipeline_mode<synchronous>, transform_indices = @transform_10, window_bounds = array<i64: 64, 1024>}, {pipeline_mode = #tpu.pipeline_mode<synchronous>, transform_indices = @transform_11, window_bounds = array<i64: 64, 1024>}, {transform_indices = @transform_12, window_bounds = array<i64: 256, 64>}, {transform_indices = @transform_13, window_bounds = array<i64: 256, 1024>}, {transform_indices = @transform_14, window_bounds = array<i64: 1, 1, 1024>}]} {
    %get3A = arith.constant 0 : index
    %get3A_0 = arith.constant 0 : index
    %get3A_1 = vector.load %arg2[%get3A, %get3A_0] : memref<5120x64xf32, #tpu.memory_space<vmem>>, vector<5120x64xf32>
    %get3A_2 = arith.constant 0 : index
    %get3A_3 = arith.constant 0 : index
    %get3A_4 = vector.load %arg3[%get3A_2, %get3A_3] : memref<256x64xf32, #tpu.memory_space<vmem>>, vector<256x64xf32>
    %broadcast_in_dim3A = vector.shape_cast %get3A_4 : vector<256x64xf32> to vector<256x1x64xf32>
    %broadcast_in_dim3A_5 = vector.shape_cast %broadcast_in_dim3A : vector<256x1x64xf32> to vector<256x1x64xf32>
    %broadcast_in_dim3A_6 = vector.broadcast %broadcast_in_dim3A_5 : vector<256x1x64xf32> to vector<256x20x64xf32>
    %reshape3A = vector.shape_cast %broadcast_in_dim3A_6 : vector<256x20x64xf32> to vector<5120x64xf32>
    %sub3A = arith.subf %get3A_1, %reshape3A : vector<5120x64xf32>
    %concatenate3A = tpu.concatenate %sub3A, %reshape3A in 1 : vector<5120x64xf32>, vector<5120x64xf32> -> vector<5120x128xf32>
    %get3A_7 = arith.constant 0 : index
    %get3A_8 = arith.constant 0 : index
    %get3A_9 = vector.load %arg4[%get3A_7, %get3A_8] : memref<128x64xf32, #tpu.memory_space<vmem>>, vector<128x64xf32>
    %dot_general3A = arith.constant dense<0.000000e+00> : vector<5120x64xf32>
    %dot_general3A_10 = tpu.matmul %concatenate3A, %get3A_9, %dot_general3A {dimension_numbers = #tpu.dot_dimension_numbers<[1], [0], [0], [1], [0, 0, 1, 1], [], []>, transpose_lhs_hint = false} : vector<5120x128xf32>, vector<128x64xf32>, vector<5120x64xf32> -> vector<5120x64xf32>
    %get3A_11 = arith.constant 0 : index
    %get3A_12 = arith.constant 0 : index
    %get3A_13 = vector.load %arg5[%get3A_11, %get3A_12] : memref<1x64xf32, #tpu.memory_space<vmem>>, vector<1x64xf32>
    %sub3A_14 = vector.broadcast %get3A_13 : vector<1x64xf32> to vector<5120x64xf32>
    %sub3A_15 = arith.subf %dot_general3A_10, %sub3A_14 : vector<5120x64xf32>
    %get3A_16 = arith.constant 0 : index
    %get3A_17 = arith.constant 0 : index
    %get3A_18 = vector.load %arg6[%get3A_16, %get3A_17] : memref<1x64xf32, #tpu.memory_space<vmem>>, vector<1x64xf32>
    %div3A = vector.broadcast %get3A_18 : vector<1x64xf32> to vector<5120x64xf32>
    %div3A_19 = arith.divf %sub3A_15, %div3A : vector<5120x64xf32>
    %get3A_20 = arith.constant 0 : index
    %get3A_21 = arith.constant 0 : index
    %get3A_22 = vector.load %arg7[%get3A_20, %get3A_21] : memref<1x64xf32, #tpu.memory_space<vmem>>, vector<1x64xf32>
    %mul3A = vector.broadcast %get3A_22 : vector<1x64xf32> to vector<5120x64xf32>
    %mul3A_23 = arith.mulf %div3A_19, %mul3A : vector<5120x64xf32>
    %get3A_24 = arith.constant 0 : index
    %get3A_25 = arith.constant 0 : index
    %get3A_26 = vector.load %arg8[%get3A_24, %get3A_25] : memref<1x64xf32, #tpu.memory_space<vmem>>, vector<1x64xf32>
    %add3A = vector.broadcast %get3A_26 : vector<1x64xf32> to vector<5120x64xf32>
    %add3A_27 = arith.addf %mul3A_23, %add3A : vector<5120x64xf32>
    %gt3A = arith.constant 0.000000e+00 : f32
    %gt3A_28 = vector.broadcast %gt3A : f32 to vector<5120x64xf32>
    %gt3A_29 = arith.cmpf ogt, %add3A_27, %gt3A_28 : vector<5120x64xf32>
    %mul3A_30 = arith.constant 2.000000e-01 : f32
    %mul3A_31 = vector.broadcast %mul3A_30 : f32 to vector<5120x64xf32>
    %mul3A_32 = arith.mulf %mul3A_31, %add3A_27 : vector<5120x64xf32>
    %select_n3A = arith.select %gt3A_29, %add3A_27, %mul3A_32 : vector<5120x64xi1>, vector<5120x64xf32>
    %reshape3A_33 = vector.shape_cast %select_n3A : vector<5120x64xf32> to vector<256x20x64xf32>
    %reduce_max3A = arith.constant dense<0xFF800000> : vector<256x64xf32>
    %reduce_max3A_34 = vector.multi_reduction <maximumf>, %reshape3A_33, %reduce_max3A [1] : vector<256x20x64xf32> to vector<256x64xf32>
    %swap3A = arith.constant 0 : index
    %swap3A_35 = arith.constant 0 : index
    %swap3A_36 = vector.load %arg14[%swap3A, %swap3A_35] : memref<256x64xf32, #tpu.memory_space<vmem>>, vector<256x64xf32>
    tpu.vector_store %arg14[%swap3A, %swap3A_35], %reduce_max3A_34 {strides = array<i32>} : memref<256x64xf32, #tpu.memory_space<vmem>>, vector<256x64xf32>,
    %get3A_37 = arith.constant 0 : index
    %get3A_38 = arith.constant 0 : index
    %get3A_39 = vector.load %arg9[%get3A_37, %get3A_38] : memref<256x64xf32, #tpu.memory_space<vmem>>, vector<256x64xf32>
    %get3A_40 = arith.constant 0 : index
    %get3A_41 = arith.constant 0 : index
    %get3A_42 = vector.load %arg11[%get3A_40, %get3A_41] : memref<64x1024xf32, #tpu.memory_space<vmem>>, vector<64x1024xf32>
    %dot_general3A_43 = arith.constant dense<0.000000e+00> : vector<256x1024xf32>
    %dot_general3A_44 = tpu.matmul %get3A_39, %get3A_42, %dot_general3A_43 {dimension_numbers = #tpu.dot_dimension_numbers<[1], [0], [0], [1], [0, 0, 1, 1], [], []>, transpose_lhs_hint = false} : vector<256x64xf32>, vector<64x1024xf32>, vector<256x1024xf32> -> vector<256x1024xf32>
    %get3A_45 = arith.constant 0 : index
    %get3A_46 = arith.constant 0 : index
    %get3A_47 = vector.load %arg10[%get3A_45, %get3A_46] : memref<256x64xf32, #tpu.memory_space<vmem>>, vector<256x64xf32>
    %get3A_48 = arith.constant 0 : index
    %get3A_49 = arith.constant 0 : index
    %get3A_50 = vector.load %arg12[%get3A_48, %get3A_49] : memref<64x1024xf32, #tpu.memory_space<vmem>>, vector<64x1024xf32>
    %dot_general3A_51 = arith.constant dense<0.000000e+00> : vector<256x1024xf32>
    %dot_general3A_52 = tpu.matmul %get3A_47, %get3A_50, %dot_general3A_51 {dimension_numbers = #tpu.dot_dimension_numbers<[1], [0], [0], [1], [0, 0, 1, 1], [], []>, transpose_lhs_hint = false} : vector<256x64xf32>, vector<64x1024xf32>, vector<256x1024xf32> -> vector<256x1024xf32>
    %add3A_53 = arith.addf %dot_general3A_44, %dot_general3A_52 : vector<256x1024xf32>
    %get3A_54 = arith.constant 0 : index
    %get3A_55 = arith.constant 0 : index
    %get3A_56 = vector.load %arg13[%get3A_54, %get3A_55] : memref<64x1024xf32, #tpu.memory_space<vmem>>, vector<64x1024xf32>
    %dot_general3A_57 = arith.constant dense<0.000000e+00> : vector<256x1024xf32>
    %dot_general3A_58 = tpu.matmul %reduce_max3A_34, %get3A_56, %dot_general3A_57 {dimension_numbers = #tpu.dot_dimension_numbers<[1], [0], [0], [1], [0, 0, 1, 1], [], []>, transpose_lhs_hint = false} : vector<256x64xf32>, vector<64x1024xf32>, vector<256x1024xf32> -> vector<256x1024xf32>
    %add3A_59 = arith.addf %add3A_53, %dot_general3A_58 : vector<256x1024xf32>
    %swap3A_60 = arith.constant 0 : index
    %swap3A_61 = arith.constant 0 : index
    %swap3A_62 = vector.load %arg15[%swap3A_60, %swap3A_61] : memref<256x1024xf32, #tpu.memory_space<vmem>>, vector<256x1024xf32>
    tpu.vector_store %arg15[%swap3A_60, %swap3A_61], %add3A_59 {strides = array<i32>} : memref<256x1024xf32, #tpu.memory_space<vmem>>, vector<256x1024xf32>,
    %reduce_max3A_63 = arith.constant dense<0xFF800000> : vector<1024xf32>
    %reduce_max3A_64 = vector.multi_reduction <maximumf>, %add3A_59, %reduce_max3A_63 [0] : vector<256x1024xf32> to vector<1024xf32>
    %broadcast_in_dim3A_65 = vector.shape_cast %reduce_max3A_64 : vector<1024xf32> to vector<1x1024xf32>
    %eq3A = arith.constant 0 : i32
    %eq3A_66 = arith.cmpi eq, %arg1, %eq3A : i32
    %convert_element_type3A = arith.extui %eq3A_66 : i1 to i32
    %cond3A = arith.constant 0 : i32
    %cond3A_67 = arith.cmpi ne, %convert_element_type3A, %cond3A : i32
    scf.if %cond3A_67 {
      %swap3A_73 = arith.constant 0 : index
      %swap3A_74 = arith.constant 0 : index
      %swap3A_75 = arith.constant 0 : index
      %swap3A_76 = vector.load %arg16[%swap3A_73, %swap3A_74, %swap3A_75] : memref<1x1x1024xf32, #tpu.memory_space<vmem>>, vector<1x1x1024xf32>
      %swap3A_77 = vector.shape_cast %swap3A_76 : vector<1x1x1024xf32> to vector<1x1024xf32>
      %swap3A_78 = vector.shape_cast %broadcast_in_dim3A_65 : vector<1x1024xf32> to vector<1x1x1024xf32>
      tpu.vector_store %arg16[%swap3A_73, %swap3A_74, %swap3A_75], %swap3A_78 {strides = array<i32>} : memref<1x1x1024xf32, #tpu.memory_space<vmem>>, vector<1x1x1024xf32>,
    } else {
    }
    %gt3A_68 = arith.constant 0 : i32
    %gt3A_69 = arith.cmpi sgt, %arg1, %gt3A_68 : i32
    %convert_element_type3A_70 = arith.extui %gt3A_69 : i1 to i32
    %cond3A_71 = arith.constant 0 : i32
    %cond3A_72 = arith.cmpi ne, %convert_element_type3A_70, %cond3A_71 : i32
    scf.if %cond3A_72 {
      %get3A_73 = arith.constant 0 : index
      %get3A_74 = arith.constant 0 : index
      %get3A_75 = arith.constant 0 : index
      %get3A_76 = vector.load %arg16[%get3A_73, %get3A_74, %get3A_75] : memref<1x1x1024xf32, #tpu.memory_space<vmem>>, vector<1x1x1024xf32>
      %get3A_77 = vector.shape_cast %get3A_76 : vector<1x1x1024xf32> to vector<1x1024xf32>
      %max3A = arith.maximumf %get3A_77, %broadcast_in_dim3A_65 : vector<1x1024xf32>
      %swap3A_78 = arith.constant 0 : index
      %swap3A_79 = arith.constant 0 : index
      %swap3A_80 = arith.constant 0 : index
      %swap3A_81 = vector.load %arg16[%swap3A_78, %swap3A_79, %swap3A_80] : memref<1x1x1024xf32, #tpu.memory_space<vmem>>, vector<1x1x1024xf32>
      %swap3A_82 = vector.shape_cast %swap3A_81 : vector<1x1x1024xf32> to vector<1x1024xf32>
      %swap3A_83 = vector.shape_cast %max3A : vector<1x1024xf32> to vector<1x1x1024xf32>
      tpu.vector_store %arg16[%swap3A_78, %swap3A_79, %swap3A_80], %swap3A_83 {strides = array<i32>} : memref<1x1x1024xf32, #tpu.memory_space<vmem>>, vector<1x1x1024xf32>,
    } else {
    }
    return
  }
  func.func @transform_0(%arg0: i32, %arg1: i32) -> (i32, i32) {
    %mul3A = arith.constant 16 : i32
    %mul3A_0 = arith.muli %arg0, %mul3A : i32
    %add3A = arith.addi %mul3A_0, %arg1 : i32
    %c0_i32 = arith.constant 0 : i32
    %c0_i32_1 = arith.constant 0 : i32
    return %add3A, %c0_i32 : i32, i32
  }
  func.func @transform_1(%arg0: i32, %arg1: i32) -> (i32, i32) {
    %mul3A = arith.constant 16 : i32
    %mul3A_0 = arith.muli %arg0, %mul3A : i32
    %add3A = arith.addi %mul3A_0, %arg1 : i32
    %c0_i32 = arith.constant 0 : i32
    %c0_i32_1 = arith.constant 0 : i32
    return %add3A, %c0_i32 : i32, i32
  }
  func.func @transform_2(%arg0: i32, %arg1: i32) -> (i32, i32) {
    %c0_i32 = arith.constant 0 : i32
    %c0_i32_0 = arith.constant 0 : i32
    %c0_i32_1 = arith.constant 0 : i32
    return %c0_i32, %c0_i32_0 : i32, i32
  }
  func.func @transform_3(%arg0: i32, %arg1: i32) -> (i32, i32) {
    %c0_i32 = arith.constant 0 : i32
    %c0_i32_0 = arith.constant 0 : i32
    %c0_i32_1 = arith.constant 0 : i32
    return %c0_i32, %c0_i32_0 : i32, i32
  }
  func.func @transform_4(%arg0: i32, %arg1: i32) -> (i32, i32) {
    %c0_i32 = arith.constant 0 : i32
    %c0_i32_0 = arith.constant 0 : i32
    %c0_i32_1 = arith.constant 0 : i32
    return %c0_i32, %c0_i32_0 : i32, i32
  }
  func.func @transform_5(%arg0: i32, %arg1: i32) -> (i32, i32) {
    %c0_i32 = arith.constant 0 : i32
    %c0_i32_0 = arith.constant 0 : i32
    %c0_i32_1 = arith.constant 0 : i32
    return %c0_i32, %c0_i32_0 : i32, i32
  }
  func.func @transform_6(%arg0: i32, %arg1: i32) -> (i32, i32) {
    %c0_i32 = arith.constant 0 : i32
    %c0_i32_0 = arith.constant 0 : i32
    %c0_i32_1 = arith.constant 0 : i32
    return %c0_i32, %c0_i32_0 : i32, i32
  }
  func.func @transform_7(%arg0: i32, %arg1: i32) -> (i32, i32) {
    %mul3A = arith.constant 16 : i32
    %mul3A_0 = arith.muli %arg0, %mul3A : i32
    %add3A = arith.addi %mul3A_0, %arg1 : i32
    %c0_i32 = arith.constant 0 : i32
    %c0_i32_1 = arith.constant 0 : i32
    return %add3A, %c0_i32 : i32, i32
  }
  func.func @transform_8(%arg0: i32, %arg1: i32) -> (i32, i32) {
    %mul3A = arith.constant 16 : i32
    %mul3A_0 = arith.muli %arg0, %mul3A : i32
    %add3A = arith.addi %mul3A_0, %arg1 : i32
    %c0_i32 = arith.constant 0 : i32
    %c0_i32_1 = arith.constant 0 : i32
    return %add3A, %c0_i32 : i32, i32
  }
  func.func @transform_9(%arg0: i32, %arg1: i32) -> (i32, i32) {
    %c0_i32 = arith.constant 0 : i32
    %c0_i32_0 = arith.constant 0 : i32
    %c0_i32_1 = arith.constant 0 : i32
    return %c0_i32, %c0_i32_0 : i32, i32
  }
  func.func @transform_10(%arg0: i32, %arg1: i32) -> (i32, i32) {
    %c0_i32 = arith.constant 0 : i32
    %c0_i32_0 = arith.constant 0 : i32
    %c0_i32_1 = arith.constant 0 : i32
    return %c0_i32, %c0_i32_0 : i32, i32
  }
  func.func @transform_11(%arg0: i32, %arg1: i32) -> (i32, i32) {
    %c0_i32 = arith.constant 0 : i32
    %c0_i32_0 = arith.constant 0 : i32
    %c0_i32_1 = arith.constant 0 : i32
    return %c0_i32, %c0_i32_0 : i32, i32
  }
  func.func @transform_12(%arg0: i32, %arg1: i32) -> (i32, i32) {
    %mul3A = arith.constant 16 : i32
    %mul3A_0 = arith.muli %arg0, %mul3A : i32
    %add3A = arith.addi %mul3A_0, %arg1 : i32
    %c0_i32 = arith.constant 0 : i32
    %c0_i32_1 = arith.constant 0 : i32
    return %add3A, %c0_i32 : i32, i32
  }
  func.func @transform_13(%arg0: i32, %arg1: i32) -> (i32, i32) {
    %mul3A = arith.constant 16 : i32
    %mul3A_0 = arith.muli %arg0, %mul3A : i32
    %add3A = arith.addi %mul3A_0, %arg1 : i32
    %c0_i32 = arith.constant 0 : i32
    %c0_i32_1 = arith.constant 0 : i32
    return %add3A, %c0_i32 : i32, i32
  }
  func.func @transform_14(%arg0: i32, %arg1: i32) -> (i32, i32, i32) {
    %c0_i32 = arith.constant 0 : i32
    %c0_i32_0 = arith.constant 0 : i32
    %c0_i32_1 = arith.constant 0 : i32
    return %arg0, %c0_i32, %c0_i32_0 : i32, i32, i32
  }
}

module attributes {stable_mosaic.version = 14 : i64} {
  func.func @_tr_body(%arg0: i32, %arg1: memref<256x1024xf32, #tpu.memory_space<vmem>>, %arg2: memref<1x1024x256xf32, #tpu.memory_space<vmem>>) attributes {dimension_semantics = [#tpu.dimension_semantics<arbitrary>], iteration_bounds = array<i64: 64>, scalar_prefetch = 0 : i64, scratch_operands = 0 : i64, tpu.core_type = #tpu.core_type<tc>, window_params = [{transform_indices = @transform_0, window_bounds = array<i64: 256, 1024>}, {transform_indices = @transform_1, window_bounds = array<i64: 1, 1024, 256>}]} {
    %get3A = arith.constant 0 : index
    %get3A_0 = arith.constant 0 : index
    %get3A_1 = vector.load %arg1[%get3A, %get3A_0] : memref<256x1024xf32, #tpu.memory_space<vmem>>, vector<256x1024xf32>
    %transpose3A = tpu.transpose %get3A_1, [1, 0] : vector<256x1024xf32> -> vector<1024x256xf32>
    %swap3A = arith.constant 0 : index
    %swap3A_2 = arith.constant 0 : index
    %swap3A_3 = arith.constant 0 : index
    %swap3A_4 = vector.load %arg2[%swap3A, %swap3A_2, %swap3A_3] : memref<1x1024x256xf32, #tpu.memory_space<vmem>>, vector<1x1024x256xf32>
    %swap3A_5 = vector.shape_cast %swap3A_4 : vector<1x1024x256xf32> to vector<1024x256xf32>
    %swap3A_6 = vector.shape_cast %transpose3A : vector<1024x256xf32> to vector<1x1024x256xf32>
    tpu.vector_store %arg2[%swap3A, %swap3A_2, %swap3A_3], %swap3A_6 {strides = array<i32>} : memref<1x1024x256xf32, #tpu.memory_space<vmem>>, vector<1x1024x256xf32>,
    return
  }
  func.func @transform_0(%arg0: i32) -> (i32, i32) {
    %c0_i32 = arith.constant 0 : i32
    %c0_i32_0 = arith.constant 0 : i32
    return %arg0, %c0_i32 : i32, i32
  }
  func.func @transform_1(%arg0: i32) -> (i32, i32, i32) {
    %jit3A = arith.constant 16 : i32
    %div3A = arith.divsi %arg0, %jit3A : i32
    %sign3A = arith.constant 0 : i32
    %sign3A_0 = arith.cmpi sgt, %arg0, %sign3A : i32
    %sign3A_1 = arith.extui %sign3A_0 : i1 to i32
    %sign3A_2 = arith.constant 0 : i32
    %sign3A_3 = arith.cmpi slt, %arg0, %sign3A_2 : i32
    %sign3A_4 = arith.extui %sign3A_3 : i1 to i32
    %sign3A_5 = arith.subi %sign3A_1, %sign3A_4 : i32
    %sign3A_6 = arith.constant 0 : i32
    %sign3A_7 = arith.cmpi sgt, %jit3A, %sign3A_6 : i32
    %sign3A_8 = arith.extui %sign3A_7 : i1 to i32
    %sign3A_9 = arith.constant 0 : i32
    %sign3A_10 = arith.cmpi slt, %jit3A, %sign3A_9 : i32
    %sign3A_11 = arith.extui %sign3A_10 : i1 to i32
    %sign3A_12 = arith.subi %sign3A_8, %sign3A_11 : i32
    %ne3A = arith.cmpi ne, %sign3A_5, %sign3A_12 : i32
    %rem3A = arith.remsi %arg0, %jit3A : i32
    %ne3A_13 = arith.constant 0 : i32
    %ne3A_14 = arith.cmpi ne, %rem3A, %ne3A_13 : i32
    %and3A = arith.andi %ne3A, %ne3A_14 : i1
    %sub3A = arith.constant 1 : i32
    %sub3A_15 = arith.subi %div3A, %sub3A : i32
    %select_n3A = arith.select %and3A, %sub3A_15, %div3A : i32
    %jit3A_16 = arith.constant 16 : i32
    %eq3A = arith.constant 0 : i32
    %eq3A_17 = arith.cmpi eq, %jit3A_16, %eq3A : i32
    %jit3A_18 = arith.constant 1 : i32
    %select_n3A_19 = arith.select %eq3A_17, %jit3A_18, %jit3A_16 : i32
    %rem3A_20 = arith.remsi %arg0, %select_n3A_19 : i32
    %ne3A_21 = arith.constant 0 : i32
    %ne3A_22 = arith.cmpi ne, %rem3A_20, %ne3A_21 : i32
    %lt3A = arith.constant 0 : i32
    %lt3A_23 = arith.cmpi slt, %rem3A_20, %lt3A : i32
    %lt3A_24 = arith.constant 0 : i32
    %lt3A_25 = arith.cmpi slt, %select_n3A_19, %lt3A_24 : i32
    %ne3A_26 = arith.xori %lt3A_23, %lt3A_25 : i1
    %and3A_27 = arith.andi %ne3A_26, %ne3A_22 : i1
    %add3A = arith.addi %rem3A_20, %select_n3A_19 : i32
    %select_n3A_28 = arith.select %and3A_27, %add3A, %rem3A_20 : i32
    %c0_i32 = arith.constant 0 : i32
    %c0_i32_29 = arith.constant 0 : i32
    return %select_n3A, %c0_i32, %select_n3A_28 : i32, i32, i32
  }
}

module attributes {stable_mosaic.version = 14 : i64} {
  func.func @_conv7_body(%arg0: i32, %arg1: i32, %arg2: memref<1x1x1024xf32, #tpu.memory_space<vmem>>, %arg3: memref<1x1024xf32, #tpu.memory_space<vmem>>, %arg4: memref<1x1024xf32, #tpu.memory_space<vmem>>, %arg5: memref<1x1024xf32, #tpu.memory_space<vmem>>, %arg6: memref<1x1024xf32, #tpu.memory_space<vmem>>, %arg7: memref<256x64xf32, #tpu.memory_space<vmem>>, %arg8: memref<256x64xf32, #tpu.memory_space<vmem>>, %arg9: memref<256x64xf32, #tpu.memory_space<vmem>>, %arg10: memref<1024x512xf32, #tpu.memory_space<vmem>>, %arg11: memref<64x512xf32, #tpu.memory_space<vmem>>, %arg12: memref<64x512xf32, #tpu.memory_space<vmem>>, %arg13: memref<64x512xf32, #tpu.memory_space<vmem>>, %arg14: memref<256x512xf32, #tpu.memory_space<vmem>>) attributes {dimension_semantics = [#tpu.dimension_semantics<arbitrary>, #tpu.dimension_semantics<arbitrary>], iteration_bounds = array<i64: 4, 16>, scalar_prefetch = 0 : i64, scratch_operands = 0 : i64, tpu.core_type = #tpu.core_type<tc>, window_params = [{transform_indices = @transform_0, window_bounds = array<i64: 1, 1, 1024>}, {pipeline_mode = #tpu.pipeline_mode<synchronous>, transform_indices = @transform_1, window_bounds = array<i64: 1, 1024>}, {pipeline_mode = #tpu.pipeline_mode<synchronous>, transform_indices = @transform_2, window_bounds = array<i64: 1, 1024>}, {pipeline_mode = #tpu.pipeline_mode<synchronous>, transform_indices = @transform_3, window_bounds = array<i64: 1, 1024>}, {pipeline_mode = #tpu.pipeline_mode<synchronous>, transform_indices = @transform_4, window_bounds = array<i64: 1, 1024>}, {transform_indices = @transform_5, window_bounds = array<i64: 256, 64>}, {transform_indices = @transform_6, window_bounds = array<i64: 256, 64>}, {transform_indices = @transform_7, window_bounds = array<i64: 256, 64>}, {pipeline_mode = #tpu.pipeline_mode<synchronous>, transform_indices = @transform_8, window_bounds = array<i64: 1024, 512>}, {pipeline_mode = #tpu.pipeline_mode<synchronous>, transform_indices = @transform_9, window_bounds = array<i64: 64, 512>}, {pipeline_mode = #tpu.pipeline_mode<synchronous>, transform_indices = @transform_10, window_bounds = array<i64: 64, 512>}, {pipeline_mode = #tpu.pipeline_mode<synchronous>, transform_indices = @transform_11, window_bounds = array<i64: 64, 512>}, {transform_indices = @transform_12, window_bounds = array<i64: 256, 512>}]} {
    %get3A = arith.constant 0 : index
    %get3A_0 = arith.constant 0 : index
    %get3A_1 = arith.constant 0 : index
    %get3A_2 = vector.load %arg2[%get3A, %get3A_0, %get3A_1] : memref<1x1x1024xf32, #tpu.memory_space<vmem>>, vector<1x1x1024xf32>
    %get3A_3 = vector.shape_cast %get3A_2 : vector<1x1x1024xf32> to vector<1x1024xf32>
    %get3A_4 = arith.constant 0 : index
    %get3A_5 = arith.constant 0 : index
    %get3A_6 = vector.load %arg3[%get3A_4, %get3A_5] : memref<1x1024xf32, #tpu.memory_space<vmem>>, vector<1x1024xf32>
    %sub3A = arith.subf %get3A_3, %get3A_6 : vector<1x1024xf32>
    %get3A_7 = arith.constant 0 : index
    %get3A_8 = arith.constant 0 : index
    %get3A_9 = vector.load %arg4[%get3A_7, %get3A_8] : memref<1x1024xf32, #tpu.memory_space<vmem>>, vector<1x1024xf32>
    %div3A = arith.divf %sub3A, %get3A_9 : vector<1x1024xf32>
    %get3A_10 = arith.constant 0 : index
    %get3A_11 = arith.constant 0 : index
    %get3A_12 = vector.load %arg5[%get3A_10, %get3A_11] : memref<1x1024xf32, #tpu.memory_space<vmem>>, vector<1x1024xf32>
    %mul3A = arith.mulf %div3A, %get3A_12 : vector<1x1024xf32>
    %get3A_13 = arith.constant 0 : index
    %get3A_14 = arith.constant 0 : index
    %get3A_15 = vector.load %arg6[%get3A_13, %get3A_14] : memref<1x1024xf32, #tpu.memory_space<vmem>>, vector<1x1024xf32>
    %add3A = arith.addf %mul3A, %get3A_15 : vector<1x1024xf32>
    %gt3A = arith.constant 0.000000e+00 : f32
    %gt3A_16 = vector.broadcast %gt3A : f32 to vector<1x1024xf32>
    %gt3A_17 = arith.cmpf ogt, %add3A, %gt3A_16 : vector<1x1024xf32>
    %mul3A_18 = arith.constant 2.000000e-01 : f32
    %mul3A_19 = vector.broadcast %mul3A_18 : f32 to vector<1x1024xf32>
    %mul3A_20 = arith.mulf %mul3A_19, %add3A : vector<1x1024xf32>
    %select_n3A = arith.select %gt3A_17, %add3A, %mul3A_20 : vector<1x1024xi1>, vector<1x1024xf32>
    %get3A_21 = arith.constant 0 : index
    %get3A_22 = arith.constant 0 : index
    %get3A_23 = vector.load %arg10[%get3A_21, %get3A_22] : memref<1024x512xf32, #tpu.memory_space<vmem>>, vector<1024x512xf32>
    %dot_general3A = arith.constant dense<0.000000e+00> : vector<1x512xf32>
    %dot_general3A_24 = tpu.matmul %select_n3A, %get3A_23, %dot_general3A {dimension_numbers = #tpu.dot_dimension_numbers<[1], [0], [0], [1], [0, 0, 1, 1], [], []>, transpose_lhs_hint = false} : vector<1x1024xf32>, vector<1024x512xf32>, vector<1x512xf32> -> vector<1x512xf32>
    %get3A_25 = arith.constant 0 : index
    %get3A_26 = arith.constant 0 : index
    %get3A_27 = vector.load %arg7[%get3A_25, %get3A_26] : memref<256x64xf32, #tpu.memory_space<vmem>>, vector<256x64xf32>
    %get3A_28 = arith.constant 0 : index
    %get3A_29 = arith.constant 0 : index
    %get3A_30 = vector.load %arg11[%get3A_28, %get3A_29] : memref<64x512xf32, #tpu.memory_space<vmem>>, vector<64x512xf32>
    %dot_general3A_31 = arith.constant dense<0.000000e+00> : vector<256x512xf32>
    %dot_general3A_32 = tpu.matmul %get3A_27, %get3A_30, %dot_general3A_31 {dimension_numbers = #tpu.dot_dimension_numbers<[1], [0], [0], [1], [0, 0, 1, 1], [], []>, transpose_lhs_hint = false} : vector<256x64xf32>, vector<64x512xf32>, vector<256x512xf32> -> vector<256x512xf32>
    %get3A_33 = arith.constant 0 : index
    %get3A_34 = arith.constant 0 : index
    %get3A_35 = vector.load %arg8[%get3A_33, %get3A_34] : memref<256x64xf32, #tpu.memory_space<vmem>>, vector<256x64xf32>
    %get3A_36 = arith.constant 0 : index
    %get3A_37 = arith.constant 0 : index
    %get3A_38 = vector.load %arg12[%get3A_36, %get3A_37] : memref<64x512xf32, #tpu.memory_space<vmem>>, vector<64x512xf32>
    %dot_general3A_39 = arith.constant dense<0.000000e+00> : vector<256x512xf32>
    %dot_general3A_40 = tpu.matmul %get3A_35, %get3A_38, %dot_general3A_39 {dimension_numbers = #tpu.dot_dimension_numbers<[1], [0], [0], [1], [0, 0, 1, 1], [], []>, transpose_lhs_hint = false} : vector<256x64xf32>, vector<64x512xf32>, vector<256x512xf32> -> vector<256x512xf32>
    %add3A_41 = arith.addf %dot_general3A_32, %dot_general3A_40 : vector<256x512xf32>
    %get3A_42 = arith.constant 0 : index
    %get3A_43 = arith.constant 0 : index
    %get3A_44 = vector.load %arg9[%get3A_42, %get3A_43] : memref<256x64xf32, #tpu.memory_space<vmem>>, vector<256x64xf32>
    %get3A_45 = arith.constant 0 : index
    %get3A_46 = arith.constant 0 : index
    %get3A_47 = vector.load %arg13[%get3A_45, %get3A_46] : memref<64x512xf32, #tpu.memory_space<vmem>>, vector<64x512xf32>
    %dot_general3A_48 = arith.constant dense<0.000000e+00> : vector<256x512xf32>
    %dot_general3A_49 = tpu.matmul %get3A_44, %get3A_47, %dot_general3A_48 {dimension_numbers = #tpu.dot_dimension_numbers<[1], [0], [0], [1], [0, 0, 1, 1], [], []>, transpose_lhs_hint = false} : vector<256x64xf32>, vector<64x512xf32>, vector<256x512xf32> -> vector<256x512xf32>
    %add3A_50 = arith.addf %add3A_41, %dot_general3A_49 : vector<256x512xf32>
    %add3A_51 = vector.broadcast %dot_general3A_24 : vector<1x512xf32> to vector<256x512xf32>
    %add3A_52 = arith.addf %add3A_50, %add3A_51 : vector<256x512xf32>
    %swap3A = arith.constant 0 : index
    %swap3A_53 = arith.constant 0 : index
    %swap3A_54 = vector.load %arg14[%swap3A, %swap3A_53] : memref<256x512xf32, #tpu.memory_space<vmem>>, vector<256x512xf32>
    tpu.vector_store %arg14[%swap3A, %swap3A_53], %add3A_52 {strides = array<i32>} : memref<256x512xf32, #tpu.memory_space<vmem>>, vector<256x512xf32>,
    return
  }
  func.func @transform_0(%arg0: i32, %arg1: i32) -> (i32, i32, i32) {
    %c0_i32 = arith.constant 0 : i32
    %c0_i32_0 = arith.constant 0 : i32
    %c0_i32_1 = arith.constant 0 : i32
    return %arg0, %c0_i32, %c0_i32_0 : i32, i32, i32
  }
  func.func @transform_1(%arg0: i32, %arg1: i32) -> (i32, i32) {
    %c0_i32 = arith.constant 0 : i32
    %c0_i32_0 = arith.constant 0 : i32
    %c0_i32_1 = arith.constant 0 : i32
    return %c0_i32, %c0_i32_0 : i32, i32
  }
  func.func @transform_2(%arg0: i32, %arg1: i32) -> (i32, i32) {
    %c0_i32 = arith.constant 0 : i32
    %c0_i32_0 = arith.constant 0 : i32
    %c0_i32_1 = arith.constant 0 : i32
    return %c0_i32, %c0_i32_0 : i32, i32
  }
  func.func @transform_3(%arg0: i32, %arg1: i32) -> (i32, i32) {
    %c0_i32 = arith.constant 0 : i32
    %c0_i32_0 = arith.constant 0 : i32
    %c0_i32_1 = arith.constant 0 : i32
    return %c0_i32, %c0_i32_0 : i32, i32
  }
  func.func @transform_4(%arg0: i32, %arg1: i32) -> (i32, i32) {
    %c0_i32 = arith.constant 0 : i32
    %c0_i32_0 = arith.constant 0 : i32
    %c0_i32_1 = arith.constant 0 : i32
    return %c0_i32, %c0_i32_0 : i32, i32
  }
  func.func @transform_5(%arg0: i32, %arg1: i32) -> (i32, i32) {
    %mul3A = arith.constant 16 : i32
    %mul3A_0 = arith.muli %arg0, %mul3A : i32
    %add3A = arith.addi %mul3A_0, %arg1 : i32
    %c0_i32 = arith.constant 0 : i32
    %c0_i32_1 = arith.constant 0 : i32
    return %add3A, %c0_i32 : i32, i32
  }
  func.func @transform_6(%arg0: i32, %arg1: i32) -> (i32, i32) {
    %mul3A = arith.constant 16 : i32
    %mul3A_0 = arith.muli %arg0, %mul3A : i32
    %add3A = arith.addi %mul3A_0, %arg1 : i32
    %c0_i32 = arith.constant 0 : i32
    %c0_i32_1 = arith.constant 0 : i32
    return %add3A, %c0_i32 : i32, i32
  }
  func.func @transform_7(%arg0: i32, %arg1: i32) -> (i32, i32) {
    %mul3A = arith.constant 16 : i32
    %mul3A_0 = arith.muli %arg0, %mul3A : i32
    %add3A = arith.addi %mul3A_0, %arg1 : i32
    %c0_i32 = arith.constant 0 : i32
    %c0_i32_1 = arith.constant 0 : i32
    return %add3A, %c0_i32 : i32, i32
  }
  func.func @transform_8(%arg0: i32, %arg1: i32) -> (i32, i32) {
    %c0_i32 = arith.constant 0 : i32
    %c0_i32_0 = arith.constant 0 : i32
    %c0_i32_1 = arith.constant 0 : i32
    return %c0_i32, %c0_i32_0 : i32, i32
  }
  func.func @transform_9(%arg0: i32, %arg1: i32) -> (i32, i32) {
    %c0_i32 = arith.constant 0 : i32
    %c0_i32_0 = arith.constant 0 : i32
    %c0_i32_1 = arith.constant 0 : i32
    return %c0_i32, %c0_i32_0 : i32, i32
  }
  func.func @transform_10(%arg0: i32, %arg1: i32) -> (i32, i32) {
    %c0_i32 = arith.constant 0 : i32
    %c0_i32_0 = arith.constant 0 : i32
    %c0_i32_1 = arith.constant 0 : i32
    return %c0_i32, %c0_i32_0 : i32, i32
  }
  func.func @transform_11(%arg0: i32, %arg1: i32) -> (i32, i32) {
    %c0_i32 = arith.constant 0 : i32
    %c0_i32_0 = arith.constant 0 : i32
    %c0_i32_1 = arith.constant 0 : i32
    return %c0_i32, %c0_i32_0 : i32, i32
  }
  func.func @transform_12(%arg0: i32, %arg1: i32) -> (i32, i32) {
    %mul3A = arith.constant 16 : i32
    %mul3A_0 = arith.muli %arg0, %mul3A : i32
    %add3A = arith.addi %mul3A_0, %arg1 : i32
    %c0_i32 = arith.constant 0 : i32
    %c0_i32_1 = arith.constant 0 : i32
    return %add3A, %c0_i32 : i32, i32
  }
}

module attributes {stable_mosaic.version = 14 : i64} {
  func.func @_tr_body(%arg0: i32, %arg1: memref<256x512xf32, #tpu.memory_space<vmem>>, %arg2: memref<1x512x256xf32, #tpu.memory_space<vmem>>) attributes {dimension_semantics = [#tpu.dimension_semantics<arbitrary>], iteration_bounds = array<i64: 64>, scalar_prefetch = 0 : i64, scratch_operands = 0 : i64, tpu.core_type = #tpu.core_type<tc>, window_params = [{transform_indices = @transform_0, window_bounds = array<i64: 256, 512>}, {transform_indices = @transform_1, window_bounds = array<i64: 1, 512, 256>}]} {
    %get3A = arith.constant 0 : index
    %get3A_0 = arith.constant 0 : index
    %get3A_1 = vector.load %arg1[%get3A, %get3A_0] : memref<256x512xf32, #tpu.memory_space<vmem>>, vector<256x512xf32>
    %transpose3A = tpu.transpose %get3A_1, [1, 0] : vector<256x512xf32> -> vector<512x256xf32>
    %swap3A = arith.constant 0 : index
    %swap3A_2 = arith.constant 0 : index
    %swap3A_3 = arith.constant 0 : index
    %swap3A_4 = vector.load %arg2[%swap3A, %swap3A_2, %swap3A_3] : memref<1x512x256xf32, #tpu.memory_space<vmem>>, vector<1x512x256xf32>
    %swap3A_5 = vector.shape_cast %swap3A_4 : vector<1x512x256xf32> to vector<512x256xf32>
    %swap3A_6 = vector.shape_cast %transpose3A : vector<512x256xf32> to vector<1x512x256xf32>
    tpu.vector_store %arg2[%swap3A, %swap3A_2, %swap3A_3], %swap3A_6 {strides = array<i32>} : memref<1x512x256xf32, #tpu.memory_space<vmem>>, vector<1x512x256xf32>,
    return
  }
  func.func @transform_0(%arg0: i32) -> (i32, i32) {
    %c0_i32 = arith.constant 0 : i32
    %c0_i32_0 = arith.constant 0 : i32
    return %arg0, %c0_i32 : i32, i32
  }
  func.func @transform_1(%arg0: i32) -> (i32, i32, i32) {
    %jit3A = arith.constant 16 : i32
    %div3A = arith.divsi %arg0, %jit3A : i32
    %sign3A = arith.constant 0 : i32
    %sign3A_0 = arith.cmpi sgt, %arg0, %sign3A : i32
    %sign3A_1 = arith.extui %sign3A_0 : i1 to i32
    %sign3A_2 = arith.constant 0 : i32
    %sign3A_3 = arith.cmpi slt, %arg0, %sign3A_2 : i32
    %sign3A_4 = arith.extui %sign3A_3 : i1 to i32
    %sign3A_5 = arith.subi %sign3A_1, %sign3A_4 : i32
    %sign3A_6 = arith.constant 0 : i32
    %sign3A_7 = arith.cmpi sgt, %jit3A, %sign3A_6 : i32
    %sign3A_8 = arith.extui %sign3A_7 : i1 to i32
    %sign3A_9 = arith.constant 0 : i32
    %sign3A_10 = arith.cmpi slt, %jit3A, %sign3A_9 : i32
    %sign3A_11 = arith.extui %sign3A_10 : i1 to i32
    %sign3A_12 = arith.subi %sign3A_8, %sign3A_11 : i32
    %ne3A = arith.cmpi ne, %sign3A_5, %sign3A_12 : i32
    %rem3A = arith.remsi %arg0, %jit3A : i32
    %ne3A_13 = arith.constant 0 : i32
    %ne3A_14 = arith.cmpi ne, %rem3A, %ne3A_13 : i32
    %and3A = arith.andi %ne3A, %ne3A_14 : i1
    %sub3A = arith.constant 1 : i32
    %sub3A_15 = arith.subi %div3A, %sub3A : i32
    %select_n3A = arith.select %and3A, %sub3A_15, %div3A : i32
    %jit3A_16 = arith.constant 16 : i32
    %eq3A = arith.constant 0 : i32
    %eq3A_17 = arith.cmpi eq, %jit3A_16, %eq3A : i32
    %jit3A_18 = arith.constant 1 : i32
    %select_n3A_19 = arith.select %eq3A_17, %jit3A_18, %jit3A_16 : i32
    %rem3A_20 = arith.remsi %arg0, %select_n3A_19 : i32
    %ne3A_21 = arith.constant 0 : i32
    %ne3A_22 = arith.cmpi ne, %rem3A_20, %ne3A_21 : i32
    %lt3A = arith.constant 0 : i32
    %lt3A_23 = arith.cmpi slt, %rem3A_20, %lt3A : i32
    %lt3A_24 = arith.constant 0 : i32
    %lt3A_25 = arith.cmpi slt, %select_n3A_19, %lt3A_24 : i32
    %ne3A_26 = arith.xori %lt3A_23, %lt3A_25 : i1
    %and3A_27 = arith.andi %ne3A_26, %ne3A_22 : i1
    %add3A = arith.addi %rem3A_20, %select_n3A_19 : i32
    %select_n3A_28 = arith.select %and3A_27, %add3A, %rem3A_20 : i32
    %c0_i32 = arith.constant 0 : i32
    %c0_i32_29 = arith.constant 0 : i32
    return %select_n3A, %c0_i32, %select_n3A_28 : i32, i32, i32
  }
}

module attributes {stable_mosaic.version = 14 : i64} {
  func.func @_bnmm_body(%arg0: i32, %arg1: memref<256x512xf32, #tpu.memory_space<vmem>>, %arg2: memref<1x512xf32, #tpu.memory_space<vmem>>, %arg3: memref<1x512xf32, #tpu.memory_space<vmem>>, %arg4: memref<1x512xf32, #tpu.memory_space<vmem>>, %arg5: memref<1x512xf32, #tpu.memory_space<vmem>>, %arg6: memref<512x256xf32, #tpu.memory_space<vmem>>, %arg7: memref<256x256xf32, #tpu.memory_space<vmem>>) attributes {dimension_semantics = [#tpu.dimension_semantics<arbitrary>], iteration_bounds = array<i64: 64>, scalar_prefetch = 0 : i64, scratch_operands = 0 : i64, tpu.core_type = #tpu.core_type<tc>, window_params = [{transform_indices = @transform_0, window_bounds = array<i64: 256, 512>}, {pipeline_mode = #tpu.pipeline_mode<synchronous>, transform_indices = @transform_1, window_bounds = array<i64: 1, 512>}, {pipeline_mode = #tpu.pipeline_mode<synchronous>, transform_indices = @transform_2, window_bounds = array<i64: 1, 512>}, {pipeline_mode = #tpu.pipeline_mode<synchronous>, transform_indices = @transform_3, window_bounds = array<i64: 1, 512>}, {pipeline_mode = #tpu.pipeline_mode<synchronous>, transform_indices = @transform_4, window_bounds = array<i64: 1, 512>}, {pipeline_mode = #tpu.pipeline_mode<synchronous>, transform_indices = @transform_5, window_bounds = array<i64: 512, 256>}, {transform_indices = @transform_6, window_bounds = array<i64: 256, 256>}]} {
    %get3A = arith.constant 0 : index
    %get3A_0 = arith.constant 0 : index
    %get3A_1 = vector.load %arg1[%get3A, %get3A_0] : memref<256x512xf32, #tpu.memory_space<vmem>>, vector<256x512xf32>
    %get3A_2 = arith.constant 0 : index
    %get3A_3 = arith.constant 0 : index
    %get3A_4 = vector.load %arg2[%get3A_2, %get3A_3] : memref<1x512xf32, #tpu.memory_space<vmem>>, vector<1x512xf32>
    %sub3A = vector.broadcast %get3A_4 : vector<1x512xf32> to vector<256x512xf32>
    %sub3A_5 = arith.subf %get3A_1, %sub3A : vector<256x512xf32>
    %get3A_6 = arith.constant 0 : index
    %get3A_7 = arith.constant 0 : index
    %get3A_8 = vector.load %arg3[%get3A_6, %get3A_7] : memref<1x512xf32, #tpu.memory_space<vmem>>, vector<1x512xf32>
    %div3A = vector.broadcast %get3A_8 : vector<1x512xf32> to vector<256x512xf32>
    %div3A_9 = arith.divf %sub3A_5, %div3A : vector<256x512xf32>
    %get3A_10 = arith.constant 0 : index
    %get3A_11 = arith.constant 0 : index
    %get3A_12 = vector.load %arg4[%get3A_10, %get3A_11] : memref<1x512xf32, #tpu.memory_space<vmem>>, vector<1x512xf32>
    %mul3A = vector.broadcast %get3A_12 : vector<1x512xf32> to vector<256x512xf32>
    %mul3A_13 = arith.mulf %div3A_9, %mul3A : vector<256x512xf32>
    %get3A_14 = arith.constant 0 : index
    %get3A_15 = arith.constant 0 : index
    %get3A_16 = vector.load %arg5[%get3A_14, %get3A_15] : memref<1x512xf32, #tpu.memory_space<vmem>>, vector<1x512xf32>
    %add3A = vector.broadcast %get3A_16 : vector<1x512xf32> to vector<256x512xf32>
    %add3A_17 = arith.addf %mul3A_13, %add3A : vector<256x512xf32>
    %gt3A = arith.constant 0.000000e+00 : f32
    %gt3A_18 = vector.broadcast %gt3A : f32 to vector<256x512xf32>
    %gt3A_19 = arith.cmpf ogt, %add3A_17, %gt3A_18 : vector<256x512xf32>
    %mul3A_20 = arith.constant 2.000000e-01 : f32
    %mul3A_21 = vector.broadcast %mul3A_20 : f32 to vector<256x512xf32>
    %mul3A_22 = arith.mulf %mul3A_21, %add3A_17 : vector<256x512xf32>
    %select_n3A = arith.select %gt3A_19, %add3A_17, %mul3A_22 : vector<256x512xi1>, vector<256x512xf32>
    %get3A_23 = arith.constant 0 : index
    %get3A_24 = arith.constant 0 : index
    %get3A_25 = vector.load %arg6[%get3A_23, %get3A_24] : memref<512x256xf32, #tpu.memory_space<vmem>>, vector<512x256xf32>
    %dot_general3A = arith.constant dense<0.000000e+00> : vector<256x256xf32>
    %dot_general3A_26 = tpu.matmul %select_n3A, %get3A_25, %dot_general3A {dimension_numbers = #tpu.dot_dimension_numbers<[1], [0], [0], [1], [0, 0, 1, 1], [], []>, transpose_lhs_hint = false} : vector<256x512xf32>, vector<512x256xf32>, vector<256x256xf32> -> vector<256x256xf32>
    %swap3A = arith.constant 0 : index
    %swap3A_27 = arith.constant 0 : index
    %swap3A_28 = vector.load %arg7[%swap3A, %swap3A_27] : memref<256x256xf32, #tpu.memory_space<vmem>>, vector<256x256xf32>
    tpu.vector_store %arg7[%swap3A, %swap3A_27], %dot_general3A_26 {strides = array<i32>} : memref<256x256xf32, #tpu.memory_space<vmem>>, vector<256x256xf32>,
    return
  }
  func.func @transform_0(%arg0: i32) -> (i32, i32) {
    %c0_i32 = arith.constant 0 : i32
    %c0_i32_0 = arith.constant 0 : i32
    return %arg0, %c0_i32 : i32, i32
  }
  func.func @transform_1(%arg0: i32) -> (i32, i32) {
    %c0_i32 = arith.constant 0 : i32
    %c0_i32_0 = arith.constant 0 : i32
    %c0_i32_1 = arith.constant 0 : i32
    return %c0_i32, %c0_i32_0 : i32, i32
  }
  func.func @transform_2(%arg0: i32) -> (i32, i32) {
    %c0_i32 = arith.constant 0 : i32
    %c0_i32_0 = arith.constant 0 : i32
    %c0_i32_1 = arith.constant 0 : i32
    return %c0_i32, %c0_i32_0 : i32, i32
  }
  func.func @transform_3(%arg0: i32) -> (i32, i32) {
    %c0_i32 = arith.constant 0 : i32
    %c0_i32_0 = arith.constant 0 : i32
    %c0_i32_1 = arith.constant 0 : i32
    return %c0_i32, %c0_i32_0 : i32, i32
  }
  func.func @transform_4(%arg0: i32) -> (i32, i32) {
    %c0_i32 = arith.constant 0 : i32
    %c0_i32_0 = arith.constant 0 : i32
    %c0_i32_1 = arith.constant 0 : i32
    return %c0_i32, %c0_i32_0 : i32, i32
  }
  func.func @transform_5(%arg0: i32) -> (i32, i32) {
    %c0_i32 = arith.constant 0 : i32
    %c0_i32_0 = arith.constant 0 : i32
    %c0_i32_1 = arith.constant 0 : i32
    return %c0_i32, %c0_i32_0 : i32, i32
  }
  func.func @transform_6(%arg0: i32) -> (i32, i32) {
    %c0_i32 = arith.constant 0 : i32
    %c0_i32_0 = arith.constant 0 : i32
    return %arg0, %c0_i32 : i32, i32
  }
}

module attributes {stable_mosaic.version = 14 : i64} {
  func.func @_tr_body(%arg0: i32, %arg1: memref<256x256xf32, #tpu.memory_space<vmem>>, %arg2: memref<1x256x256xf32, #tpu.memory_space<vmem>>) attributes {dimension_semantics = [#tpu.dimension_semantics<arbitrary>], iteration_bounds = array<i64: 64>, scalar_prefetch = 0 : i64, scratch_operands = 0 : i64, tpu.core_type = #tpu.core_type<tc>, window_params = [{transform_indices = @transform_0, window_bounds = array<i64: 256, 256>}, {transform_indices = @transform_1, window_bounds = array<i64: 1, 256, 256>}]} {
    %get3A = arith.constant 0 : index
    %get3A_0 = arith.constant 0 : index
    %get3A_1 = vector.load %arg1[%get3A, %get3A_0] : memref<256x256xf32, #tpu.memory_space<vmem>>, vector<256x256xf32>
    %transpose3A = tpu.transpose %get3A_1, [1, 0] : vector<256x256xf32> -> vector<256x256xf32>
    %swap3A = arith.constant 0 : index
    %swap3A_2 = arith.constant 0 : index
    %swap3A_3 = arith.constant 0 : index
    %swap3A_4 = vector.load %arg2[%swap3A, %swap3A_2, %swap3A_3] : memref<1x256x256xf32, #tpu.memory_space<vmem>>, vector<1x256x256xf32>
    %swap3A_5 = vector.shape_cast %swap3A_4 : vector<1x256x256xf32> to vector<256x256xf32>
    %swap3A_6 = vector.shape_cast %transpose3A : vector<256x256xf32> to vector<1x256x256xf32>
    tpu.vector_store %arg2[%swap3A, %swap3A_2, %swap3A_3], %swap3A_6 {strides = array<i32>} : memref<1x256x256xf32, #tpu.memory_space<vmem>>, vector<1x256x256xf32>,
    return
  }
  func.func @transform_0(%arg0: i32) -> (i32, i32) {
    %c0_i32 = arith.constant 0 : i32
    %c0_i32_0 = arith.constant 0 : i32
    return %arg0, %c0_i32 : i32, i32
  }
  func.func @transform_1(%arg0: i32) -> (i32, i32, i32) {
    %jit3A = arith.constant 16 : i32
    %div3A = arith.divsi %arg0, %jit3A : i32
    %sign3A = arith.constant 0 : i32
    %sign3A_0 = arith.cmpi sgt, %arg0, %sign3A : i32
    %sign3A_1 = arith.extui %sign3A_0 : i1 to i32
    %sign3A_2 = arith.constant 0 : i32
    %sign3A_3 = arith.cmpi slt, %arg0, %sign3A_2 : i32
    %sign3A_4 = arith.extui %sign3A_3 : i1 to i32
    %sign3A_5 = arith.subi %sign3A_1, %sign3A_4 : i32
    %sign3A_6 = arith.constant 0 : i32
    %sign3A_7 = arith.cmpi sgt, %jit3A, %sign3A_6 : i32
    %sign3A_8 = arith.extui %sign3A_7 : i1 to i32
    %sign3A_9 = arith.constant 0 : i32
    %sign3A_10 = arith.cmpi slt, %jit3A, %sign3A_9 : i32
    %sign3A_11 = arith.extui %sign3A_10 : i1 to i32
    %sign3A_12 = arith.subi %sign3A_8, %sign3A_11 : i32
    %ne3A = arith.cmpi ne, %sign3A_5, %sign3A_12 : i32
    %rem3A = arith.remsi %arg0, %jit3A : i32
    %ne3A_13 = arith.constant 0 : i32
    %ne3A_14 = arith.cmpi ne, %rem3A, %ne3A_13 : i32
    %and3A = arith.andi %ne3A, %ne3A_14 : i1
    %sub3A = arith.constant 1 : i32
    %sub3A_15 = arith.subi %div3A, %sub3A : i32
    %select_n3A = arith.select %and3A, %sub3A_15, %div3A : i32
    %jit3A_16 = arith.constant 16 : i32
    %eq3A = arith.constant 0 : i32
    %eq3A_17 = arith.cmpi eq, %jit3A_16, %eq3A : i32
    %jit3A_18 = arith.constant 1 : i32
    %select_n3A_19 = arith.select %eq3A_17, %jit3A_18, %jit3A_16 : i32
    %rem3A_20 = arith.remsi %arg0, %select_n3A_19 : i32
    %ne3A_21 = arith.constant 0 : i32
    %ne3A_22 = arith.cmpi ne, %rem3A_20, %ne3A_21 : i32
    %lt3A = arith.constant 0 : i32
    %lt3A_23 = arith.cmpi slt, %rem3A_20, %lt3A : i32
    %lt3A_24 = arith.constant 0 : i32
    %lt3A_25 = arith.cmpi slt, %select_n3A_19, %lt3A_24 : i32
    %ne3A_26 = arith.xori %lt3A_23, %lt3A_25 : i1
    %and3A_27 = arith.andi %ne3A_26, %ne3A_22 : i1
    %add3A = arith.addi %rem3A_20, %select_n3A_19 : i32
    %select_n3A_28 = arith.select %and3A_27, %add3A, %rem3A_20 : i32
    %c0_i32 = arith.constant 0 : i32
    %c0_i32_29 = arith.constant 0 : i32
    return %select_n3A, %c0_i32, %select_n3A_28 : i32, i32, i32
  }
}

module attributes {stable_mosaic.version = 14 : i64} {
  func.func @_final_body(%arg0: i32, %arg1: i32, %arg2: memref<1x256x256xf32, #tpu.memory_space<vmem>>, %arg3: memref<1x256xf32, #tpu.memory_space<vmem>>, %arg4: memref<1x256xf32, #tpu.memory_space<vmem>>, %arg5: memref<1x256xf32, #tpu.memory_space<vmem>>, %arg6: memref<1x256xf32, #tpu.memory_space<vmem>>, %arg7: memref<1x256x256xf32, #tpu.memory_space<vmem>>) attributes {dimension_semantics = [#tpu.dimension_semantics<arbitrary>, #tpu.dimension_semantics<arbitrary>], iteration_bounds = array<i64: 4, 16>, scalar_prefetch = 0 : i64, scratch_operands = 0 : i64, tpu.core_type = #tpu.core_type<tc>, window_params = [{transform_indices = @transform_0, window_bounds = array<i64: 1, 256, 256>}, {pipeline_mode = #tpu.pipeline_mode<synchronous>, transform_indices = @transform_1, window_bounds = array<i64: 1, 256>}, {pipeline_mode = #tpu.pipeline_mode<synchronous>, transform_indices = @transform_2, window_bounds = array<i64: 1, 256>}, {pipeline_mode = #tpu.pipeline_mode<synchronous>, transform_indices = @transform_3, window_bounds = array<i64: 1, 256>}, {pipeline_mode = #tpu.pipeline_mode<synchronous>, transform_indices = @transform_4, window_bounds = array<i64: 1, 256>}, {transform_indices = @transform_5, window_bounds = array<i64: 1, 256, 256>}]} {
    %get3A = arith.constant 0 : index
    %get3A_0 = arith.constant 0 : index
    %get3A_1 = arith.constant 0 : index
    %get3A_2 = vector.load %arg2[%get3A, %get3A_0, %get3A_1] : memref<1x256x256xf32, #tpu.memory_space<vmem>>, vector<1x256x256xf32>
    %get3A_3 = vector.shape_cast %get3A_2 : vector<1x256x256xf32> to vector<256x256xf32>
    %get3A_4 = arith.constant 0 : index
    %get3A_5 = arith.constant 0 : index
    %get3A_6 = vector.load %arg3[%get3A_4, %get3A_5] : memref<1x256xf32, #tpu.memory_space<vmem>>, vector<1x256xf32>
    %sub3A = vector.broadcast %get3A_6 : vector<1x256xf32> to vector<256x256xf32>
    %sub3A_7 = arith.subf %get3A_3, %sub3A : vector<256x256xf32>
    %get3A_8 = arith.constant 0 : index
    %get3A_9 = arith.constant 0 : index
    %get3A_10 = vector.load %arg4[%get3A_8, %get3A_9] : memref<1x256xf32, #tpu.memory_space<vmem>>, vector<1x256xf32>
    %div3A = vector.broadcast %get3A_10 : vector<1x256xf32> to vector<256x256xf32>
    %div3A_11 = arith.divf %sub3A_7, %div3A : vector<256x256xf32>
    %get3A_12 = arith.constant 0 : index
    %get3A_13 = arith.constant 0 : index
    %get3A_14 = vector.load %arg5[%get3A_12, %get3A_13] : memref<1x256xf32, #tpu.memory_space<vmem>>, vector<1x256xf32>
    %mul3A = vector.broadcast %get3A_14 : vector<1x256xf32> to vector<256x256xf32>
    %mul3A_15 = arith.mulf %div3A_11, %mul3A : vector<256x256xf32>
    %get3A_16 = arith.constant 0 : index
    %get3A_17 = arith.constant 0 : index
    %get3A_18 = vector.load %arg6[%get3A_16, %get3A_17] : memref<1x256xf32, #tpu.memory_space<vmem>>, vector<1x256xf32>
    %add3A = vector.broadcast %get3A_18 : vector<1x256xf32> to vector<256x256xf32>
    %add3A_19 = arith.addf %mul3A_15, %add3A : vector<256x256xf32>
    %gt3A = arith.constant 0.000000e+00 : f32
    %gt3A_20 = vector.broadcast %gt3A : f32 to vector<256x256xf32>
    %gt3A_21 = arith.cmpf ogt, %add3A_19, %gt3A_20 : vector<256x256xf32>
    %mul3A_22 = arith.constant 2.000000e-01 : f32
    %mul3A_23 = vector.broadcast %mul3A_22 : f32 to vector<256x256xf32>
    %mul3A_24 = arith.mulf %mul3A_23, %add3A_19 : vector<256x256xf32>
    %select_n3A = arith.select %gt3A_21, %add3A_19, %mul3A_24 : vector<256x256xi1>, vector<256x256xf32>
    %transpose3A = tpu.transpose %select_n3A, [1, 0] : vector<256x256xf32> -> vector<256x256xf32>
    %swap3A = arith.constant 0 : index
    %swap3A_25 = arith.constant 0 : index
    %swap3A_26 = arith.constant 0 : index
    %swap3A_27 = vector.load %arg7[%swap3A, %swap3A_25, %swap3A_26] : memref<1x256x256xf32, #tpu.memory_space<vmem>>, vector<1x256x256xf32>
    %swap3A_28 = vector.shape_cast %swap3A_27 : vector<1x256x256xf32> to vector<256x256xf32>
    %swap3A_29 = vector.shape_cast %transpose3A : vector<256x256xf32> to vector<1x256x256xf32>
    tpu.vector_store %arg7[%swap3A, %swap3A_25, %swap3A_26], %swap3A_29 {strides = array<i32>} : memref<1x256x256xf32, #tpu.memory_space<vmem>>, vector<1x256x256xf32>,
    return
  }
  func.func @transform_0(%arg0: i32, %arg1: i32) -> (i32, i32, i32) {
    %c0_i32 = arith.constant 0 : i32
    %c0_i32_0 = arith.constant 0 : i32
    return %arg0, %arg1, %c0_i32 : i32, i32, i32
  }
  func.func @transform_1(%arg0: i32, %arg1: i32) -> (i32, i32) {
    %c0_i32 = arith.constant 0 : i32
    %c0_i32_0 = arith.constant 0 : i32
    %c0_i32_1 = arith.constant 0 : i32
    return %c0_i32, %c0_i32_0 : i32, i32
  }
  func.func @transform_2(%arg0: i32, %arg1: i32) -> (i32, i32) {
    %c0_i32 = arith.constant 0 : i32
    %c0_i32_0 = arith.constant 0 : i32
    %c0_i32_1 = arith.constant 0 : i32
    return %c0_i32, %c0_i32_0 : i32, i32
  }
  func.func @transform_3(%arg0: i32, %arg1: i32) -> (i32, i32) {
    %c0_i32 = arith.constant 0 : i32
    %c0_i32_0 = arith.constant 0 : i32
    %c0_i32_1 = arith.constant 0 : i32
    return %c0_i32, %c0_i32_0 : i32, i32
  }
  func.func @transform_4(%arg0: i32, %arg1: i32) -> (i32, i32) {
    %c0_i32 = arith.constant 0 : i32
    %c0_i32_0 = arith.constant 0 : i32
    %c0_i32_1 = arith.constant 0 : i32
    return %c0_i32, %c0_i32_0 : i32, i32
  }
  func.func @transform_5(%arg0: i32, %arg1: i32) -> (i32, i32, i32) {
    %c0_i32 = arith.constant 0 : i32
    %c0_i32_0 = arith.constant 0 : i32
    return %arg0, %c0_i32, %arg1 : i32, i32, i32
  }
}

</mosaic_0001>

<sc_bundles>
// kernel: kernel.27.cloned.1.call-start
scs
__scs_entry_jumppad:
0x0: {  	(pc) =	sbr.rel $0x88, $3  }
0x1: {  	(tag) =	ssettag $0x0;
	lr =	simm.s32 $0x1  }
0x2: {  	[smem:$0x3F88] =	sst lr;
	_ =	strace $0xD0000000  }
0x3: {  	_ = 	snop  }
0x4: {  	_ = 	snop  }
0x5: {  	_ = 	snop  }
0x6: {  	_ = 	snop  }
0x7: {  	_ = 	snop  }
__scs_overlays_trampoline_lowered:
0x8: {  	[smem:$0x3F97] =	sst s0  }
0x9: {  	[smem:$0x3F98] =	sst s1  }
0xa: {  	[smem:$0x3F99] =	sst s2  }
0xb: {  	[smem:$0x3F9A] =	sst s3  }
0xc: {  	[smem:$0x3F9B] =	sst s4  }
0xd: {  	[smem:$0x3F9C] =	sst s5  }
0xe: {  	[smem:$0x3F9D] =	sst s6  }
0xf: {  	[smem:$0x3F9E] =	sst s7  }
0x10: {  	[smem:$0x3F9F] =	sst s8  }
0x11: {  	[smem:$0x3FA0] =	sst s9;
	s0 =	simm.s32 @!p0 $0x0  }
0x12: {  	s1 =	sld [smem:$0x3F86];
	s0 =	simm.s32 @p0 $0x1  }
0x13: {  	[smem:$0x3FA1] =	sst s0;
	s0 =	simm.s32 @!p1 $0x0  }
0x14: {  	s2 =	sld [smem:$0x3F85];
	s0 =	simm.s32 @p1 $0x1  }
0x15: {  	[smem:$0x3FA2] =	sst s0;
	s0 =	simm.s32 @!p2 $0x0  }
0x16: {  	s3 =	sld [smem:$0x3FDB];
	s0 =	simm.s32 @p2 $0x1  }
0x17: {  	s4 =	simm.s32 $0x1BF5;
	[smem:$0x3FA4] =	sst s0  }
0x18: {  	s0 =	sld [smem:$0x3F87];
	_ =	swait.ge [sflag:s4], $0x0  }
0x19: {  	s7 =	sld [smem:$0x3F88]  }
0x1a: {  	s8 =	sadd.s32 $0xFFFFE003, lr  }
0x1b: {  	s9 =	sadd.s32 $0xFFFFFEF7, lr;
	s5 =	simm.s32 $0xFFFFFFFF;
	p2 =	slt.u32 s8, $0xFFFFF086  }
0x1c: {  	p1 =	slt.u32 s9, $0xF7A;
	s5 =	simm.s32 @!p2 $0x0  }
0x1d: {  	s5 =	simm.s32 @p1 $0x1;
	p0 =	seq.s32 s7, s2  }
0x1e: {  	s7 =	smul.u32 @!p0 $0xF7A, s2;
	p2 =	seq.s32 @!p0 s5, $0x0  }
0x1f: {  	s9 =	smul.u32 $0xF7A, s1;
	s8 =	simm.s32 @!p0 $0x1BF5;
	p2 =	por !p2, p0  }
0x20: {  	[sflag:s8] =	ssyncset.s32 @!p0 $0xFFFFF086;
	s6 =	sadd.s32 @!p0 s3, s7;
	s7 =	simm.s32 @!p0 $0x108  }
0x21: {  	s3 =	sadd.s32 s3, s9;
	s6 =	sadd.s32 @!p0 $0x88, s6;
	s7 =	simm.s32 @p2 $0x1082  }
0x22: {  	[simem:s7], [sflag:s8] =	dma.local @!p0 [hbm:s6], $0xF7A  }
0x23: {  	s9 =	sor.u32 $0xD0000000, s2;
	s6 =	simm.s32 $0x108;
	_ =	swait.ge @!p0 [sflag:s8], $0x0  }
0x24: {  	s3 =	sadd.s32 $0x88, s3;
	s6 =	simm.s32 @!p1 $0x1082;
	[sflag:s4] =	ssyncset.s32 $0xFFFFF086  }
0x25: {  	[simem:s6], [sflag:s4] =	dma.local [hbm:s3], $0xF7A  }
0x26: {  	[smem:$0x3F88] =	sst s1;
	(tag) =	ssettag s2;
	_ =	strace s9  }
0x27: {  	s1 =	sld [smem:$0x3F98]  }
0x28: {  	s2 =	sld [smem:$0x3F99]  }
0x29: {  	s4 =	sld [smem:$0x3F9B]  }
0x2a: {  	p0 =	seq.s32 s5, $0x0;
	s5 =	sld [smem:$0x3F9C]  }
0x2b: {  	s6 =	sld [smem:$0x3F9D]  }
0x2c: {  	s7 =	sld [smem:$0x3F9E]  }
0x2d: {  	s3 =	simm.s32 $0x108;
	s8 =	sld [smem:$0x3F9F]  }
0x2e: {  	s3 =	simm.s32 @!p0 $0x1082;
	s9 =	sld [smem:$0x3FA0]  }
0x2f: {  	lr =	sadd.s32 s0, s3;
	s0 =	sld [smem:$0x3F97]  }
0x30: {  	s3 =	sld [smem:$0x3F9A]  }
0x31: {  	[smem:$0x3FA3] =	sst s10  }
0x32: {  	s10 =	sld [smem:$0x3FA1];
	_ =	sdelay $0x3  }
0x33: {  	p0 =	seq.s32 s10, $0x1;
	s10 =	sld [smem:$0x3FA3];
	_ =	sdelay $0x3  }
0x34: {  	[smem:$0x3FA3] =	sst s10  }
0x35: {  	s10 =	sld [smem:$0x3FA2];
	_ =	sdelay $0x3  }
0x36: {  	p1 =	seq.s32 s10, $0x1;
	s10 =	sld [smem:$0x3FA3];
	_ =	sdelay $0x3  }
0x37: {  	[smem:$0x3FA3] =	sst s10  }
0x38: {  	s10 =	sld [smem:$0x3FA4]  }
0x39: {  	_ = 	snop;
	(pc) =	sbr.ind lr, $3  }
0x3a: {  	_ = 	snop  }
0x3b: {  	_ = 	snop  }
0x3c: {  	p2 =	seq.s32 s10, $0x1;
	s10 =	sld [smem:$0x3FA3]  }
0x3d: {  	_ =	shalt  }
0x3e: {  	_ =	shalt  }
0x3f: {  	_ =	shalt  }
0x40: {  	_ =	shalt  }
0x41: {  	_ =	shalt  }
0x42: {  	_ =	shalt  }
0x43: {  	_ =	shalt  }
0x44: {  	_ =	shalt  }
0x45: {  	_ =	shalt  }
0x46: {  	_ =	shalt  }
0x47: {  	_ =	shalt  }
0x48: {  	_ =	shalt  }
0x49: {  	_ =	shalt  }
0x4a: {  	_ =	shalt  }
0x4b: {  	_ =	shalt  }
0x4c: {  	_ =	shalt  }
0x4d: {  	_ =	shalt  }
0x4e: {  	_ =	shalt  }
0x4f: {  	_ =	shalt  }
0x50: {  	_ =	shalt  }
0x51: {  	_ =	shalt  }
0x52: {  	_ =	shalt  }
0x53: {  	_ =	shalt  }
0x54: {  	_ =	shalt  }
0x55: {  	_ =	shalt  }
0x56: {  	_ =	shalt  }
0x57: {  	_ =	shalt  }
0x58: {  	_ =	shalt  }
0x59: {  	_ =	shalt  }
0x5a: {  	_ =	shalt  }
0x5b: {  	_ =	shalt  }
0x5c: {  	_ =	shalt  }
0x5d: {  	_ =	shalt  }
0x5e: {  	_ =	shalt  }
0x5f: {  	_ =	shalt  }
0x60: {  	_ =	shalt  }
0x61: {  	_ =	shalt  }
0x62: {  	_ =	shalt  }
0x63: {  	_ =	shalt  }
0x64: {  	_ =	shalt  }
0x65: {  	_ =	shalt  }
0x66: {  	_ =	shalt  }
0x67: {  	_ =	shalt  }
0x68: {  	_ =	shalt  }
0x69: {  	_ =	shalt  }
0x6a: {  	_ =	shalt  }
0x6b: {  	_ =	shalt  }
0x6c: {  	_ =	shalt  }
0x6d: {  	_ =	shalt  }
0x6e: {  	_ =	shalt  }
0x6f: {  	_ =	shalt  }
0x70: {  	_ =	shalt  }
0x71: {  	_ =	shalt  }
0x72: {  	_ =	shalt  }
0x73: {  	_ =	shalt  }
0x74: {  	_ =	shalt  }
0x75: {  	_ =	shalt  }
0x76: {  	_ =	shalt  }
0x77: {  	_ =	shalt  }
0x78: {  	_ =	shalt  }
0x79: {  	_ =	shalt  }
0x7a: {  	_ =	shalt  }
0x7b: {  	_ =	shalt  }
0x7c: {  	_ =	shalt  }
0x7d: {  	_ =	shalt  }
0x7e: {  	_ =	shalt  }
0x7f: {  	_ =	shalt  }
0x80: {  	_ =	shalt  }
0x81: {  	_ =	shalt  }
0x82: {  	_ =	shalt  }
0x83: {  	_ =	shalt  }
0x84: {  	_ =	shalt  }
0x85: {  	_ =	shalt  }
0x86: {  	_ =	shalt  }
0x87: {  	_ =	shalt  }
.Lfunc_end0:
.L_simem_size_0:
called_computation_lowered:
.L_overlay_start_0:
0x88: {  	s2 =	sld [smem:$0x3FD9]  }
0x89: {  	s3 =	sld [smem:$0x3FFE];
	_ =	sdelay $0x1  }
0x8a: {  	s1 =	srdreg.scid  }
0x8b: {  	s0 =	sand.u32 $0x1, s1  }
0x8c: {  	s17 =	sshll.u32 s0, $0xA;
	s2 =	sadd.s32 s3, s2  }
0x8d: {  	s2 =	sadd.s32 s2, s17  }
0x8e: {  	[smem:$0x3FAF] =	sst s2  }
0x8f: {  	_ = 	snop  }
0x90: {  	s2 =	sld [smem:$0x3FD0];
	(tm) =	ssettm $0x1  }
0x91: {  	s18 =	sld [smem:$0x3FFB];
	_ =	sdelay $0x3  }
0x92: {  	_ =	strace s18  }
0x93: {  	s3 =	sld [smem:$0x3FFC];
	_ =	sdelay $0x3  }
0x94: {  	_ =	strace s3  }
0x95: {  	s3 =	sld [smem:$0x3FFD];
	_ =	sdelay $0x3  }
0x96: {  	_ =	strace s3  }
0x97: {  	_ =	strace $0x8FFFFFFF  }
0x98: {  	s19 =	sld [smem:$0x3FDB];
	_ =	sdelay $0x1  }
0x99: {  	s4 =	simm.s32 $_scs_section_size  }
0x9a: {  	s5 =	simm.s32 $_size__tile_overlayer_lowered;
	s6 =	simm.s32 $_tile_overlayer_lowered  }
0x9b: {  	s22 =	simm.s32 $0x1BFF;
	s21 =	sshll.u32 s6, $0x1;
	s3 =	sadd.s32 s4, s19  }
0x9c: {  	s7 =	simm.s32 $0x0;
	s20 =	sshll.u32 s5, $0x1;
	s5 =	sadd.s32 s21, s3  }
0x9d: {  	[timem:s7], [sflag:s22] =	dma.local [hbm:s5], s20  }
0x9e: {  	_ =	swait.ge [sflag:s22], s20  }
0x9f: {  	s4 =	ssub.s32 $0x0, s20;
	[sflag:s22] =	ssyncset.done $0x0  }
0xa0: {  	[sflag:s22] =	ssyncadd.s32 s4;
	_ =	sdelay $0x1  }
0xa1: {  	s23 =	simm.s32 $0x1B8B  }
0xa2: {  	_ =	swait.ge [sflag:s23], $0x1  }
0xa3: {  	[sflag:s23] =	ssyncset.done $0x0  }
0xa4: {  	s25 =	simm.s32 $0x1B8E;
	s24 =	sld [smem:$0x3FFE];
	[sflag:s23] =	ssyncadd.s32 $0xFFFFFFFF  }
0xa5: {  	s26 =	simm.s32 $execute0_lowered;
	[smem:$0x3FD2] =	sst s25  }
0xa6: {  	s5 =	sshll.u32 s26, $0x1;
	_ =	strace $0x80000046;
	[dreg:$0x1] =	wrdreg $0xFFFFFFFF  }
0xa7: {  	s28 =	simm.s32 $_size_execute0_lowered;
	s3 =	sadd.s32 s3, s5;
	[dreg:$0x0] =	wrdreg $0x0  }
0xa8: {  	s5 =	sshll.u32 s28, $0x1;
	[dreg:$0x2] =	wrdreg s3  }
0xa9: {  	[dreg:$0x3] =	wrdreg s5  }
0xaa: {  	[dreg:$0x4] =	wrdreg $0xC0  }
0xab: {  	_ =	task [dreg:s7], $0x5FFFF  }
0xac: {  	[dreg:$0x1] =	wrdreg $0xFFFFFFFF  }
0xad: {  	[dreg:$0x0] =	wrdreg $0x60  }
0xae: {  	[dreg:$0x2] =	wrdreg s24  }
0xaf: {  	[dreg:$0x3] =	wrdreg s2  }
0xb0: {  	[dreg:$0x4] =	wrdreg $0x9  }
0xb1: {  	_ =	task.clear_ibuf [dreg:s7], $0x5FFFF;
	_ =	strace $0x90000046  }
0xb2: {  	s29 =	simm.s32 $0x9;
	_ =	strace $0x80000048  }
0xb3: {  	_ =	swait.ge [sflag:s29], $0x1  }
0xb4: {  	[sflag:s29] =	ssyncadd.s32 $0xFFFFFFFF  }
0xb5: {  	_ =	strace $0x90000048  }
0xb6: {  	_ =	sfence  }
0xb7: {  	s30 =	sld [smem:$0x0];
	_ =	sdelay $0x2  }
0xb8: {  	s31 =	sshll.u32 s1, $0xD;
	s1 =	sshrl.u32 s1, $0x2  }
0xb9: {  	s3 =	sand.u32 $0x4000, s31;
	s1 =	sadd.s32 s1, s30  }
0xba: {  	s0 =	sor.u32 s3, s0;
	s1 =	sshll.u32 s1, $0x11  }
0xbb: {  	s0 =	sor.u32 s1, s0  }
0xbc: {  	s0 =	sadd.s32 $0x8F2B, s0  }
0xbd: {  	[sflag:s0] =	ssyncadd.remote.s32 $0x1  }
0xbe: {  	_ =	sfence.sel $0xFFFF  }
0xbf: {  	[dreg:$0x0] =	wrdreg $0xFFFFFFFF;
	(pc) =	sbr.abs _section_cstart, $3  }
0xc0: {  	[dreg:$0x1] =	wrdreg $0xFFFFFFFF  }
0xc1: {  	_ =	task.clear_ibuf [dreg:s7], $0x2FFFF;
	_ =	strace $0x9FFFFFFF  }
0xc2: {  	(tm) =	ssettm $0x7FFFFFFF  }
0xc3: {  	_ =	shalt  }
tec
execute0_lowered:
.L_overlay_start_1:
0x0: {  	(tag) =	ssettag $0x1  }
0x1: {  	s2 =	rddreg [dreg:$0x0]  }
0x2: {  	s6 =	rddreg [dreg:$0x1]  }
0x3: {  	s0 =	rddreg [dreg:$0x2];
	s1 =	stileid.u32  }
0x4: {  	s5 =	srdreg.scid;
	s4 =	smul.u32 $0x28000, s1  }
0x5: {  	s3 =	simm.s32 $0x0;
	s5 =	sand.u32 $0x1, s5;
	s7 =	smul.u32 $0x5000, s1  }
0x6: {  	[smem:$0x7FF] =	sst s3;
	s8 =	ssub.s32 $0x2, s5;
	s9 =	smul.u32 $0x2800, s5  }
0x7: {  	_ =	strace $0x80000047;
	s5 =	smul.u32 $0x14000, s5;
	s10 =	sshrl.u32 s8, $0x1  }
0x8: {  	s11 =	sadd.s32 s4, s2;
	s31 =	ssub.s32 s8, s10;
	s7 =	sadd.s32 s9, s7  }
0x9: {  	s5 =	sadd.s32 s5, s11;
	s8 =	simm.s32 $0x400;
	s9 =	simm.s32 $0x1  }
0xa: {  	s10 =	simm.s32 $0x0;
	s4 =	smax.u32 s31, $0x1;
	s7 =	sshrl.u32 s7, $0x3  }
0xb: {  	s5 =	sadd.s32 $0x60000, s5;
	s6 =	sadd.s32 s7, s6;
	s7 =	simm.s32 $0x2  }
.LBB2_1:
0xc: {  	s11 =	sadd.s32 $0x0, s6  }
0xd: {  	[tilespmem:s3], [sflag:$0x2] =	stream.linear.gather [hbm4b:s11+s3], $0x400, $0x38;
	[tilespmem:$0x10400] =	vst v63  }
0xe: {  	_ =	swait.ge [sflag:s7], $0x400  }
0xf: {  	[sflag:s7] =	ssyncset.done $0x0  }
0x10: {  	[sflag:s7] =	ssyncadd.s32 $0xFFFFFC00  }
0x11: {  	[tilespmem:s8], [sflag:$0x1] =	stream.indirect.gather [hbm4b:s2+s8], $0x40, s3, s8, $0xb8;
	[tilespmem:$0x10400] =	vst v63  }
0x12: {  	_ =	swait.ge [sflag:s9], $0x10000  }
0x13: {  	[sflag:s9] =	ssyncset.done $0x0  }
0x14: {  	[sflag:s9] =	ssyncadd.s32 $0xFFFF0000  }
0x15: {  	[hbm4b:s5+s3] =	stream.linear.scatter [tilespmem:s8], [sflag:$0x2], $0x10000, $0x38;
	[tilespmem:$0x10400] =	vst v63  }
0x16: {  	s12 =	simm.s32 $0x80;
	_ =	swait.ge [sflag:s7], $0x10000  }
0x17: {  	s13 =	simm.s32 $0x100;
	s11 =	sadd.s32 $0x2000, s5;
	[sflag:s7] =	ssyncset.done $0x0  }
.LBB2_2:
0x18: {  	s14 =	sadd.s32 s12, s6  }
0x19: {  	[sflag:s7] =	ssyncadd.s32 $0xFFFF0000;
	s12 =	smov.u32 s13;
	s15 =	sadd.s32 $0x80, s13  }
0x1a: {  	[tilespmem:s3], [sflag:$0x2] =	stream.linear.gather [hbm4b:s14+s3], $0x400, $0x38;
	[tilespmem:$0x10400] =	vst v63  }
0x1b: {  	p0 =	sne.s32 s13, $0x480;
	_ =	swait.ge [sflag:s7], $0x400  }
0x1c: {  	[sflag:s7] =	ssyncset.done $0x0  }
0x1d: {  	[sflag:s7] =	ssyncadd.s32 $0xFFFFFC00  }
0x1e: {  	[tilespmem:s8], [sflag:$0x1] =	stream.indirect.gather [hbm4b:s2+s8], $0x40, s3, s8, $0xb8;
	[tilespmem:$0x10400] =	vst v63  }
0x1f: {  	_ =	swait.ge [sflag:s9], $0x10000  }
.Ltmp0:
0x20: {  	[sflag:s9] =	ssyncset.done $0x0;
	(pc) =	sbr.rel @p0 .LBB2_2-.Ltmp0, $4  }
0x21: {  	[sflag:s9] =	ssyncadd.s32 $0xFFFF0000  }
0x22: {  	[hbm4b:s11+s3] =	stream.linear.scatter [tilespmem:s8], [sflag:$0x2], $0x10000, $0x38;
	[tilespmem:$0x10400] =	vst v63  }
0x23: {  	_ =	swait.ge [sflag:s7], $0x10000  }
0x24: {  	s13 =	smov.u32 s15;
	s11 =	sadd.s32 $0x2000, s11;
	[sflag:s7] =	ssyncset.done $0x0  }
0x25: {  	s12 =	sadd.s32 s12, s6;
	[sflag:s7] =	ssyncadd.s32 $0xFFFF0000  }
0x26: {  	[tilespmem:s3], [sflag:$0x2] =	stream.linear.gather [hbm4b:s12+s3], $0x400, $0x38;
	[tilespmem:$0x10400] =	vst v63  }
0x27: {  	_ =	swait.ge [sflag:s7], $0x400  }
0x28: {  	[sflag:s7] =	ssyncset.done $0x0  }
0x29: {  	[sflag:s7] =	ssyncadd.s32 $0xFFFFFC00  }
0x2a: {  	[tilespmem:s8], [sflag:$0x1] =	stream.indirect.gather [hbm4b:s2+s8], $0x40, s3, s8, $0xb8;
	[tilespmem:$0x10400] =	vst v63  }
0x2b: {  	s10 =	sadd.s32 $0x1, s10;
	_ =	swait.ge [sflag:s9], $0x10000  }
0x2c: {  	p0 =	sne.s32 s10, s4;
	[sflag:s9] =	ssyncset.done $0x0  }
.Ltmp1:
0x2d: {  	[sflag:s9] =	ssyncadd.s32 $0xFFFF0000;
	(pc) =	sbr.rel @p0 .LBB2_1-.Ltmp1, $4  }
0x2e: {  	[hbm4b:s11+s3] =	stream.linear.scatter [tilespmem:s8], [sflag:$0x2], $0x10000, $0x38;
	[tilespmem:$0x10400] =	vst v63  }
0x2f: {  	_ =	swait.ge [sflag:s7], $0x10000  }
0x30: {  	[sflag:s7] =	ssyncset.done $0x0  }
0x31: {  	[sflag:s7] =	ssyncadd.s32 $0xFFFF0000  }
0x32: {  	_ =	sfence.sel $0x180000  }
0x33: {  	[bflag:$0x0] =	sbarrier.arrive $0xFFFF  }
0x34: {  	p0 =	sne.s32 s1, $0x0;
	_ =	strace $0x90000047  }
0x35: {  	s0 =	sadd.s32 @!p0 $0x100000, s0;
	[bflag:$0x2] =	sbarrier.arrive $0xFFFF  }
0x36: {  	[sflag:s0] =	ssyncadd.tile.s32 @!p0 $0x1;
	_ =	shalt  }
.Lfunc_end2:
_tile_overlayer_lowered:
.L_overlay_start_2:
0x37: {  	(tag) =	ssettag $0x2  }
0x38: {  	s0 =	rddreg [dreg:$0x0];
	s2 =	stileid.u32  }
0x39: {  	s1 =	rddreg [dreg:$0x1];
	p0 =	sne.s32 s2, $0x0  }
0x3a: {  	s3 =	rddreg [dreg:$0x2];
	[bflag:$0x3] =	sbarrier.arrive $0xFFFF;
	s2 =	simm.s32 @!p0 $0x1C02  }
0x3b: {  	[timem:s3], [sflag:s2] =	dma.local @!p0 [hbm:s0], s1  }
0x3c: {  	s0 =	simm.s32 @!p0 $0x2  }
0x3d: {  	_ =	swait.ge @!p0 [sflag:s0], s1  }
0x3e: {  	s1 =	ssub.s32 @!p0 $0x0, s1;
	[sflag:s0] =	ssyncset.done @!p0 $0x0  }
0x3f: {  	[sflag:s0] =	ssyncadd.s32 @!p0 s1  }
0x40: {  	[bflag:$0x3] =	sbarrier.arrive $0xFFFF  }
0x41: {  	_ =	shalt  }

// kernel: kernel.30.cloned.1.call-start
scs
__scs_entry_jumppad:
0x0: {  	(pc) =	sbr.rel $0x88, $3  }
0x1: {  	(tag) =	ssettag $0x0;
	lr =	simm.s32 $0x1  }
0x2: {  	[smem:$0x3F88] =	sst lr;
	_ =	strace $0xD0000000  }
0x3: {  	_ = 	snop  }
0x4: {  	_ = 	snop  }
0x5: {  	_ = 	snop  }
0x6: {  	_ = 	snop  }
0x7: {  	_ = 	snop  }
__scs_overlays_trampoline_lowered:
0x8: {  	[smem:$0x3F97] =	sst s0  }
0x9: {  	[smem:$0x3F98] =	sst s1  }
0xa: {  	[smem:$0x3F99] =	sst s2  }
0xb: {  	[smem:$0x3F9A] =	sst s3  }
0xc: {  	[smem:$0x3F9B] =	sst s4  }
0xd: {  	[smem:$0x3F9C] =	sst s5  }
0xe: {  	[smem:$0x3F9D] =	sst s6  }
0xf: {  	[smem:$0x3F9E] =	sst s7  }
0x10: {  	[smem:$0x3F9F] =	sst s8  }
0x11: {  	[smem:$0x3FA0] =	sst s9;
	s0 =	simm.s32 @!p0 $0x0  }
0x12: {  	s1 =	sld [smem:$0x3F86];
	s0 =	simm.s32 @p0 $0x1  }
0x13: {  	[smem:$0x3FA1] =	sst s0;
	s0 =	simm.s32 @!p1 $0x0  }
0x14: {  	s2 =	sld [smem:$0x3F85];
	s0 =	simm.s32 @p1 $0x1  }
0x15: {  	[smem:$0x3FA2] =	sst s0;
	s0 =	simm.s32 @!p2 $0x0  }
0x16: {  	s3 =	sld [smem:$0x3FDB];
	s0 =	simm.s32 @p2 $0x1  }
0x17: {  	s4 =	simm.s32 $0x1BF5;
	[smem:$0x3FA4] =	sst s0  }
0x18: {  	s0 =	sld [smem:$0x3F87];
	_ =	swait.ge [sflag:s4], $0x0  }
0x19: {  	s7 =	sld [smem:$0x3F88]  }
0x1a: {  	s8 =	sadd.s32 $0xFFFFE003, lr  }
0x1b: {  	s9 =	sadd.s32 $0xFFFFFEF7, lr;
	s5 =	simm.s32 $0xFFFFFFFF;
	p2 =	slt.u32 s8, $0xFFFFF086  }
0x1c: {  	p1 =	slt.u32 s9, $0xF7A;
	s5 =	simm.s32 @!p2 $0x0  }
0x1d: {  	s5 =	simm.s32 @p1 $0x1;
	p0 =	seq.s32 s7, s2  }
0x1e: {  	s7 =	smul.u32 @!p0 $0xF7A, s2;
	p2 =	seq.s32 @!p0 s5, $0x0  }
0x1f: {  	s9 =	smul.u32 $0xF7A, s1;
	s8 =	simm.s32 @!p0 $0x1BF5;
	p2 =	por !p2, p0  }
0x20: {  	[sflag:s8] =	ssyncset.s32 @!p0 $0xFFFFF086;
	s6 =	sadd.s32 @!p0 s3, s7;
	s7 =	simm.s32 @!p0 $0x108  }
0x21: {  	s3 =	sadd.s32 s3, s9;
	s6 =	sadd.s32 @!p0 $0x88, s6;
	s7 =	simm.s32 @p2 $0x1082  }
0x22: {  	[simem:s7], [sflag:s8] =	dma.local @!p0 [hbm:s6], $0xF7A  }
0x23: {  	s9 =	sor.u32 $0xD0000000, s2;
	s6 =	simm.s32 $0x108;
	_ =	swait.ge @!p0 [sflag:s8], $0x0  }
0x24: {  	s3 =	sadd.s32 $0x88, s3;
	s6 =	simm.s32 @!p1 $0x1082;
	[sflag:s4] =	ssyncset.s32 $0xFFFFF086  }
0x25: {  	[simem:s6], [sflag:s4] =	dma.local [hbm:s3], $0xF7A  }
0x26: {  	[smem:$0x3F88] =	sst s1;
	(tag) =	ssettag s2;
	_ =	strace s9  }
0x27: {  	s1 =	sld [smem:$0x3F98]  }
0x28: {  	s2 =	sld [smem:$0x3F99]  }
0x29: {  	s4 =	sld [smem:$0x3F9B]  }
0x2a: {  	p0 =	seq.s32 s5, $0x0;
	s5 =	sld [smem:$0x3F9C]  }
0x2b: {  	s6 =	sld [smem:$0x3F9D]  }
0x2c: {  	s7 =	sld [smem:$0x3F9E]  }
0x2d: {  	s3 =	simm.s32 $0x108;
	s8 =	sld [smem:$0x3F9F]  }
0x2e: {  	s3 =	simm.s32 @!p0 $0x1082;
	s9 =	sld [smem:$0x3FA0]  }
0x2f: {  	lr =	sadd.s32 s0, s3;
	s0 =	sld [smem:$0x3F97]  }
0x30: {  	s3 =	sld [smem:$0x3F9A]  }
0x31: {  	[smem:$0x3FA3] =	sst s10  }
0x32: {  	s10 =	sld [smem:$0x3FA1];
	_ =	sdelay $0x3  }
0x33: {  	p0 =	seq.s32 s10, $0x1;
	s10 =	sld [smem:$0x3FA3];
	_ =	sdelay $0x3  }
0x34: {  	[smem:$0x3FA3] =	sst s10  }
0x35: {  	s10 =	sld [smem:$0x3FA2];
	_ =	sdelay $0x3  }
0x36: {  	p1 =	seq.s32 s10, $0x1;
	s10 =	sld [smem:$0x3FA3];
	_ =	sdelay $0x3  }
0x37: {  	[smem:$0x3FA3] =	sst s10  }
0x38: {  	s10 =	sld [smem:$0x3FA4]  }
0x39: {  	_ = 	snop;
	(pc) =	sbr.ind lr, $3  }
0x3a: {  	_ = 	snop  }
0x3b: {  	_ = 	snop  }
0x3c: {  	p2 =	seq.s32 s10, $0x1;
	s10 =	sld [smem:$0x3FA3]  }
0x3d: {  	_ =	shalt  }
0x3e: {  	_ =	shalt  }
0x3f: {  	_ =	shalt  }
0x40: {  	_ =	shalt  }
0x41: {  	_ =	shalt  }
0x42: {  	_ =	shalt  }
0x43: {  	_ =	shalt  }
0x44: {  	_ =	shalt  }
0x45: {  	_ =	shalt  }
0x46: {  	_ =	shalt  }
0x47: {  	_ =	shalt  }
0x48: {  	_ =	shalt  }
0x49: {  	_ =	shalt  }
0x4a: {  	_ =	shalt  }
0x4b: {  	_ =	shalt  }
0x4c: {  	_ =	shalt  }
0x4d: {  	_ =	shalt  }
0x4e: {  	_ =	shalt  }
0x4f: {  	_ =	shalt  }
0x50: {  	_ =	shalt  }
0x51: {  	_ =	shalt  }
0x52: {  	_ =	shalt  }
0x53: {  	_ =	shalt  }
0x54: {  	_ =	shalt  }
0x55: {  	_ =	shalt  }
0x56: {  	_ =	shalt  }
0x57: {  	_ =	shalt  }
0x58: {  	_ =	shalt  }
0x59: {  	_ =	shalt  }
0x5a: {  	_ =	shalt  }
0x5b: {  	_ =	shalt  }
0x5c: {  	_ =	shalt  }
0x5d: {  	_ =	shalt  }
0x5e: {  	_ =	shalt  }
0x5f: {  	_ =	shalt  }
0x60: {  	_ =	shalt  }
0x61: {  	_ =	shalt  }
0x62: {  	_ =	shalt  }
0x63: {  	_ =	shalt  }
0x64: {  	_ =	shalt  }
0x65: {  	_ =	shalt  }
0x66: {  	_ =	shalt  }
0x67: {  	_ =	shalt  }
0x68: {  	_ =	shalt  }
0x69: {  	_ =	shalt  }
0x6a: {  	_ =	shalt  }
0x6b: {  	_ =	shalt  }
0x6c: {  	_ =	shalt  }
0x6d: {  	_ =	shalt  }
0x6e: {  	_ =	shalt  }
0x6f: {  	_ =	shalt  }
0x70: {  	_ =	shalt  }
0x71: {  	_ =	shalt  }
0x72: {  	_ =	shalt  }
0x73: {  	_ =	shalt  }
0x74: {  	_ =	shalt  }
0x75: {  	_ =	shalt  }
0x76: {  	_ =	shalt  }
0x77: {  	_ =	shalt  }
0x78: {  	_ =	shalt  }
0x79: {  	_ =	shalt  }
0x7a: {  	_ =	shalt  }
0x7b: {  	_ =	shalt  }
0x7c: {  	_ =	shalt  }
0x7d: {  	_ =	shalt  }
0x7e: {  	_ =	shalt  }
0x7f: {  	_ =	shalt  }
0x80: {  	_ =	shalt  }
0x81: {  	_ =	shalt  }
0x82: {  	_ =	shalt  }
0x83: {  	_ =	shalt  }
0x84: {  	_ =	shalt  }
0x85: {  	_ =	shalt  }
0x86: {  	_ =	shalt  }
0x87: {  	_ =	shalt  }
.Lfunc_end0:
.L_simem_size_0:
called_computation.1_lowered:
.L_overlay_start_0:
0x88: {  	s2 =	sld [smem:$0x3FD9]  }
0x89: {  	s3 =	sld [smem:$0x3FFE];
	_ =	sdelay $0x1  }
0x8a: {  	s1 =	srdreg.scid  }
0x8b: {  	s0 =	sand.u32 $0x1, s1  }
0x8c: {  	s17 =	sshll.u32 s0, $0xA;
	s2 =	sadd.s32 s3, s2  }
0x8d: {  	s2 =	sadd.s32 s2, s17  }
0x8e: {  	[smem:$0x3FAF] =	sst s2  }
0x8f: {  	_ = 	snop  }
0x90: {  	s2 =	sld [smem:$0x3FD0];
	(tm) =	ssettm $0x1  }
0x91: {  	s18 =	sld [smem:$0x3FFB];
	_ =	sdelay $0x3  }
0x92: {  	_ =	strace s18  }
0x93: {  	s3 =	sld [smem:$0x3FFC];
	_ =	sdelay $0x3  }
0x94: {  	_ =	strace s3  }
0x95: {  	s3 =	sld [smem:$0x3FFD];
	_ =	sdelay $0x3  }
0x96: {  	_ =	strace s3  }
0x97: {  	_ =	strace $0x8FFFFFFF  }
0x98: {  	s19 =	sld [smem:$0x3FDB];
	_ =	sdelay $0x1  }
0x99: {  	s4 =	simm.s32 $_scs_section_size  }
0x9a: {  	s5 =	simm.s32 $_size__tile_overlayer_lowered;
	s6 =	simm.s32 $_tile_overlayer_lowered  }
0x9b: {  	s22 =	simm.s32 $0x1BFF;
	s21 =	sshll.u32 s6, $0x1;
	s3 =	sadd.s32 s4, s19  }
0x9c: {  	s7 =	simm.s32 $0x0;
	s20 =	sshll.u32 s5, $0x1;
	s5 =	sadd.s32 s21, s3  }
0x9d: {  	[timem:s7], [sflag:s22] =	dma.local [hbm:s5], s20  }
0x9e: {  	_ =	swait.ge [sflag:s22], s20  }
0x9f: {  	s4 =	ssub.s32 $0x0, s20;
	[sflag:s22] =	ssyncset.done $0x0  }
0xa0: {  	[sflag:s22] =	ssyncadd.s32 s4;
	_ =	sdelay $0x1  }
0xa1: {  	s23 =	simm.s32 $0x1B8B  }
0xa2: {  	_ =	swait.ge [sflag:s23], $0x1  }
0xa3: {  	[sflag:s23] =	ssyncset.done $0x0  }
0xa4: {  	s25 =	simm.s32 $0x1B8E;
	s24 =	sld [smem:$0x3FFE];
	[sflag:s23] =	ssyncadd.s32 $0xFFFFFFFF  }
0xa5: {  	s26 =	simm.s32 $execute0_lowered;
	[smem:$0x3FD2] =	sst s25  }
0xa6: {  	s5 =	sshll.u32 s26, $0x1;
	_ =	strace $0x80000049;
	[dreg:$0x1] =	wrdreg $0xFFFFFFFF  }
0xa7: {  	s28 =	simm.s32 $_size_execute0_lowered;
	s3 =	sadd.s32 s3, s5;
	[dreg:$0x0] =	wrdreg $0x0  }
0xa8: {  	s5 =	sshll.u32 s28, $0x1;
	[dreg:$0x2] =	wrdreg s3  }
0xa9: {  	[dreg:$0x3] =	wrdreg s5  }
0xaa: {  	[dreg:$0x4] =	wrdreg $0xC0  }
0xab: {  	_ =	task [dreg:s7], $0x5FFFF  }
0xac: {  	[dreg:$0x1] =	wrdreg $0xFFFFFFFF  }
0xad: {  	[dreg:$0x0] =	wrdreg $0x60  }
0xae: {  	[dreg:$0x2] =	wrdreg s24  }
0xaf: {  	[dreg:$0x3] =	wrdreg s2  }
0xb0: {  	[dreg:$0x4] =	wrdreg $0x9  }
0xb1: {  	_ =	task.clear_ibuf [dreg:s7], $0x5FFFF;
	_ =	strace $0x90000049  }
0xb2: {  	s29 =	simm.s32 $0x9;
	_ =	strace $0x8000004B  }
0xb3: {  	_ =	swait.ge [sflag:s29], $0x1  }
0xb4: {  	[sflag:s29] =	ssyncadd.s32 $0xFFFFFFFF  }
0xb5: {  	_ =	strace $0x9000004B  }
0xb6: {  	_ =	sfence  }
0xb7: {  	s30 =	sld [smem:$0x0];
	_ =	sdelay $0x2  }
0xb8: {  	s31 =	sshll.u32 s1, $0xD;
	s1 =	sshrl.u32 s1, $0x2  }
0xb9: {  	s3 =	sand.u32 $0x4000, s31;
	s1 =	sadd.s32 s1, s30  }
0xba: {  	s0 =	sor.u32 s3, s0;
	s1 =	sshll.u32 s1, $0x11  }
0xbb: {  	s0 =	sor.u32 s1, s0  }
0xbc: {  	s0 =	sadd.s32 $0x8F2B, s0  }
0xbd: {  	[sflag:s0] =	ssyncadd.remote.s32 $0x1  }
0xbe: {  	_ =	sfence.sel $0xFFFF  }
0xbf: {  	[dreg:$0x0] =	wrdreg $0xFFFFFFFF;
	(pc) =	sbr.abs _section_cstart, $3  }
0xc0: {  	[dreg:$0x1] =	wrdreg $0xFFFFFFFF  }
0xc1: {  	_ =	task.clear_ibuf [dreg:s7], $0x2FFFF;
	_ =	strace $0x9FFFFFFF  }
0xc2: {  	(tm) =	ssettm $0x7FFFFFFF  }
0xc3: {  	_ =	shalt  }
tec
execute0_lowered:
.L_overlay_start_1:
0x0: {  	(tag) =	ssettag $0x1  }
0x1: {  	s3 =	rddreg [dreg:$0x0]  }
0x2: {  	s6 =	rddreg [dreg:$0x1]  }
0x3: {  	s0 =	rddreg [dreg:$0x2];
	s1 =	stileid.u32  }
0x4: {  	s2 =	simm.s32 $0x0;
	s5 =	srdreg.scid;
	s4 =	smul.u32 $0x28000, s1  }
0x5: {  	[smem:$0x7FF] =	sst s2;
	s5 =	sand.u32 $0x1, s5;
	s7 =	smul.u32 $0x5000, s1  }
0x6: {  	_ =	strace $0x8000004A;
	s8 =	ssub.s32 $0x2, s5;
	s9 =	smul.u32 $0x2800, s5  }
0x7: {  	s5 =	smul.u32 $0x14000, s5;
	s10 =	sadd.s32 s4, s3;
	s31 =	sshrl.u32 s8, $0x1  }
0x8: {  	s3 =	sadd.s32 $0x40000, s3;
	s4 =	ssub.s32 s8, s31;
	s7 =	sadd.s32 s9, s7  }
0x9: {  	s5 =	sadd.s32 s5, s10;
	s8 =	simm.s32 $0x400;
	s9 =	simm.s32 $0x1  }
0xa: {  	s10 =	simm.s32 $0x0;
	s4 =	smax.u32 s4, $0x1;
	s7 =	sshrl.u32 s7, $0x3  }
0xb: {  	s5 =	sadd.s32 $0x60000, s5;
	s6 =	sadd.s32 s7, s6;
	s7 =	simm.s32 $0x2  }
.LBB2_1:
0xc: {  	s11 =	sadd.s32 $0x0, s6  }
0xd: {  	[tilespmem:s2], [sflag:$0x2] =	stream.linear.gather [hbm4b:s11+s2], $0x400, $0x38;
	[tilespmem:$0x10400] =	vst v63  }
0xe: {  	_ =	swait.ge [sflag:s7], $0x400  }
0xf: {  	[sflag:s7] =	ssyncset.done $0x0  }
0x10: {  	[sflag:s7] =	ssyncadd.s32 $0xFFFFFC00  }
0x11: {  	[tilespmem:s8], [sflag:$0x1] =	stream.indirect.gather [hbm4b:s3+s8], $0x40, s2, s8, $0xb8;
	[tilespmem:$0x10400] =	vst v63  }
0x12: {  	_ =	swait.ge [sflag:s9], $0x10000  }
0x13: {  	[sflag:s9] =	ssyncset.done $0x0  }
0x14: {  	[sflag:s9] =	ssyncadd.s32 $0xFFFF0000  }
0x15: {  	[hbm4b:s5+s2] =	stream.linear.scatter [tilespmem:s8], [sflag:$0x2], $0x10000, $0x38;
	[tilespmem:$0x10400] =	vst v63  }
0x16: {  	s12 =	simm.s32 $0x80;
	_ =	swait.ge [sflag:s7], $0x10000  }
0x17: {  	s13 =	simm.s32 $0x100;
	s11 =	sadd.s32 $0x2000, s5;
	[sflag:s7] =	ssyncset.done $0x0  }
.LBB2_2:
0x18: {  	s14 =	sadd.s32 s12, s6  }
0x19: {  	[sflag:s7] =	ssyncadd.s32 $0xFFFF0000;
	s12 =	smov.u32 s13;
	s15 =	sadd.s32 $0x80, s13  }
0x1a: {  	[tilespmem:s2], [sflag:$0x2] =	stream.linear.gather [hbm4b:s14+s2], $0x400, $0x38;
	[tilespmem:$0x10400] =	vst v63  }
0x1b: {  	p0 =	sne.s32 s13, $0x480;
	_ =	swait.ge [sflag:s7], $0x400  }
0x1c: {  	[sflag:s7] =	ssyncset.done $0x0  }
0x1d: {  	[sflag:s7] =	ssyncadd.s32 $0xFFFFFC00  }
0x1e: {  	[tilespmem:s8], [sflag:$0x1] =	stream.indirect.gather [hbm4b:s3+s8], $0x40, s2, s8, $0xb8;
	[tilespmem:$0x10400] =	vst v63  }
0x1f: {  	_ =	swait.ge [sflag:s9], $0x10000  }
.Ltmp0:
0x20: {  	[sflag:s9] =	ssyncset.done $0x0;
	(pc) =	sbr.rel @p0 .LBB2_2-.Ltmp0, $4  }
0x21: {  	[sflag:s9] =	ssyncadd.s32 $0xFFFF0000  }
0x22: {  	[hbm4b:s11+s2] =	stream.linear.scatter [tilespmem:s8], [sflag:$0x2], $0x10000, $0x38;
	[tilespmem:$0x10400] =	vst v63  }
0x23: {  	_ =	swait.ge [sflag:s7], $0x10000  }
0x24: {  	s13 =	smov.u32 s15;
	s11 =	sadd.s32 $0x2000, s11;
	[sflag:s7] =	ssyncset.done $0x0  }
0x25: {  	s12 =	sadd.s32 s12, s6;
	[sflag:s7] =	ssyncadd.s32 $0xFFFF0000  }
0x26: {  	[tilespmem:s2], [sflag:$0x2] =	stream.linear.gather [hbm4b:s12+s2], $0x400, $0x38;
	[tilespmem:$0x10400] =	vst v63  }
0x27: {  	_ =	swait.ge [sflag:s7], $0x400  }
0x28: {  	[sflag:s7] =	ssyncset.done $0x0  }
0x29: {  	[sflag:s7] =	ssyncadd.s32 $0xFFFFFC00  }
0x2a: {  	[tilespmem:s8], [sflag:$0x1] =	stream.indirect.gather [hbm4b:s3+s8], $0x40, s2, s8, $0xb8;
	[tilespmem:$0x10400] =	vst v63  }
0x2b: {  	s10 =	sadd.s32 $0x1, s10;
	_ =	swait.ge [sflag:s9], $0x10000  }
0x2c: {  	p0 =	sne.s32 s10, s4;
	[sflag:s9] =	ssyncset.done $0x0  }
.Ltmp1:
0x2d: {  	[sflag:s9] =	ssyncadd.s32 $0xFFFF0000;
	(pc) =	sbr.rel @p0 .LBB2_1-.Ltmp1, $4  }
0x2e: {  	[hbm4b:s11+s2] =	stream.linear.scatter [tilespmem:s8], [sflag:$0x2], $0x10000, $0x38;
	[tilespmem:$0x10400] =	vst v63  }
0x2f: {  	_ =	swait.ge [sflag:s7], $0x10000  }
0x30: {  	[sflag:s7] =	ssyncset.done $0x0  }
0x31: {  	[sflag:s7] =	ssyncadd.s32 $0xFFFF0000  }
0x32: {  	_ =	sfence.sel $0x180000  }
0x33: {  	[bflag:$0x0] =	sbarrier.arrive $0xFFFF  }
0x34: {  	p0 =	sne.s32 s1, $0x0;
	_ =	strace $0x9000004A  }
0x35: {  	s0 =	sadd.s32 @!p0 $0x100000, s0;
	[bflag:$0x2] =	sbarrier.arrive $0xFFFF  }
0x36: {  	[sflag:s0] =	ssyncadd.tile.s32 @!p0 $0x1;
	_ =	shalt  }
.Lfunc_end2:
_tile_overlayer_lowered:
.L_overlay_start_2:
0x37: {  	(tag) =	ssettag $0x2  }
0x38: {  	s0 =	rddreg [dreg:$0x0];
	s2 =	stileid.u32  }
0x39: {  	s1 =	rddreg [dreg:$0x1];
	p0 =	sne.s32 s2, $0x0  }
0x3a: {  	s3 =	rddreg [dreg:$0x2];
	[bflag:$0x3] =	sbarrier.arrive $0xFFFF;
	s2 =	simm.s32 @!p0 $0x1C02  }
0x3b: {  	[timem:s3], [sflag:s2] =	dma.local @!p0 [hbm:s0], s1  }
0x3c: {  	s0 =	simm.s32 @!p0 $0x2  }
0x3d: {  	_ =	swait.ge @!p0 [sflag:s0], s1  }
0x3e: {  	s1 =	ssub.s32 @!p0 $0x0, s1;
	[sflag:s0] =	ssyncset.done @!p0 $0x0  }
0x3f: {  	[sflag:s0] =	ssyncadd.s32 @!p0 s1  }
0x40: {  	[bflag:$0x3] =	sbarrier.arrive $0xFFFF  }
0x41: {  	_ =	shalt  }

// kernel: kernel.33.cloned.1.call-start
scs
__scs_entry_jumppad:
0x0: {  	(pc) =	sbr.rel $0x88, $3  }
0x1: {  	(tag) =	ssettag $0x0;
	lr =	simm.s32 $0x1  }
0x2: {  	[smem:$0x3F88] =	sst lr;
	_ =	strace $0xD0000000  }
0x3: {  	_ = 	snop  }
0x4: {  	_ = 	snop  }
0x5: {  	_ = 	snop  }
0x6: {  	_ = 	snop  }
0x7: {  	_ = 	snop  }
__scs_overlays_trampoline_lowered:
0x8: {  	[smem:$0x3F97] =	sst s0  }
0x9: {  	[smem:$0x3F98] =	sst s1  }
0xa: {  	[smem:$0x3F99] =	sst s2  }
0xb: {  	[smem:$0x3F9A] =	sst s3  }
0xc: {  	[smem:$0x3F9B] =	sst s4  }
0xd: {  	[smem:$0x3F9C] =	sst s5  }
0xe: {  	[smem:$0x3F9D] =	sst s6  }
0xf: {  	[smem:$0x3F9E] =	sst s7  }
0x10: {  	[smem:$0x3F9F] =	sst s8  }
0x11: {  	[smem:$0x3FA0] =	sst s9;
	s0 =	simm.s32 @!p0 $0x0  }
0x12: {  	s1 =	sld [smem:$0x3F86];
	s0 =	simm.s32 @p0 $0x1  }
0x13: {  	[smem:$0x3FA1] =	sst s0;
	s0 =	simm.s32 @!p1 $0x0  }
0x14: {  	s2 =	sld [smem:$0x3F85];
	s0 =	simm.s32 @p1 $0x1  }
0x15: {  	[smem:$0x3FA2] =	sst s0;
	s0 =	simm.s32 @!p2 $0x0  }
0x16: {  	s3 =	sld [smem:$0x3FDB];
	s0 =	simm.s32 @p2 $0x1  }
0x17: {  	s4 =	simm.s32 $0x1BF5;
	[smem:$0x3FA4] =	sst s0  }
0x18: {  	s0 =	sld [smem:$0x3F87];
	_ =	swait.ge [sflag:s4], $0x0  }
0x19: {  	s7 =	sld [smem:$0x3F88]  }
0x1a: {  	s8 =	sadd.s32 $0xFFFFE003, lr  }
0x1b: {  	s9 =	sadd.s32 $0xFFFFFEF7, lr;
	s5 =	simm.s32 $0xFFFFFFFF;
	p2 =	slt.u32 s8, $0xFFFFF086  }
0x1c: {  	p1 =	slt.u32 s9, $0xF7A;
	s5 =	simm.s32 @!p2 $0x0  }
0x1d: {  	s5 =	simm.s32 @p1 $0x1;
	p0 =	seq.s32 s7, s2  }
0x1e: {  	s7 =	smul.u32 @!p0 $0xF7A, s2;
	p2 =	seq.s32 @!p0 s5, $0x0  }
0x1f: {  	s9 =	smul.u32 $0xF7A, s1;
	s8 =	simm.s32 @!p0 $0x1BF5;
	p2 =	por !p2, p0  }
0x20: {  	[sflag:s8] =	ssyncset.s32 @!p0 $0xFFFFF086;
	s6 =	sadd.s32 @!p0 s3, s7;
	s7 =	simm.s32 @!p0 $0x108  }
0x21: {  	s3 =	sadd.s32 s3, s9;
	s6 =	sadd.s32 @!p0 $0x88, s6;
	s7 =	simm.s32 @p2 $0x1082  }
0x22: {  	[simem:s7], [sflag:s8] =	dma.local @!p0 [hbm:s6], $0xF7A  }
0x23: {  	s9 =	sor.u32 $0xD0000000, s2;
	s6 =	simm.s32 $0x108;
	_ =	swait.ge @!p0 [sflag:s8], $0x0  }
0x24: {  	s3 =	sadd.s32 $0x88, s3;
	s6 =	simm.s32 @!p1 $0x1082;
	[sflag:s4] =	ssyncset.s32 $0xFFFFF086  }
0x25: {  	[simem:s6], [sflag:s4] =	dma.local [hbm:s3], $0xF7A  }
0x26: {  	[smem:$0x3F88] =	sst s1;
	(tag) =	ssettag s2;
	_ =	strace s9  }
0x27: {  	s1 =	sld [smem:$0x3F98]  }
0x28: {  	s2 =	sld [smem:$0x3F99]  }
0x29: {  	s4 =	sld [smem:$0x3F9B]  }
0x2a: {  	p0 =	seq.s32 s5, $0x0;
	s5 =	sld [smem:$0x3F9C]  }
0x2b: {  	s6 =	sld [smem:$0x3F9D]  }
0x2c: {  	s7 =	sld [smem:$0x3F9E]  }
0x2d: {  	s3 =	simm.s32 $0x108;
	s8 =	sld [smem:$0x3F9F]  }
0x2e: {  	s3 =	simm.s32 @!p0 $0x1082;
	s9 =	sld [smem:$0x3FA0]  }
0x2f: {  	lr =	sadd.s32 s0, s3;
	s0 =	sld [smem:$0x3F97]  }
0x30: {  	s3 =	sld [smem:$0x3F9A]  }
0x31: {  	[smem:$0x3FA3] =	sst s10  }
0x32: {  	s10 =	sld [smem:$0x3FA1];
	_ =	sdelay $0x3  }
0x33: {  	p0 =	seq.s32 s10, $0x1;
	s10 =	sld [smem:$0x3FA3];
	_ =	sdelay $0x3  }
0x34: {  	[smem:$0x3FA3] =	sst s10  }
0x35: {  	s10 =	sld [smem:$0x3FA2];
	_ =	sdelay $0x3  }
0x36: {  	p1 =	seq.s32 s10, $0x1;
	s10 =	sld [smem:$0x3FA3];
	_ =	sdelay $0x3  }
0x37: {  	[smem:$0x3FA3] =	sst s10  }
0x38: {  	s10 =	sld [smem:$0x3FA4]  }
0x39: {  	_ = 	snop;
	(pc) =	sbr.ind lr, $3  }
0x3a: {  	_ = 	snop  }
0x3b: {  	_ = 	snop  }
0x3c: {  	p2 =	seq.s32 s10, $0x1;
	s10 =	sld [smem:$0x3FA3]  }
0x3d: {  	_ =	shalt  }
0x3e: {  	_ =	shalt  }
0x3f: {  	_ =	shalt  }
0x40: {  	_ =	shalt  }
0x41: {  	_ =	shalt  }
0x42: {  	_ =	shalt  }
0x43: {  	_ =	shalt  }
0x44: {  	_ =	shalt  }
0x45: {  	_ =	shalt  }
0x46: {  	_ =	shalt  }
0x47: {  	_ =	shalt  }
0x48: {  	_ =	shalt  }
0x49: {  	_ =	shalt  }
0x4a: {  	_ =	shalt  }
0x4b: {  	_ =	shalt  }
0x4c: {  	_ =	shalt  }
0x4d: {  	_ =	shalt  }
0x4e: {  	_ =	shalt  }
0x4f: {  	_ =	shalt  }
0x50: {  	_ =	shalt  }
0x51: {  	_ =	shalt  }
0x52: {  	_ =	shalt  }
0x53: {  	_ =	shalt  }
0x54: {  	_ =	shalt  }
0x55: {  	_ =	shalt  }
0x56: {  	_ =	shalt  }
0x57: {  	_ =	shalt  }
0x58: {  	_ =	shalt  }
0x59: {  	_ =	shalt  }
0x5a: {  	_ =	shalt  }
0x5b: {  	_ =	shalt  }
0x5c: {  	_ =	shalt  }
0x5d: {  	_ =	shalt  }
0x5e: {  	_ =	shalt  }
0x5f: {  	_ =	shalt  }
0x60: {  	_ =	shalt  }
0x61: {  	_ =	shalt  }
0x62: {  	_ =	shalt  }
0x63: {  	_ =	shalt  }
0x64: {  	_ =	shalt  }
0x65: {  	_ =	shalt  }
0x66: {  	_ =	shalt  }
0x67: {  	_ =	shalt  }
0x68: {  	_ =	shalt  }
0x69: {  	_ =	shalt  }
0x6a: {  	_ =	shalt  }
0x6b: {  	_ =	shalt  }
0x6c: {  	_ =	shalt  }
0x6d: {  	_ =	shalt  }
0x6e: {  	_ =	shalt  }
0x6f: {  	_ =	shalt  }
0x70: {  	_ =	shalt  }
0x71: {  	_ =	shalt  }
0x72: {  	_ =	shalt  }
0x73: {  	_ =	shalt  }
0x74: {  	_ =	shalt  }
0x75: {  	_ =	shalt  }
0x76: {  	_ =	shalt  }
0x77: {  	_ =	shalt  }
0x78: {  	_ =	shalt  }
0x79: {  	_ =	shalt  }
0x7a: {  	_ =	shalt  }
0x7b: {  	_ =	shalt  }
0x7c: {  	_ =	shalt  }
0x7d: {  	_ =	shalt  }
0x7e: {  	_ =	shalt  }
0x7f: {  	_ =	shalt  }
0x80: {  	_ =	shalt  }
0x81: {  	_ =	shalt  }
0x82: {  	_ =	shalt  }
0x83: {  	_ =	shalt  }
0x84: {  	_ =	shalt  }
0x85: {  	_ =	shalt  }
0x86: {  	_ =	shalt  }
0x87: {  	_ =	shalt  }
.Lfunc_end0:
.L_simem_size_0:
called_computation.2_lowered:
.L_overlay_start_0:
0x88: {  	s2 =	sld [smem:$0x3FD9]  }
0x89: {  	s3 =	sld [smem:$0x3FFE];
	_ =	sdelay $0x1  }
0x8a: {  	s1 =	srdreg.scid  }
0x8b: {  	s0 =	sand.u32 $0x1, s1  }
0x8c: {  	s17 =	sshll.u32 s0, $0xA;
	s2 =	sadd.s32 s3, s2  }
0x8d: {  	s2 =	sadd.s32 s2, s17  }
0x8e: {  	[smem:$0x3FAF] =	sst s2  }
0x8f: {  	_ = 	snop  }
0x90: {  	s2 =	sld [smem:$0x3FD0];
	(tm) =	ssettm $0x1  }
0x91: {  	s18 =	sld [smem:$0x3FFB];
	_ =	sdelay $0x3  }
0x92: {  	_ =	strace s18  }
0x93: {  	s3 =	sld [smem:$0x3FFC];
	_ =	sdelay $0x3  }
0x94: {  	_ =	strace s3  }
0x95: {  	s3 =	sld [smem:$0x3FFD];
	_ =	sdelay $0x3  }
0x96: {  	_ =	strace s3  }
0x97: {  	_ =	strace $0x8FFFFFFF  }
0x98: {  	s19 =	sld [smem:$0x3FDB];
	_ =	sdelay $0x1  }
0x99: {  	s4 =	simm.s32 $_scs_section_size  }
0x9a: {  	s5 =	simm.s32 $_size__tile_overlayer_lowered;
	s6 =	simm.s32 $_tile_overlayer_lowered  }
0x9b: {  	s22 =	simm.s32 $0x1BFF;
	s21 =	sshll.u32 s6, $0x1;
	s3 =	sadd.s32 s4, s19  }
0x9c: {  	s7 =	simm.s32 $0x0;
	s20 =	sshll.u32 s5, $0x1;
	s5 =	sadd.s32 s21, s3  }
0x9d: {  	[timem:s7], [sflag:s22] =	dma.local [hbm:s5], s20  }
0x9e: {  	_ =	swait.ge [sflag:s22], s20  }
0x9f: {  	s4 =	ssub.s32 $0x0, s20;
	[sflag:s22] =	ssyncset.done $0x0  }
0xa0: {  	[sflag:s22] =	ssyncadd.s32 s4;
	_ =	sdelay $0x1  }
0xa1: {  	s23 =	simm.s32 $0x1B8B  }
0xa2: {  	_ =	swait.ge [sflag:s23], $0x1  }
0xa3: {  	[sflag:s23] =	ssyncset.done $0x0  }
0xa4: {  	s25 =	simm.s32 $0x1B8E;
	s24 =	sld [smem:$0x3FFE];
	[sflag:s23] =	ssyncadd.s32 $0xFFFFFFFF  }
0xa5: {  	s26 =	simm.s32 $execute0_lowered;
	[smem:$0x3FD2] =	sst s25  }
0xa6: {  	s5 =	sshll.u32 s26, $0x1;
	_ =	strace $0x8000004C;
	[dreg:$0x1] =	wrdreg $0xFFFFFFFF  }
0xa7: {  	s28 =	simm.s32 $_size_execute0_lowered;
	s3 =	sadd.s32 s3, s5;
	[dreg:$0x0] =	wrdreg $0x0  }
0xa8: {  	s5 =	sshll.u32 s28, $0x1;
	[dreg:$0x2] =	wrdreg s3  }
0xa9: {  	[dreg:$0x3] =	wrdreg s5  }
0xaa: {  	[dreg:$0x4] =	wrdreg $0xC0  }
0xab: {  	_ =	task [dreg:s7], $0x5FFFF  }
0xac: {  	[dreg:$0x1] =	wrdreg $0xFFFFFFFF  }
0xad: {  	[dreg:$0x0] =	wrdreg $0x60  }
0xae: {  	[dreg:$0x2] =	wrdreg s24  }
0xaf: {  	[dreg:$0x3] =	wrdreg s2  }
0xb0: {  	[dreg:$0x4] =	wrdreg $0x9  }
0xb1: {  	_ =	task.clear_ibuf [dreg:s7], $0x5FFFF;
	_ =	strace $0x9000004C  }
0xb2: {  	s29 =	simm.s32 $0x9;
	_ =	strace $0x8000004E  }
0xb3: {  	_ =	swait.ge [sflag:s29], $0x1  }
0xb4: {  	[sflag:s29] =	ssyncadd.s32 $0xFFFFFFFF  }
0xb5: {  	_ =	strace $0x9000004E  }
0xb6: {  	_ =	sfence  }
0xb7: {  	s30 =	sld [smem:$0x0];
	_ =	sdelay $0x2  }
0xb8: {  	s31 =	sshll.u32 s1, $0xD;
	s1 =	sshrl.u32 s1, $0x2  }
0xb9: {  	s3 =	sand.u32 $0x4000, s31;
	s1 =	sadd.s32 s1, s30  }
0xba: {  	s0 =	sor.u32 s3, s0;
	s1 =	sshll.u32 s1, $0x11  }
0xbb: {  	s0 =	sor.u32 s1, s0  }
0xbc: {  	s0 =	sadd.s32 $0x8F2B, s0  }
0xbd: {  	[sflag:s0] =	ssyncadd.remote.s32 $0x1  }
0xbe: {  	_ =	sfence.sel $0xFFFF  }
0xbf: {  	[dreg:$0x0] =	wrdreg $0xFFFFFFFF;
	(pc) =	sbr.abs _section_cstart, $3  }
0xc0: {  	[dreg:$0x1] =	wrdreg $0xFFFFFFFF  }
0xc1: {  	_ =	task.clear_ibuf [dreg:s7], $0x2FFFF;
	_ =	strace $0x9FFFFFFF  }
0xc2: {  	(tm) =	ssettm $0x7FFFFFFF  }
0xc3: {  	_ =	shalt  }
tec
execute0_lowered:
.L_overlay_start_1:
0x0: {  	(tag) =	ssettag $0x1  }
0x1: {  	s3 =	rddreg [dreg:$0x0]  }
0x2: {  	s6 =	rddreg [dreg:$0x1]  }
0x3: {  	s0 =	rddreg [dreg:$0x2];
	s1 =	stileid.u32  }
0x4: {  	s2 =	simm.s32 $0x0;
	s5 =	srdreg.scid;
	s4 =	smul.u32 $0x28000, s1  }
0x5: {  	[smem:$0x7FF] =	sst s2;
	s5 =	sand.u32 $0x1, s5;
	s7 =	smul.u32 $0x5000, s1  }
0x6: {  	_ =	strace $0x8000004D;
	s8 =	ssub.s32 $0x2, s5;
	s9 =	smul.u32 $0x2800, s5  }
0x7: {  	s5 =	smul.u32 $0x14000, s5;
	s10 =	sadd.s32 s4, s3;
	s31 =	sshrl.u32 s8, $0x1  }
0x8: {  	s3 =	sadd.s32 $0x80000, s3;
	s4 =	ssub.s32 s8, s31;
	s7 =	sadd.s32 s9, s7  }
0x9: {  	s5 =	sadd.s32 s5, s10;
	s8 =	simm.s32 $0x400;
	s9 =	simm.s32 $0x1  }
0xa: {  	s10 =	simm.s32 $0x0;
	s4 =	smax.u32 s4, $0x1;
	s7 =	sshrl.u32 s7, $0x3  }
0xb: {  	s5 =	sadd.s32 $0xA0000, s5;
	s6 =	sadd.s32 s7, s6;
	s7 =	simm.s32 $0x2  }
.LBB2_1:
0xc: {  	s11 =	sadd.s32 $0x0, s6  }
0xd: {  	[tilespmem:s2], [sflag:$0x2] =	stream.linear.gather [hbm4b:s11+s2], $0x400, $0x38;
	[tilespmem:$0x10400] =	vst v63  }
0xe: {  	_ =	swait.ge [sflag:s7], $0x400  }
0xf: {  	[sflag:s7] =	ssyncset.done $0x0  }
0x10: {  	[sflag:s7] =	ssyncadd.s32 $0xFFFFFC00  }
0x11: {  	[tilespmem:s8], [sflag:$0x1] =	stream.indirect.gather [hbm4b:s3+s8], $0x40, s2, s8, $0xb8;
	[tilespmem:$0x10400] =	vst v63  }
0x12: {  	_ =	swait.ge [sflag:s9], $0x10000  }
0x13: {  	[sflag:s9] =	ssyncset.done $0x0  }
0x14: {  	[sflag:s9] =	ssyncadd.s32 $0xFFFF0000  }
0x15: {  	[hbm4b:s5+s2] =	stream.linear.scatter [tilespmem:s8], [sflag:$0x2], $0x10000, $0x38;
	[tilespmem:$0x10400] =	vst v63  }
0x16: {  	s12 =	simm.s32 $0x80;
	_ =	swait.ge [sflag:s7], $0x10000  }
0x17: {  	s13 =	simm.s32 $0x100;
	s11 =	sadd.s32 $0x2000, s5;
	[sflag:s7] =	ssyncset.done $0x0  }
.LBB2_2:
0x18: {  	s14 =	sadd.s32 s12, s6  }
0x19: {  	[sflag:s7] =	ssyncadd.s32 $0xFFFF0000;
	s12 =	smov.u32 s13;
	s15 =	sadd.s32 $0x80, s13  }
0x1a: {  	[tilespmem:s2], [sflag:$0x2] =	stream.linear.gather [hbm4b:s14+s2], $0x400, $0x38;
	[tilespmem:$0x10400] =	vst v63  }
0x1b: {  	p0 =	sne.s32 s13, $0x480;
	_ =	swait.ge [sflag:s7], $0x400  }
0x1c: {  	[sflag:s7] =	ssyncset.done $0x0  }
0x1d: {  	[sflag:s7] =	ssyncadd.s32 $0xFFFFFC00  }
0x1e: {  	[tilespmem:s8], [sflag:$0x1] =	stream.indirect.gather [hbm4b:s3+s8], $0x40, s2, s8, $0xb8;
	[tilespmem:$0x10400] =	vst v63  }
0x1f: {  	_ =	swait.ge [sflag:s9], $0x10000  }
.Ltmp0:
0x20: {  	[sflag:s9] =	ssyncset.done $0x0;
	(pc) =	sbr.rel @p0 .LBB2_2-.Ltmp0, $4  }
0x21: {  	[sflag:s9] =	ssyncadd.s32 $0xFFFF0000  }
0x22: {  	[hbm4b:s11+s2] =	stream.linear.scatter [tilespmem:s8], [sflag:$0x2], $0x10000, $0x38;
	[tilespmem:$0x10400] =	vst v63  }
0x23: {  	_ =	swait.ge [sflag:s7], $0x10000  }
0x24: {  	s13 =	smov.u32 s15;
	s11 =	sadd.s32 $0x2000, s11;
	[sflag:s7] =	ssyncset.done $0x0  }
0x25: {  	s12 =	sadd.s32 s12, s6;
	[sflag:s7] =	ssyncadd.s32 $0xFFFF0000  }
0x26: {  	[tilespmem:s2], [sflag:$0x2] =	stream.linear.gather [hbm4b:s12+s2], $0x400, $0x38;
	[tilespmem:$0x10400] =	vst v63  }
0x27: {  	_ =	swait.ge [sflag:s7], $0x400  }
0x28: {  	[sflag:s7] =	ssyncset.done $0x0  }
0x29: {  	[sflag:s7] =	ssyncadd.s32 $0xFFFFFC00  }
0x2a: {  	[tilespmem:s8], [sflag:$0x1] =	stream.indirect.gather [hbm4b:s3+s8], $0x40, s2, s8, $0xb8;
	[tilespmem:$0x10400] =	vst v63  }
0x2b: {  	s10 =	sadd.s32 $0x1, s10;
	_ =	swait.ge [sflag:s9], $0x10000  }
0x2c: {  	p0 =	sne.s32 s10, s4;
	[sflag:s9] =	ssyncset.done $0x0  }
.Ltmp1:
0x2d: {  	[sflag:s9] =	ssyncadd.s32 $0xFFFF0000;
	(pc) =	sbr.rel @p0 .LBB2_1-.Ltmp1, $4  }
0x2e: {  	[hbm4b:s11+s2] =	stream.linear.scatter [tilespmem:s8], [sflag:$0x2], $0x10000, $0x38;
	[tilespmem:$0x10400] =	vst v63  }
0x2f: {  	_ =	swait.ge [sflag:s7], $0x10000  }
0x30: {  	[sflag:s7] =	ssyncset.done $0x0  }
0x31: {  	[sflag:s7] =	ssyncadd.s32 $0xFFFF0000  }
0x32: {  	_ =	sfence.sel $0x180000  }
0x33: {  	[bflag:$0x0] =	sbarrier.arrive $0xFFFF  }
0x34: {  	p0 =	sne.s32 s1, $0x0;
	_ =	strace $0x9000004D  }
0x35: {  	s0 =	sadd.s32 @!p0 $0x100000, s0;
	[bflag:$0x2] =	sbarrier.arrive $0xFFFF  }
0x36: {  	[sflag:s0] =	ssyncadd.tile.s32 @!p0 $0x1;
	_ =	shalt  }
.Lfunc_end2:
_tile_overlayer_lowered:
.L_overlay_start_2:
0x37: {  	(tag) =	ssettag $0x2  }
0x38: {  	s0 =	rddreg [dreg:$0x0];
	s2 =	stileid.u32  }
0x39: {  	s1 =	rddreg [dreg:$0x1];
	p0 =	sne.s32 s2, $0x0  }
0x3a: {  	s3 =	rddreg [dreg:$0x2];
	[bflag:$0x3] =	sbarrier.arrive $0xFFFF;
	s2 =	simm.s32 @!p0 $0x1C02  }
0x3b: {  	[timem:s3], [sflag:s2] =	dma.local @!p0 [hbm:s0], s1  }
0x3c: {  	s0 =	simm.s32 @!p0 $0x2  }
0x3d: {  	_ =	swait.ge @!p0 [sflag:s0], s1  }
0x3e: {  	s1 =	ssub.s32 @!p0 $0x0, s1;
	[sflag:s0] =	ssyncset.done @!p0 $0x0  }
0x3f: {  	[sflag:s0] =	ssyncadd.s32 @!p0 s1  }
0x40: {  	[bflag:$0x3] =	sbarrier.arrive $0xFFFF  }
0x41: {  	_ =	shalt  }

</sc_bundles>
